<compile_context>
chip_gen: v7x
topology: tpu7x:2x2x1
jax: 0.10.2.dev20260603
libtpu: 0.0.44.dev20260713+nightly
codegen_flags: <defaults>
</compile_context>

<pallas_src>
import functools
import jax
import jax.numpy as jnp
from jax import lax
from jax.experimental import pallas as pl
from jax.experimental.pallas import tpu as pltpu
from jax.experimental.pallas import tpu_sc as plsc

V = 10000
H = 200
HP = 208
T = 10
K = 64
B = 1024
NC, NS = 2, 16
NW = NC * NS
PAIRS = B * T
CH = 32
NCHUNK = PAIRS // CH
CPW = NCHUNK // NW
RPW = B // NW
NV = HP // 16

VB = 1024
VP = 10240


def _sc_gather():
    mesh = plsc.VectorSubcoreMesh(core_axis_name="c", subcore_axis_name="s")
    out_type = (
        jax.ShapeDtypeStruct((PAIRS, HP), jnp.float32),
        jax.ShapeDtypeStruct((B, HP), jnp.float32),
        jax.ShapeDtypeStruct((B, HP), jnp.float32),
    )
    scratch = [
        pltpu.VMEM((CH,), jnp.int32),
        pltpu.VMEM((CH, K), jnp.int32),
        pltpu.VMEM((2, K, HP), jnp.float32),
        pltpu.VMEM((CH, HP), jnp.float32),
        pltpu.VMEM((RPW,), jnp.int32),
        pltpu.VMEM((RPW, HP), jnp.float32),
        pltpu.SemaphoreType.DMA,
    ]

    @functools.partial(
        pl.kernel, mesh=mesh, out_type=out_type, scratch_types=scratch,
        compiler_params=pltpu.CompilerParams(use_tc_tiling_on_sc=False))
    def k(he, rowmap, e_i, r_i, ent_t, rel_t, neigh, e_o, r_o,
          idxm, idxv, rows, obuf, idx32, grows, sem):
        wid = lax.axis_index("s") * NC + lax.axis_index("c")

        def one_side(he, out):
            def chunk_body(j, _):
                base = (wid + NW * j) * CH
                pltpu.sync_copy(rowmap.at[pl.ds(base, CH)], idxm)
                pltpu.async_copy(he.at[idxm], idxv, sem).wait()
                pltpu.async_copy(ent_t.at[idxv.at[0]], rows.at[0], sem)

                def pair_body(i, _):
                    par = lax.rem(i, 2)

                    @pl.when(i + 1 < CH)
                    def _pre():
                        pltpu.async_copy(ent_t.at[idxv.at[i + 1]],
                                         rows.at[lax.rem(i + 1, 2)], sem)

                    pltpu.make_async_copy(ent_t.at[idxv.at[i]],
                                          rows.at[par], sem).wait()

                    def acc_body(j2, acc):
                        return tuple(
                            acc[v]
                            + ((rows[par, 4 * j2, pl.ds(v * 16, 16)]
                                + rows[par, 4 * j2 + 1, pl.ds(v * 16, 16)])
                               + (rows[par, 4 * j2 + 2, pl.ds(v * 16, 16)]
                                  + rows[par, 4 * j2 + 3, pl.ds(v * 16, 16)]))
                            for v in range(NV))

                    acc0 = tuple(jnp.zeros((16,), jnp.float32)
                                 for _ in range(NV))
                    acc = lax.fori_loop(0, K // 4, acc_body, acc0)
                    for v in range(NV):
                        obuf[i, pl.ds(v * 16, 16)] = acc[v] * (1.0 / K)
                    return 0

                lax.fori_loop(0, CH, pair_body, 0)
                pltpu.sync_copy(obuf, out.at[pl.ds(base, CH)])
                return 0

            lax.fori_loop(0, CPW, chunk_body, 0)

        def small_gather(src_idx, tab, out):
            base = wid * RPW
            pltpu.sync_copy(src_idx.at[pl.ds(base, RPW)], idx32)
            pltpu.async_copy(tab.at[idx32], grows, sem).wait()
            pltpu.sync_copy(grows, out.at[pl.ds(base, RPW)])

        one_side(he, neigh)
        small_gather(e_i, ent_t, e_o)
        small_gather(r_i, rel_t, r_o)

    return k


_sc_kernel = _sc_gather()


def _gru_body(neigh_ref, e_ref, r_ref, lens_ref, wet_ref, wnt_ref, wrt_ref,
              whh_ref, bih_ref, bhh_ref, out_ref):
    f32 = jnp.float32
    e = e_ref[...]
    r = r_ref[...]
    ge = (jnp.dot(e, wet_ref[...], preferred_element_type=f32)
          + jnp.dot(r, wrt_ref[...], preferred_element_type=f32)
          + bih_ref[...])
    lens = lens_ref[...]

    def step(t, h):
        nt = neigh_ref[t]
        gi = ge + jnp.dot(nt, wnt_ref[...], preferred_element_type=f32)
        gh = jnp.dot(h, whh_ref[...], preferred_element_type=f32) + bhh_ref[...]
        i_r, i_z, i_n = gi[:, :H], gi[:, H:2 * H], gi[:, 2 * H:]
        h_r, h_z, h_n = gh[:, :H], gh[:, H:2 * H], gh[:, 2 * H:]
        rg = jax.nn.sigmoid(i_r + h_r)
        z = jax.nn.sigmoid(i_z + h_z)
        n = jnp.tanh(i_n + rg * h_n)
        h_new = (1.0 - z) * n + z * h
        return jnp.where(lens > t, h_new, h)

    out_ref[...] = lax.fori_loop(0, T, step, jnp.zeros((B, H), f32))


_gru_call = pl.pallas_call(
    _gru_body,
    out_shape=jax.ShapeDtypeStruct((B, H), jnp.float32),
)


def _proj_body(x_ref, w_ref, lab_ref, pred_ref, loss_ref, m_ref, s_ref, g_ref):
    v = pl.program_id(0)
    f32 = jnp.float32

    @pl.when(v == 0)
    def _init():
        m_ref[...] = jnp.full((B, 1), -1e30, f32)
        s_ref[...] = jnp.zeros((B, 1), f32)
        g_ref[...] = jnp.zeros((B, 1), f32)

    logits = jnp.dot(x_ref[...], w_ref[...], preferred_element_type=f32)
    pred_ref[...] = logits

    bm = jnp.max(logits, axis=1, keepdims=True)
    m_old = m_ref[...]
    m_new = jnp.maximum(m_old, bm)
    s_ref[...] = (s_ref[...] * jnp.exp(m_old - m_new)
                  + jnp.sum(jnp.exp(logits - m_new), axis=1, keepdims=True))
    m_ref[...] = m_new

    cols = lax.broadcasted_iota(jnp.int32, (B, VB), 1) + v * VB
    match = cols == lab_ref[...]
    g_ref[...] = g_ref[...] + jnp.sum(jnp.where(match, logits, 0.0),
                                      axis=1, keepdims=True)

    @pl.when(v == pl.num_programs(0) - 1)
    def _fin():
        lse = m_ref[...] + jnp.log(s_ref[...])
        loss_ref[...] = (jnp.sum(lse - g_ref[...]) * (1.0 / B)).reshape(1, 1)


_proj_call = pl.pallas_call(
    _proj_body,
    grid=(VP // VB,),
    in_specs=[
        pl.BlockSpec((B, 608), lambda v: (0, 0)),
        pl.BlockSpec((608, VB), lambda v: (0, v)),
        pl.BlockSpec((B, 1), lambda v: (0, 0)),
    ],
    out_specs=[
        pl.BlockSpec((B, VB), lambda v: (0, v)),
        pl.BlockSpec((1, 1), lambda v: (0, 0)),
    ],
    out_shape=[
        jax.ShapeDtypeStruct((B, VP), jnp.float32),
        jax.ShapeDtypeStruct((1, 1), jnp.float32),
    ],
    scratch_shapes=[
        pltpu.VMEM((B, 1), jnp.float32),
        pltpu.VMEM((B, 1), jnp.float32),
        pltpu.VMEM((B, 1), jnp.float32),
    ],
)


def _prep_gru_weights(Wih, Whh, bih, bhh):
    z8 = jnp.zeros((8, 3 * H), jnp.float32)
    wet = jnp.concatenate([Wih[:, 0:H].T, z8], axis=0)
    wnt = jnp.concatenate([Wih[:, H:2 * H].T, z8], axis=0)
    wrt = jnp.concatenate([Wih[:, 2 * H:].T, z8], axis=0)
    whh = Whh.T
    return wet, wnt, wrt, whh, bih[None, :], bhh[None, :]


def _prep_proj_weights(Wlin, blin):
    wt = jnp.concatenate(
        [Wlin.T, jnp.zeros((600, VP - V), jnp.float32)], axis=1)
    brow = jnp.concatenate(
        [blin, jnp.full((VP - V,), -1e30, jnp.float32)])[None, :]
    zp = jnp.zeros((7, VP), jnp.float32)
    return jnp.concatenate([wt, brow, zp], axis=0)


def kernel(triplets, s_hist_ent, s_hist_len, o_hist_ent, o_hist_len,
           ent_embeds, rel_embeds, Wih_s, Whh_s, bih_s, bhh_s,
           Wih_o, Whh_o, bih_o, bhh_o, W_sub, b_sub, W_ob, b_ob):
    f32 = jnp.float32
    s_idx = jnp.argsort(-s_hist_len)
    o_idx = jnp.argsort(-o_hist_len)

    s = triplets[:, 0]
    r = triplets[:, 1]
    o = triplets[:, 2]

    he_s = s_hist_ent.reshape(PAIRS, K)
    he_o = o_hist_ent.reshape(PAIRS, K)
    p = jnp.arange(PAIRS, dtype=jnp.int32)
    rowmap_s = s_idx.astype(jnp.int32)[p % B] * T + p // B
    rowmap_o = o_idx.astype(jnp.int32)[p % B] * T + p // B
    lens_s = s_hist_len[s_idx].astype(jnp.int32)[:, None]
    lens_o = o_hist_len[o_idx].astype(jnp.int32)[:, None]
    ents_s, rels_s, targ_s = s[s_idx], r[s_idx], o[s_idx]
    ents_o, rels_o, targ_o = o[o_idx], r[o_idx], s[o_idx]

    zpad = jnp.zeros((V, HP - H), f32)
    ent_t = jnp.concatenate([ent_embeds, zpad], axis=1)
    rel_t = jnp.concatenate([rel_embeds, zpad], axis=1)

    neigh_s, e_s, r_s = _sc_kernel(
        he_s.astype(jnp.int32), rowmap_s, ents_s.astype(jnp.int32),
        rels_s.astype(jnp.int32), ent_t, rel_t)
    neigh_o, e_o, r_o = _sc_kernel(
        he_o.astype(jnp.int32), rowmap_o, ents_o.astype(jnp.int32),
        rels_o.astype(jnp.int32), ent_t, rel_t)

    neigh_s = neigh_s.reshape(T, B, HP)
    neigh_o = neigh_o.reshape(T, B, HP)

    h_s = _gru_call(neigh_s, e_s, r_s, lens_s,
                    *_prep_gru_weights(Wih_s, Whh_s, bih_s, bhh_s))
    h_o = _gru_call(neigh_o, e_o, r_o, lens_o,
                    *_prep_gru_weights(Wih_o, Whh_o, bih_o, bhh_o))

    ones = jnp.ones((B, 1), f32)
    z7 = jnp.zeros((B, 7), f32)
    x_s = jnp.concatenate([e_s[:, :H], h_s, r_s[:, :H], ones, z7], axis=1)
    x_o = jnp.concatenate([e_o[:, :H], h_o, r_o[:, :H], ones, z7], axis=1)

    ob_pred_p, loss_s = _proj_call(x_s, _prep_proj_weights(W_sub, b_sub),
                                   targ_s.astype(jnp.int32)[:, None])
    sub_pred_p, loss_o = _proj_call(x_o, _prep_proj_weights(W_ob, b_ob),
                                    targ_o.astype(jnp.int32)[:, None])

    loss = loss_s[0, 0] + loss_o[0, 0]
    return (loss, sub_pred_p[:, :V], ob_pred_p[:, :V], o_idx, s_idx)

# --- scband reference (transcript-rebuilt; emitter-appended) ---
"""Pipeline reference for scband-renet-4398046511634 (READ-ONLY COPY).

The authoritative reference and input builder live on the scoring server;
editing this copy changes nothing except your own understanding.
"""

import jax, jax.numpy as jnp
import numpy as np

IN_DIM = 10000
NUM_RELS = 10000
H = 200
T = 10
K = 64
B = 1024


def setup_inputs(seed: int = 0):
    key = jax.random.key(seed)
    ks = jax.random.split(key, 24)
    def p(k, shape, s=0.1):
        return jax.random.normal(k, shape, dtype=jnp.float32) * s
    inp = dict(
        triplets=jax.random.randint(ks[0], (B, 3), 0, IN_DIM),
        s_hist_ent=jax.random.randint(ks[1], (B, T, K), 0, IN_DIM),
        s_hist_len=jax.random.randint(ks[2], (B,), 0, T + 1),
        o_hist_ent=jax.random.randint(ks[3], (B, T, K), 0, IN_DIM),
        o_hist_len=jax.random.randint(ks[4], (B,), 0, T + 1),
        ent_embeds=p(ks[5], (IN_DIM, H)),
        rel_embeds=p(ks[6], (NUM_RELS, H)),
        Wih_s=p(ks[7], (3 * H, 3 * H)), Whh_s=p(ks[8], (3 * H, H)),
        bih_s=p(ks[9], (3 * H,)), bhh_s=p(ks[10], (3 * H,)),
        Wih_o=p(ks[11], (3 * H, 3 * H)), Whh_o=p(ks[12], (3 * H, H)),
        bih_o=p(ks[13], (3 * H,)), bhh_o=p(ks[14], (3 * H,)),
        W_sub=p(ks[15], (IN_DIM, 3 * H)), b_sub=p(ks[16], (IN_DIM,)),
        W_ob=p(ks[17], (IN_DIM, 3 * H)), b_ob=p(ks[18], (IN_DIM,)),
    )
    return inp


def _gru_last(x_seq, lens, Wih, Whh, bih, bhh):
    Bn = x_seq.shape[0]
    h0 = jnp.zeros((Bn, H), dtype=x_seq.dtype)
    def step(h, t):
        x_t = jax.lax.dynamic_index_in_dim(x_seq, t, axis=1, keepdims=False)
        gi = x_t @ Wih.T + bih
        gh = h @ Whh.T + bhh
        i_r, i_z, i_n = jnp.split(gi, 3, axis=1)
        h_r, h_z, h_n = jnp.split(gh, 3, axis=1)
        r = jax.nn.sigmoid(i_r + h_r)
        z = jax.nn.sigmoid(i_z + h_z)
        n = jnp.tanh(i_n + r * h_n)
        h_new = (1.0 - z) * n + z * h
        mask = (t < lens)[:, None]
        return jnp.where(mask, h_new, h), None
    h, _ = jax.lax.scan(step, h0, jnp.arange(T))
    return h


def _ce(logits, labels):
    lse = jax.nn.logsumexp(logits, axis=1)
    gold = jnp.take_along_axis(logits, labels[:, None], axis=1)[:, 0]
    return jnp.mean(lse - gold)


def _side(ents, rels, targets, hist_ent, hist_len, Wih, Whh, bih, bhh, Wlin, blin, ent_embeds, rel_embeds):
    # sort by history length, descending (mirrors pack_padded_sequence path)
    idx = jnp.argsort(-hist_len)
    ents_s = ents[idx]
    rels_s = rels[idx]
    lens = hist_len[idx]
    he = hist_ent[idx]
    # MeanAggregator: mean of neighbor entity embeddings per history step
    neigh = jnp.take(ent_embeds, he, axis=0).mean(axis=2)  # [B, T, H]
    e = jnp.take(ent_embeds, ents_s, axis=0)
    r = jnp.take(rel_embeds, rels_s, axis=0)
    Bn = e.shape[0]
    inp = jnp.concatenate([
        jnp.broadcast_to(e[:, None, :], (Bn, T, H)),
        neigh,
        jnp.broadcast_to(r[:, None, :], (Bn, T, H)),
    ], axis=2)
    h = _gru_last(inp, lens, Wih, Whh, bih, bhh)  # zero-length rows stay h0=0, matching the torch zero-padding
    pred = jnp.concatenate([e, h, r], axis=1) @ Wlin.T + blin
    loss = _ce(pred, targets[idx])
    return loss, pred, idx


def reference(triplets, s_hist_ent, s_hist_len, o_hist_ent, o_hist_len, ent_embeds, rel_embeds, Wih_s, Whh_s, bih_s, bhh_s, Wih_o, Whh_o, bih_o, bhh_o, W_sub, b_sub, W_ob, b_ob):
    s = triplets[:, 0]
    r = triplets[:, 1]
    o = triplets[:, 2]
    loss_sub, ob_pred, s_idx = _side(s, r, o, s_hist_ent, s_hist_len, Wih_s, Whh_s, bih_s, bhh_s, W_sub, b_sub, ent_embeds, rel_embeds)
    loss_ob, sub_pred, o_idx = _side(o, r, s, o_hist_ent, o_hist_len, Wih_o, Whh_o, bih_o, bhh_o, W_ob, b_ob, ent_embeds, rel_embeds)
    loss = loss_sub + loss_ob
    return (loss, sub_pred, ob_pred, o_idx, s_idx)

if __name__ == "__main__":
    import jax
    _d = setup_inputs()
    print(jax.jit(kernel)(*tuple(_d.values())))

</pallas_src>

<mosaic_0001>
#map = affine_map<(d0, d1) -> (0, 0)>
#map1 = affine_map<(d0, d1) -> (0)>
module attributes {stable_mosaic.version = 14 : i64} {
  func.func @k(%arg0: i32, %arg1: i32, %arg2: memref<10240x64xi32, #tpu.memory_space<hbm>>, %arg3: memref<10240xi32, #tpu.memory_space<hbm>>, %arg4: memref<1024xi32, #tpu.memory_space<hbm>>, %arg5: memref<1024xi32, #tpu.memory_space<hbm>>, %arg6: memref<10000x208xf32, #tpu.memory_space<hbm>>, %arg7: memref<10000x208xf32, #tpu.memory_space<hbm>>, %arg8: memref<10240x208xf32, #tpu.memory_space<hbm>>, %arg9: memref<1024x208xf32, #tpu.memory_space<hbm>>, %arg10: memref<1024x208xf32, #tpu.memory_space<hbm>>, %arg11: memref<32xi32, #tpu.memory_space<vmem>>, %arg12: memref<32x64xi32, #tpu.memory_space<vmem>>, %arg13: memref<2x64x208xf32, #tpu.memory_space<vmem>>, %arg14: memref<32x208xf32, #tpu.memory_space<vmem>>, %arg15: memref<32xi32, #tpu.memory_space<vmem>>, %arg16: memref<32x208xf32, #tpu.memory_space<vmem>>, %arg17: memref<!tpu.dma_semaphore, #tpu.memory_space<semaphore_mem>>) attributes {dimension_semantics = [#tpu.dimension_semantics<core_parallel>, #tpu.dimension_semantics<subcore_parallel>], iteration_bounds = array<i64: 2, 16>, scalar_prefetch = 0 : i64, scratch_operands = 7 : i64, tpu.core_type = #tpu.core_type<sc_vector_subcore>, window_params = [{transform_indices = #map}, {transform_indices = #map1}, {transform_indices = #map1}, {transform_indices = #map1}, {transform_indices = #map}, {transform_indices = #map}, {transform_indices = #map}, {transform_indices = #map}, {transform_indices = #map}]} {
    %mul3A = arith.constant 2 : i32
    %mul3A_0 = arith.muli %arg1, %mul3A : i32
    %add3A = arith.addi %mul3A_0, %arg0 : i32
    %scan3A = arith.constant 0 : i32
    %scan3A_1 = arith.constant 0 : i32
    %scan3A_2 = arith.constant 10 : i32
    %scan3A_3 = arith.addi %scan3A_1, %scan3A_2 : i32
    %scan3A_4 = arith.constant 1 : i32
    %scan3A_5 = scf.for %scan3A_21 = %scan3A_1 to %scan3A_3 step %scan3A_4 iter_args(%scan3A_22 = %scan3A) -> (i32)  : i32 {
      %mul3A_23 = arith.constant 32 : i32
      %mul3A_24 = arith.muli %mul3A_23, %scan3A_21 : i32
      %add3A_25 = arith.addi %add3A, %mul3A_24 : i32
      %mul3A_26 = arith.constant 32 : i32
      %mul3A_27 = arith.muli %add3A_25, %mul3A_26 : i32
      "tpu.region"() ({
        %run_scoped3A = tpu.sem_alloc : memref<!tpu.dma_semaphore, #tpu.memory_space<semaphore_mem>>
        %dma_start3A_54 = tpu.memref_slice %arg3[%mul3A_27] : memref<10240xi32, #tpu.memory_space<hbm>> -> memref<32xi32, #tpu.memory_space<hbm>>
        %dma_start3A_55 = tpu.memref_slice %arg3[%mul3A_27] : memref<10240xi32, #tpu.memory_space<hbm>> -> memref<32xi32, #tpu.memory_space<hbm>>
        tpu.enqueue_dma source(%dma_start3A_55 : memref<32xi32, #tpu.memory_space<hbm>>) target(%arg11 : memref<32xi32, #tpu.memory_space<vmem>>) target_semaphore(%run_scoped3A : memref<!tpu.dma_semaphore, #tpu.memory_space<semaphore_mem>>)
        %dma_wait3A_56 = tpu.memref_slice %arg3[%mul3A_27] : memref<10240xi32, #tpu.memory_space<hbm>> -> memref<32xi32, #tpu.memory_space<hbm>>
        %dma_wait3A_57 = tpu.memref_slice %arg3[%mul3A_27] : memref<10240xi32, #tpu.memory_space<hbm>> -> memref<32xi32, #tpu.memory_space<hbm>>
        tpu.wait_dma2 semaphore(%run_scoped3A : memref<!tpu.dma_semaphore, #tpu.memory_space<semaphore_mem>>) src(%dma_wait3A_57 : memref<32xi32, #tpu.memory_space<hbm>>) dst(%arg11 : memref<32xi32, #tpu.memory_space<vmem>>)
        tpu.yield
      }) : () -> ()
      %dma_start3A_28 = arith.constant 0 : i32
      %dma_start3A_29 = arith.constant 0 : i32
      %dma_start3A_30 = tpu.memref_slice %arg2[%dma_start3A_28, %dma_start3A_29] : memref<10240x64xi32, #tpu.memory_space<hbm>> -> memref<10240x64xi32, #tpu.memory_space<hbm>>
      tpu.enqueue_indirect_dma source(%dma_start3A_30 : memref<10240x64xi32, #tpu.memory_space<hbm>>) target(%arg12 : memref<32x64xi32, #tpu.memory_space<vmem>>) offsets(%arg11 : memref<32xi32, #tpu.memory_space<vmem>>) semaphore(%arg17 : memref<!tpu.dma_semaphore, #tpu.memory_space<semaphore_mem>>)
      %dma_wait3A_31 = arith.constant 0 : i32
      %dma_wait3A_32 = arith.constant 0 : i32
      %dma_wait3A_33 = tpu.memref_slice %arg2[%dma_wait3A_31, %dma_wait3A_32] : memref<10240x64xi32, #tpu.memory_space<hbm>> -> memref<10240x64xi32, #tpu.memory_space<hbm>>
      tpu.wait_indirect_dma semaphore(%arg17 : memref<!tpu.dma_semaphore, #tpu.memory_space<semaphore_mem>>) src(%dma_wait3A_33 : memref<10240x64xi32, #tpu.memory_space<hbm>>) dst(%arg12 : memref<32x64xi32, #tpu.memory_space<vmem>>)
      %dma_start3A_34 = arith.constant 0 : i32
      %dma_start3A_35 = arith.constant 0 : i32
      %dma_start3A_36 = arith.constant 0 : i32
      %dma_start3A_37 = arith.constant 0 : i32
      %dma_start3A_38 = tpu.memref_slice %arg13[%dma_start3A_35, %dma_start3A_36, %dma_start3A_37] : memref<2x64x208xf32, #tpu.memory_space<vmem>> -> memref<1x64x208xf32, #tpu.memory_space<vmem>>
      %dma_start3A_39 = tpu.memref_squeeze %dma_start3A_38 : memref<1x64x208xf32, #tpu.memory_space<vmem>> -> memref<64x208xf32, #tpu.memory_space<vmem>>
      %dma_start3A_40 = arith.constant 0 : i32
      %dma_start3A_41 = tpu.memref_slice %arg12[%dma_start3A_34, %dma_start3A_40] : memref<32x64xi32, #tpu.memory_space<vmem>> -> memref<1x64xi32, #tpu.memory_space<vmem>>
      %dma_start3A_42 = tpu.memref_squeeze %dma_start3A_41 : memref<1x64xi32, #tpu.memory_space<vmem>> -> memref<64xi32, #tpu.memory_space<vmem>>
      %dma_start3A_43 = arith.constant 0 : i32
      %dma_start3A_44 = arith.constant 0 : i32
      %dma_start3A_45 = tpu.memref_slice %arg6[%dma_start3A_43, %dma_start3A_44] : memref<10000x208xf32, #tpu.memory_space<hbm>> -> memref<10000x208xf32, #tpu.memory_space<hbm>>
      tpu.enqueue_indirect_dma source(%dma_start3A_45 : memref<10000x208xf32, #tpu.memory_space<hbm>>) target(%dma_start3A_39 : memref<64x208xf32, #tpu.memory_space<vmem>>) offsets(%dma_start3A_42 : memref<64xi32, #tpu.memory_space<vmem>>) semaphore(%arg17 : memref<!tpu.dma_semaphore, #tpu.memory_space<semaphore_mem>>)
      %scan3A_46 = arith.constant 0 : i32
      %scan3A_47 = arith.constant 0 : i32
      %scan3A_48 = arith.constant 32 : i32
      %scan3A_49 = arith.addi %scan3A_47, %scan3A_48 : i32
      %scan3A_50 = arith.constant 1 : i32
      %scan3A_51 = scf.for %scan3A_54 = %scan3A_47 to %scan3A_49 step %scan3A_50 iter_args(%scan3A_55 = %scan3A_46) -> (i32)  : i32 {
        %rem3A = arith.constant 2 : i32
        %rem3A_56 = arith.remsi %scan3A_54, %rem3A : i32
        %add3A_57 = arith.constant 1 : i32
        %add3A_58 = arith.addi %scan3A_54, %add3A_57 : i32
        %lt3A = arith.constant 32 : i32
        %lt3A_59 = arith.cmpi slt, %add3A_58, %lt3A : i32
        %convert_element_type3A = arith.extui %lt3A_59 : i1 to i32
        %cond3A = arith.constant 0 : i32
        %cond3A_60 = arith.cmpi ne, %convert_element_type3A, %cond3A : i32
        scf.if %cond3A_60 {
          %add3A_206 = arith.constant 1 : i32
          %add3A_207 = arith.addi %scan3A_54, %add3A_206 : i32
          %add3A_208 = arith.constant 1 : i32
          %add3A_209 = arith.addi %scan3A_54, %add3A_208 : i32
          %rem3A_210 = arith.constant 2 : i32
          %rem3A_211 = arith.remsi %add3A_209, %rem3A_210 : i32
          %dma_start3A_212 = arith.constant 0 : i32
          %dma_start3A_213 = arith.constant 0 : i32
          %dma_start3A_214 = tpu.memref_slice %arg13[%rem3A_211, %dma_start3A_212, %dma_start3A_213] : memref<2x64x208xf32, #tpu.memory_space<vmem>> -> memref<1x64x208xf32, #tpu.memory_space<vmem>>
          %dma_start3A_215 = tpu.memref_squeeze %dma_start3A_214 : memref<1x64x208xf32, #tpu.memory_space<vmem>> -> memref<64x208xf32, #tpu.memory_space<vmem>>
          %dma_start3A_216 = arith.constant 0 : i32
          %dma_start3A_217 = tpu.memref_slice %arg12[%add3A_207, %dma_start3A_216] : memref<32x64xi32, #tpu.memory_space<vmem>> -> memref<1x64xi32, #tpu.memory_space<vmem>>
          %dma_start3A_218 = tpu.memref_squeeze %dma_start3A_217 : memref<1x64xi32, #tpu.memory_space<vmem>> -> memref<64xi32, #tpu.memory_space<vmem>>
          %dma_start3A_219 = arith.constant 0 : i32
          %dma_start3A_220 = arith.constant 0 : i32
          %dma_start3A_221 = tpu.memref_slice %arg6[%dma_start3A_219, %dma_start3A_220] : memref<10000x208xf32, #tpu.memory_space<hbm>> -> memref<10000x208xf32, #tpu.memory_space<hbm>>
          tpu.enqueue_indirect_dma source(%dma_start3A_221 : memref<10000x208xf32, #tpu.memory_space<hbm>>) target(%dma_start3A_215 : memref<64x208xf32, #tpu.memory_space<vmem>>) offsets(%dma_start3A_218 : memref<64xi32, #tpu.memory_space<vmem>>) semaphore(%arg17 : memref<!tpu.dma_semaphore, #tpu.memory_space<semaphore_mem>>)
        } else {
        }
        %dma_wait3A_61 = arith.constant 0 : i32
        %dma_wait3A_62 = arith.constant 0 : i32
        %dma_wait3A_63 = tpu.memref_slice %arg13[%rem3A_56, %dma_wait3A_61, %dma_wait3A_62] : memref<2x64x208xf32, #tpu.memory_space<vmem>> -> memref<1x64x208xf32, #tpu.memory_space<vmem>>
        %dma_wait3A_64 = tpu.memref_squeeze %dma_wait3A_63 : memref<1x64x208xf32, #tpu.memory_space<vmem>> -> memref<64x208xf32, #tpu.memory_space<vmem>>
        %dma_wait3A_65 = arith.constant 0 : i32
        %dma_wait3A_66 = tpu.memref_slice %arg12[%scan3A_54, %dma_wait3A_65] : memref<32x64xi32, #tpu.memory_space<vmem>> -> memref<1x64xi32, #tpu.memory_space<vmem>>
        %dma_wait3A_67 = tpu.memref_squeeze %dma_wait3A_66 : memref<1x64xi32, #tpu.memory_space<vmem>> -> memref<64xi32, #tpu.memory_space<vmem>>
        %dma_wait3A_68 = arith.constant 0 : i32
        %dma_wait3A_69 = arith.constant 0 : i32
        %dma_wait3A_70 = tpu.memref_slice %arg6[%dma_wait3A_68, %dma_wait3A_69] : memref<10000x208xf32, #tpu.memory_space<hbm>> -> memref<10000x208xf32, #tpu.memory_space<hbm>>
        tpu.wait_indirect_dma semaphore(%arg17 : memref<!tpu.dma_semaphore, #tpu.memory_space<semaphore_mem>>) src(%dma_wait3A_70 : memref<10000x208xf32, #tpu.memory_space<hbm>>) dst(%dma_wait3A_64 : memref<64x208xf32, #tpu.memory_space<vmem>>)
        %broadcast_in_dim3A = arith.constant 0.000000e+00 : f32
        %broadcast_in_dim3A_71 = vector.broadcast %broadcast_in_dim3A : f32 to vector<16xf32>
        %broadcast_in_dim3A_72 = arith.constant 0.000000e+00 : f32
        %broadcast_in_dim3A_73 = vector.broadcast %broadcast_in_dim3A_72 : f32 to vector<16xf32>
        %broadcast_in_dim3A_74 = arith.constant 0.000000e+00 : f32
        %broadcast_in_dim3A_75 = vector.broadcast %broadcast_in_dim3A_74 : f32 to vector<16xf32>
        %broadcast_in_dim3A_76 = arith.constant 0.000000e+00 : f32
        %broadcast_in_dim3A_77 = vector.broadcast %broadcast_in_dim3A_76 : f32 to vector<16xf32>
        %broadcast_in_dim3A_78 = arith.constant 0.000000e+00 : f32
        %broadcast_in_dim3A_79 = vector.broadcast %broadcast_in_dim3A_78 : f32 to vector<16xf32>
        %broadcast_in_dim3A_80 = arith.constant 0.000000e+00 : f32
        %broadcast_in_dim3A_81 = vector.broadcast %broadcast_in_dim3A_80 : f32 to vector<16xf32>
        %broadcast_in_dim3A_82 = arith.constant 0.000000e+00 : f32
        %broadcast_in_dim3A_83 = vector.broadcast %broadcast_in_dim3A_82 : f32 to vector<16xf32>
        %broadcast_in_dim3A_84 = arith.constant 0.000000e+00 : f32
        %broadcast_in_dim3A_85 = vector.broadcast %broadcast_in_dim3A_84 : f32 to vector<16xf32>
        %broadcast_in_dim3A_86 = arith.constant 0.000000e+00 : f32
        %broadcast_in_dim3A_87 = vector.broadcast %broadcast_in_dim3A_86 : f32 to vector<16xf32>
        %broadcast_in_dim3A_88 = arith.constant 0.000000e+00 : f32
        %broadcast_in_dim3A_89 = vector.broadcast %broadcast_in_dim3A_88 : f32 to vector<16xf32>
        %broadcast_in_dim3A_90 = arith.constant 0.000000e+00 : f32
        %broadcast_in_dim3A_91 = vector.broadcast %broadcast_in_dim3A_90 : f32 to vector<16xf32>
        %broadcast_in_dim3A_92 = arith.constant 0.000000e+00 : f32
        %broadcast_in_dim3A_93 = vector.broadcast %broadcast_in_dim3A_92 : f32 to vector<16xf32>
        %broadcast_in_dim3A_94 = arith.constant 0.000000e+00 : f32
        %broadcast_in_dim3A_95 = vector.broadcast %broadcast_in_dim3A_94 : f32 to vector<16xf32>
        %scan3A_96 = arith.constant 0 : i32
        %scan3A_97 = arith.constant 16 : i32
        %scan3A_98 = arith.addi %scan3A_96, %scan3A_97 : i32
        %scan3A_99 = arith.constant 1 : i32
        %scan3A_100:13 = scf.for %scan3A_206 = %scan3A_96 to %scan3A_98 step %scan3A_99 iter_args(%scan3A_207 = %broadcast_in_dim3A_71, %scan3A_208 = %broadcast_in_dim3A_73, %scan3A_209 = %broadcast_in_dim3A_75, %scan3A_210 = %broadcast_in_dim3A_77, %scan3A_211 = %broadcast_in_dim3A_79, %scan3A_212 = %broadcast_in_dim3A_81, %scan3A_213 = %broadcast_in_dim3A_83, %scan3A_214 = %broadcast_in_dim3A_85, %scan3A_215 = %broadcast_in_dim3A_87, %scan3A_216 = %broadcast_in_dim3A_89, %scan3A_217 = %broadcast_in_dim3A_91, %scan3A_218 = %broadcast_in_dim3A_93, %scan3A_219 = %broadcast_in_dim3A_95) -> (vector<16xf32>, vector<16xf32>, vector<16xf32>, vector<16xf32>, vector<16xf32>, vector<16xf32>, vector<16xf32>, vector<16xf32>, vector<16xf32>, vector<16xf32>, vector<16xf32>, vector<16xf32>, vector<16xf32>)  : i32 {
          %mul3A_220 = arith.constant 4 : i32
          %mul3A_221 = arith.muli %mul3A_220, %scan3A_206 : i32
          %get3A = arith.index_cast %rem3A_56 : i32 to index
          %get3A_222 = arith.index_cast %mul3A_221 : i32 to index
          %get3A_223 = arith.constant 0 : index
          %get3A_224 = tpu.vector_load %arg13[%get3A, %get3A_222, %get3A_223] {strides = array<i32>} : memref<2x64x208xf32, #tpu.memory_space<vmem>>, vector<1x1x16xf32>,
          %get3A_225 = vector.shape_cast %get3A_224 : vector<1x1x16xf32> to vector<16xf32>
          %mul3A_226 = arith.constant 4 : i32
          %mul3A_227 = arith.muli %mul3A_226, %scan3A_206 : i32
          %add3A_228 = arith.constant 1 : i32
          %add3A_229 = arith.addi %mul3A_227, %add3A_228 : i32
          %get3A_230 = arith.index_cast %rem3A_56 : i32 to index
          %get3A_231 = arith.index_cast %add3A_229 : i32 to index
          %get3A_232 = arith.constant 0 : index
          %get3A_233 = tpu.vector_load %arg13[%get3A_230, %get3A_231, %get3A_232] {strides = array<i32>} : memref<2x64x208xf32, #tpu.memory_space<vmem>>, vector<1x1x16xf32>,
          %get3A_234 = vector.shape_cast %get3A_233 : vector<1x1x16xf32> to vector<16xf32>
          %add3A_235 = arith.addf %get3A_225, %get3A_234 : vector<16xf32>
          %mul3A_236 = arith.constant 4 : i32
          %mul3A_237 = arith.muli %mul3A_236, %scan3A_206 : i32
          %add3A_238 = arith.constant 2 : i32
          %add3A_239 = arith.addi %mul3A_237, %add3A_238 : i32
          %get3A_240 = arith.index_cast %rem3A_56 : i32 to index
          %get3A_241 = arith.index_cast %add3A_239 : i32 to index
          %get3A_242 = arith.constant 0 : index
          %get3A_243 = tpu.vector_load %arg13[%get3A_240, %get3A_241, %get3A_242] {strides = array<i32>} : memref<2x64x208xf32, #tpu.memory_space<vmem>>, vector<1x1x16xf32>,
          %get3A_244 = vector.shape_cast %get3A_243 : vector<1x1x16xf32> to vector<16xf32>
          %mul3A_245 = arith.constant 4 : i32
          %mul3A_246 = arith.muli %mul3A_245, %scan3A_206 : i32
          %add3A_247 = arith.constant 3 : i32
          %add3A_248 = arith.addi %mul3A_246, %add3A_247 : i32
          %get3A_249 = arith.index_cast %rem3A_56 : i32 to index
          %get3A_250 = arith.index_cast %add3A_248 : i32 to index
          %get3A_251 = arith.constant 0 : index
          %get3A_252 = tpu.vector_load %arg13[%get3A_249, %get3A_250, %get3A_251] {strides = array<i32>} : memref<2x64x208xf32, #tpu.memory_space<vmem>>, vector<1x1x16xf32>,
          %get3A_253 = vector.shape_cast %get3A_252 : vector<1x1x16xf32> to vector<16xf32>
          %add3A_254 = arith.addf %get3A_244, %get3A_253 : vector<16xf32>
          %add3A_255 = arith.addf %add3A_235, %add3A_254 : vector<16xf32>
          %add3A_256 = arith.addf %scan3A_207, %add3A_255 : vector<16xf32>
          %mul3A_257 = arith.constant 4 : i32
          %mul3A_258 = arith.muli %mul3A_257, %scan3A_206 : i32
          %get3A_259 = arith.index_cast %rem3A_56 : i32 to index
          %get3A_260 = arith.index_cast %mul3A_258 : i32 to index
          %get3A_261 = arith.constant 16 : index
          %get3A_262 = tpu.vector_load %arg13[%get3A_259, %get3A_260, %get3A_261] {strides = array<i32>} : memref<2x64x208xf32, #tpu.memory_space<vmem>>, vector<1x1x16xf32>,
          %get3A_263 = vector.shape_cast %get3A_262 : vector<1x1x16xf32> to vector<16xf32>
          %mul3A_264 = arith.constant 4 : i32
          %mul3A_265 = arith.muli %mul3A_264, %scan3A_206 : i32
          %add3A_266 = arith.constant 1 : i32
          %add3A_267 = arith.addi %mul3A_265, %add3A_266 : i32
          %get3A_268 = arith.index_cast %rem3A_56 : i32 to index
          %get3A_269 = arith.index_cast %add3A_267 : i32 to index
          %get3A_270 = arith.constant 16 : index
          %get3A_271 = tpu.vector_load %arg13[%get3A_268, %get3A_269, %get3A_270] {strides = array<i32>} : memref<2x64x208xf32, #tpu.memory_space<vmem>>, vector<1x1x16xf32>,
          %get3A_272 = vector.shape_cast %get3A_271 : vector<1x1x16xf32> to vector<16xf32>
          %add3A_273 = arith.addf %get3A_263, %get3A_272 : vector<16xf32>
          %mul3A_274 = arith.constant 4 : i32
          %mul3A_275 = arith.muli %mul3A_274, %scan3A_206 : i32
          %add3A_276 = arith.constant 2 : i32
          %add3A_277 = arith.addi %mul3A_275, %add3A_276 : i32
          %get3A_278 = arith.index_cast %rem3A_56 : i32 to index
          %get3A_279 = arith.index_cast %add3A_277 : i32 to index
          %get3A_280 = arith.constant 16 : index
          %get3A_281 = tpu.vector_load %arg13[%get3A_278, %get3A_279, %get3A_280] {strides = array<i32>} : memref<2x64x208xf32, #tpu.memory_space<vmem>>, vector<1x1x16xf32>,
          %get3A_282 = vector.shape_cast %get3A_281 : vector<1x1x16xf32> to vector<16xf32>
          %mul3A_283 = arith.constant 4 : i32
          %mul3A_284 = arith.muli %mul3A_283, %scan3A_206 : i32
          %add3A_285 = arith.constant 3 : i32
          %add3A_286 = arith.addi %mul3A_284, %add3A_285 : i32
          %get3A_287 = arith.index_cast %rem3A_56 : i32 to index
          %get3A_288 = arith.index_cast %add3A_286 : i32 to index
          %get3A_289 = arith.constant 16 : index
          %get3A_290 = tpu.vector_load %arg13[%get3A_287, %get3A_288, %get3A_289] {strides = array<i32>} : memref<2x64x208xf32, #tpu.memory_space<vmem>>, vector<1x1x16xf32>,
          %get3A_291 = vector.shape_cast %get3A_290 : vector<1x1x16xf32> to vector<16xf32>
          %add3A_292 = arith.addf %get3A_282, %get3A_291 : vector<16xf32>
          %add3A_293 = arith.addf %add3A_273, %add3A_292 : vector<16xf32>
          %add3A_294 = arith.addf %scan3A_208, %add3A_293 : vector<16xf32>
          %mul3A_295 = arith.constant 4 : i32
          %mul3A_296 = arith.muli %mul3A_295, %scan3A_206 : i32
          %get3A_297 = arith.index_cast %rem3A_56 : i32 to index
          %get3A_298 = arith.index_cast %mul3A_296 : i32 to index
          %get3A_299 = arith.constant 32 : index
          %get3A_300 = tpu.vector_load %arg13[%get3A_297, %get3A_298, %get3A_299] {strides = array<i32>} : memref<2x64x208xf32, #tpu.memory_space<vmem>>, vector<1x1x16xf32>,
          %get3A_301 = vector.shape_cast %get3A_300 : vector<1x1x16xf32> to vector<16xf32>
          %mul3A_302 = arith.constant 4 : i32
          %mul3A_303 = arith.muli %mul3A_302, %scan3A_206 : i32
          %add3A_304 = arith.constant 1 : i32
          %add3A_305 = arith.addi %mul3A_303, %add3A_304 : i32
          %get3A_306 = arith.index_cast %rem3A_56 : i32 to index
          %get3A_307 = arith.index_cast %add3A_305 : i32 to index
          %get3A_308 = arith.constant 32 : index
          %get3A_309 = tpu.vector_load %arg13[%get3A_306, %get3A_307, %get3A_308] {strides = array<i32>} : memref<2x64x208xf32, #tpu.memory_space<vmem>>, vector<1x1x16xf32>,
          %get3A_310 = vector.shape_cast %get3A_309 : vector<1x1x16xf32> to vector<16xf32>
          %add3A_311 = arith.addf %get3A_301, %get3A_310 : vector<16xf32>
          %mul3A_312 = arith.constant 4 : i32
          %mul3A_313 = arith.muli %mul3A_312, %scan3A_206 : i32
          %add3A_314 = arith.constant 2 : i32
          %add3A_315 = arith.addi %mul3A_313, %add3A_314 : i32
          %get3A_316 = arith.index_cast %rem3A_56 : i32 to index
          %get3A_317 = arith.index_cast %add3A_315 : i32 to index
          %get3A_318 = arith.constant 32 : index
          %get3A_319 = tpu.vector_load %arg13[%get3A_316, %get3A_317, %get3A_318] {strides = array<i32>} : memref<2x64x208xf32, #tpu.memory_space<vmem>>, vector<1x1x16xf32>,
          %get3A_320 = vector.shape_cast %get3A_319 : vector<1x1x16xf32> to vector<16xf32>
          %mul3A_321 = arith.constant 4 : i32
          %mul3A_322 = arith.muli %mul3A_321, %scan3A_206 : i32
          %add3A_323 = arith.constant 3 : i32
          %add3A_324 = arith.addi %mul3A_322, %add3A_323 : i32
          %get3A_325 = arith.index_cast %rem3A_56 : i32 to index
          %get3A_326 = arith.index_cast %add3A_324 : i32 to index
          %get3A_327 = arith.constant 32 : index
          %get3A_328 = tpu.vector_load %arg13[%get3A_325, %get3A_326, %get3A_327] {strides = array<i32>} : memref<2x64x208xf32, #tpu.memory_space<vmem>>, vector<1x1x16xf32>,
          %get3A_329 = vector.shape_cast %get3A_328 : vector<1x1x16xf32> to vector<16xf32>
          %add3A_330 = arith.addf %get3A_320, %get3A_329 : vector<16xf32>
          %add3A_331 = arith.addf %add3A_311, %add3A_330 : vector<16xf32>
          %add3A_332 = arith.addf %scan3A_209, %add3A_331 : vector<16xf32>
          %mul3A_333 = arith.constant 4 : i32
          %mul3A_334 = arith.muli %mul3A_333, %scan3A_206 : i32
          %get3A_335 = arith.index_cast %rem3A_56 : i32 to index
          %get3A_336 = arith.index_cast %mul3A_334 : i32 to index
          %get3A_337 = arith.constant 48 : index
          %get3A_338 = tpu.vector_load %arg13[%get3A_335, %get3A_336, %get3A_337] {strides = array<i32>} : memref<2x64x208xf32, #tpu.memory_space<vmem>>, vector<1x1x16xf32>,
          %get3A_339 = vector.shape_cast %get3A_338 : vector<1x1x16xf32> to vector<16xf32>
          %mul3A_340 = arith.constant 4 : i32
          %mul3A_341 = arith.muli %mul3A_340, %scan3A_206 : i32
          %add3A_342 = arith.constant 1 : i32
          %add3A_343 = arith.addi %mul3A_341, %add3A_342 : i32
          %get3A_344 = arith.index_cast %rem3A_56 : i32 to index
          %get3A_345 = arith.index_cast %add3A_343 : i32 to index
          %get3A_346 = arith.constant 48 : index
          %get3A_347 = tpu.vector_load %arg13[%get3A_344, %get3A_345, %get3A_346] {strides = array<i32>} : memref<2x64x208xf32, #tpu.memory_space<vmem>>, vector<1x1x16xf32>,
          %get3A_348 = vector.shape_cast %get3A_347 : vector<1x1x16xf32> to vector<16xf32>
          %add3A_349 = arith.addf %get3A_339, %get3A_348 : vector<16xf32>
          %mul3A_350 = arith.constant 4 : i32
          %mul3A_351 = arith.muli %mul3A_350, %scan3A_206 : i32
          %add3A_352 = arith.constant 2 : i32
          %add3A_353 = arith.addi %mul3A_351, %add3A_352 : i32
          %get3A_354 = arith.index_cast %rem3A_56 : i32 to index
          %get3A_355 = arith.index_cast %add3A_353 : i32 to index
          %get3A_356 = arith.constant 48 : index
          %get3A_357 = tpu.vector_load %arg13[%get3A_354, %get3A_355, %get3A_356] {strides = array<i32>} : memref<2x64x208xf32, #tpu.memory_space<vmem>>, vector<1x1x16xf32>,
          %get3A_358 = vector.shape_cast %get3A_357 : vector<1x1x16xf32> to vector<16xf32>
          %mul3A_359 = arith.constant 4 : i32
          %mul3A_360 = arith.muli %mul3A_359, %scan3A_206 : i32
          %add3A_361 = arith.constant 3 : i32
          %add3A_362 = arith.addi %mul3A_360, %add3A_361 : i32
          %get3A_363 = arith.index_cast %rem3A_56 : i32 to index
          %get3A_364 = arith.index_cast %add3A_362 : i32 to index
          %get3A_365 = arith.constant 48 : index
          %get3A_366 = tpu.vector_load %arg13[%get3A_363, %get3A_364, %get3A_365] {strides = array<i32>} : memref<2x64x208xf32, #tpu.memory_space<vmem>>, vector<1x1x16xf32>,
          %get3A_367 = vector.shape_cast %get3A_366 : vector<1x1x16xf32> to vector<16xf32>
          %add3A_368 = arith.addf %get3A_358, %get3A_367 : vector<16xf32>
          %add3A_369 = arith.addf %add3A_349, %add3A_368 : vector<16xf32>
          %add3A_370 = arith.addf %scan3A_210, %add3A_369 : vector<16xf32>
          %mul3A_371 = arith.constant 4 : i32
          %mul3A_372 = arith.muli %mul3A_371, %scan3A_206 : i32
          %get3A_373 = arith.index_cast %rem3A_56 : i32 to index
          %get3A_374 = arith.index_cast %mul3A_372 : i32 to index
          %get3A_375 = arith.constant 64 : index
          %get3A_376 = tpu.vector_load %arg13[%get3A_373, %get3A_374, %get3A_375] {strides = array<i32>} : memref<2x64x208xf32, #tpu.memory_space<vmem>>, vector<1x1x16xf32>,
          %get3A_377 = vector.shape_cast %get3A_376 : vector<1x1x16xf32> to vector<16xf32>
          %mul3A_378 = arith.constant 4 : i32
          %mul3A_379 = arith.muli %mul3A_378, %scan3A_206 : i32
          %add3A_380 = arith.constant 1 : i32
          %add3A_381 = arith.addi %mul3A_379, %add3A_380 : i32
          %get3A_382 = arith.index_cast %rem3A_56 : i32 to index
          %get3A_383 = arith.index_cast %add3A_381 : i32 to index
          %get3A_384 = arith.constant 64 : index
          %get3A_385 = tpu.vector_load %arg13[%get3A_382, %get3A_383, %get3A_384] {strides = array<i32>} : memref<2x64x208xf32, #tpu.memory_space<vmem>>, vector<1x1x16xf32>,
          %get3A_386 = vector.shape_cast %get3A_385 : vector<1x1x16xf32> to vector<16xf32>
          %add3A_387 = arith.addf %get3A_377, %get3A_386 : vector<16xf32>
          %mul3A_388 = arith.constant 4 : i32
          %mul3A_389 = arith.muli %mul3A_388, %scan3A_206 : i32
          %add3A_390 = arith.constant 2 : i32
          %add3A_391 = arith.addi %mul3A_389, %add3A_390 : i32
          %get3A_392 = arith.index_cast %rem3A_56 : i32 to index
          %get3A_393 = arith.index_cast %add3A_391 : i32 to index
          %get3A_394 = arith.constant 64 : index
          %get3A_395 = tpu.vector_load %arg13[%get3A_392, %get3A_393, %get3A_394] {strides = array<i32>} : memref<2x64x208xf32, #tpu.memory_space<vmem>>, vector<1x1x16xf32>,
          %get3A_396 = vector.shape_cast %get3A_395 : vector<1x1x16xf32> to vector<16xf32>
          %mul3A_397 = arith.constant 4 : i32
          %mul3A_398 = arith.muli %mul3A_397, %scan3A_206 : i32
          %add3A_399 = arith.constant 3 : i32
          %add3A_400 = arith.addi %mul3A_398, %add3A_399 : i32
          %get3A_401 = arith.index_cast %rem3A_56 : i32 to index
          %get3A_402 = arith.index_cast %add3A_400 : i32 to index
          %get3A_403 = arith.constant 64 : index
          %get3A_404 = tpu.vector_load %arg13[%get3A_401, %get3A_402, %get3A_403] {strides = array<i32>} : memref<2x64x208xf32, #tpu.memory_space<vmem>>, vector<1x1x16xf32>,
          %get3A_405 = vector.shape_cast %get3A_404 : vector<1x1x16xf32> to vector<16xf32>
          %add3A_406 = arith.addf %get3A_396, %get3A_405 : vector<16xf32>
          %add3A_407 = arith.addf %add3A_387, %add3A_406 : vector<16xf32>
          %add3A_408 = arith.addf %scan3A_211, %add3A_407 : vector<16xf32>
          %mul3A_409 = arith.constant 4 : i32
          %mul3A_410 = arith.muli %mul3A_409, %scan3A_206 : i32
          %get3A_411 = arith.index_cast %rem3A_56 : i32 to index
          %get3A_412 = arith.index_cast %mul3A_410 : i32 to index
          %get3A_413 = arith.constant 80 : index
          %get3A_414 = tpu.vector_load %arg13[%get3A_411, %get3A_412, %get3A_413] {strides = array<i32>} : memref<2x64x208xf32, #tpu.memory_space<vmem>>, vector<1x1x16xf32>,
          %get3A_415 = vector.shape_cast %get3A_414 : vector<1x1x16xf32> to vector<16xf32>
          %mul3A_416 = arith.constant 4 : i32
          %mul3A_417 = arith.muli %mul3A_416, %scan3A_206 : i32
          %add3A_418 = arith.constant 1 : i32
          %add3A_419 = arith.addi %mul3A_417, %add3A_418 : i32
          %get3A_420 = arith.index_cast %rem3A_56 : i32 to index
          %get3A_421 = arith.index_cast %add3A_419 : i32 to index
          %get3A_422 = arith.constant 80 : index
          %get3A_423 = tpu.vector_load %arg13[%get3A_420, %get3A_421, %get3A_422] {strides = array<i32>} : memref<2x64x208xf32, #tpu.memory_space<vmem>>, vector<1x1x16xf32>,
          %get3A_424 = vector.shape_cast %get3A_423 : vector<1x1x16xf32> to vector<16xf32>
          %add3A_425 = arith.addf %get3A_415, %get3A_424 : vector<16xf32>
          %mul3A_426 = arith.constant 4 : i32
          %mul3A_427 = arith.muli %mul3A_426, %scan3A_206 : i32
          %add3A_428 = arith.constant 2 : i32
          %add3A_429 = arith.addi %mul3A_427, %add3A_428 : i32
          %get3A_430 = arith.index_cast %rem3A_56 : i32 to index
          %get3A_431 = arith.index_cast %add3A_429 : i32 to index
          %get3A_432 = arith.constant 80 : index
          %get3A_433 = tpu.vector_load %arg13[%get3A_430, %get3A_431, %get3A_432] {strides = array<i32>} : memref<2x64x208xf32, #tpu.memory_space<vmem>>, vector<1x1x16xf32>,
          %get3A_434 = vector.shape_cast %get3A_433 : vector<1x1x16xf32> to vector<16xf32>
          %mul3A_435 = arith.constant 4 : i32
          %mul3A_436 = arith.muli %mul3A_435, %scan3A_206 : i32
          %add3A_437 = arith.constant 3 : i32
          %add3A_438 = arith.addi %mul3A_436, %add3A_437 : i32
          %get3A_439 = arith.index_cast %rem3A_56 : i32 to index
          %get3A_440 = arith.index_cast %add3A_438 : i32 to index
          %get3A_441 = arith.constant 80 : index
          %get3A_442 = tpu.vector_load %arg13[%get3A_439, %get3A_440, %get3A_441] {strides = array<i32>} : memref<2x64x208xf32, #tpu.memory_space<vmem>>, vector<1x1x16xf32>,
          %get3A_443 = vector.shape_cast %get3A_442 : vector<1x1x16xf32> to vector<16xf32>
          %add3A_444 = arith.addf %get3A_434, %get3A_443 : vector<16xf32>
          %add3A_445 = arith.addf %add3A_425, %add3A_444 : vector<16xf32>
          %add3A_446 = arith.addf %scan3A_212, %add3A_445 : vector<16xf32>
          %mul3A_447 = arith.constant 4 : i32
          %mul3A_448 = arith.muli %mul3A_447, %scan3A_206 : i32
          %get3A_449 = arith.index_cast %rem3A_56 : i32 to index
          %get3A_450 = arith.index_cast %mul3A_448 : i32 to index
          %get3A_451 = arith.constant 96 : index
          %get3A_452 = tpu.vector_load %arg13[%get3A_449, %get3A_450, %get3A_451] {strides = array<i32>} : memref<2x64x208xf32, #tpu.memory_space<vmem>>, vector<1x1x16xf32>,
          %get3A_453 = vector.shape_cast %get3A_452 : vector<1x1x16xf32> to vector<16xf32>
          %mul3A_454 = arith.constant 4 : i32
          %mul3A_455 = arith.muli %mul3A_454, %scan3A_206 : i32
          %add3A_456 = arith.constant 1 : i32
          %add3A_457 = arith.addi %mul3A_455, %add3A_456 : i32
          %get3A_458 = arith.index_cast %rem3A_56 : i32 to index
          %get3A_459 = arith.index_cast %add3A_457 : i32 to index
          %get3A_460 = arith.constant 96 : index
          %get3A_461 = tpu.vector_load %arg13[%get3A_458, %get3A_459, %get3A_460] {strides = array<i32>} : memref<2x64x208xf32, #tpu.memory_space<vmem>>, vector<1x1x16xf32>,
          %get3A_462 = vector.shape_cast %get3A_461 : vector<1x1x16xf32> to vector<16xf32>
          %add3A_463 = arith.addf %get3A_453, %get3A_462 : vector<16xf32>
          %mul3A_464 = arith.constant 4 : i32
          %mul3A_465 = arith.muli %mul3A_464, %scan3A_206 : i32
          %add3A_466 = arith.constant 2 : i32
          %add3A_467 = arith.addi %mul3A_465, %add3A_466 : i32
          %get3A_468 = arith.index_cast %rem3A_56 : i32 to index
          %get3A_469 = arith.index_cast %add3A_467 : i32 to index
          %get3A_470 = arith.constant 96 : index
          %get3A_471 = tpu.vector_load %arg13[%get3A_468, %get3A_469, %get3A_470] {strides = array<i32>} : memref<2x64x208xf32, #tpu.memory_space<vmem>>, vector<1x1x16xf32>,
          %get3A_472 = vector.shape_cast %get3A_471 : vector<1x1x16xf32> to vector<16xf32>
          %mul3A_473 = arith.constant 4 : i32
          %mul3A_474 = arith.muli %mul3A_473, %scan3A_206 : i32
          %add3A_475 = arith.constant 3 : i32
          %add3A_476 = arith.addi %mul3A_474, %add3A_475 : i32
          %get3A_477 = arith.index_cast %rem3A_56 : i32 to index
          %get3A_478 = arith.index_cast %add3A_476 : i32 to index
          %get3A_479 = arith.constant 96 : index
          %get3A_480 = tpu.vector_load %arg13[%get3A_477, %get3A_478, %get3A_479] {strides = array<i32>} : memref<2x64x208xf32, #tpu.memory_space<vmem>>, vector<1x1x16xf32>,
          %get3A_481 = vector.shape_cast %get3A_480 : vector<1x1x16xf32> to vector<16xf32>
          %add3A_482 = arith.addf %get3A_472, %get3A_481 : vector<16xf32>
          %add3A_483 = arith.addf %add3A_463, %add3A_482 : vector<16xf32>
          %add3A_484 = arith.addf %scan3A_213, %add3A_483 : vector<16xf32>
          %mul3A_485 = arith.constant 4 : i32
          %mul3A_486 = arith.muli %mul3A_485, %scan3A_206 : i32
          %get3A_487 = arith.index_cast %rem3A_56 : i32 to index
          %get3A_488 = arith.index_cast %mul3A_486 : i32 to index
          %get3A_489 = arith.constant 112 : index
          %get3A_490 = tpu.vector_load %arg13[%get3A_487, %get3A_488, %get3A_489] {strides = array<i32>} : memref<2x64x208xf32, #tpu.memory_space<vmem>>, vector<1x1x16xf32>,
          %get3A_491 = vector.shape_cast %get3A_490 : vector<1x1x16xf32> to vector<16xf32>
          %mul3A_492 = arith.constant 4 : i32
          %mul3A_493 = arith.muli %mul3A_492, %scan3A_206 : i32
          %add3A_494 = arith.constant 1 : i32
          %add3A_495 = arith.addi %mul3A_493, %add3A_494 : i32
          %get3A_496 = arith.index_cast %rem3A_56 : i32 to index
          %get3A_497 = arith.index_cast %add3A_495 : i32 to index
          %get3A_498 = arith.constant 112 : index
          %get3A_499 = tpu.vector_load %arg13[%get3A_496, %get3A_497, %get3A_498] {strides = array<i32>} : memref<2x64x208xf32, #tpu.memory_space<vmem>>, vector<1x1x16xf32>,
          %get3A_500 = vector.shape_cast %get3A_499 : vector<1x1x16xf32> to vector<16xf32>
          %add3A_501 = arith.addf %get3A_491, %get3A_500 : vector<16xf32>
          %mul3A_502 = arith.constant 4 : i32
          %mul3A_503 = arith.muli %mul3A_502, %scan3A_206 : i32
          %add3A_504 = arith.constant 2 : i32
          %add3A_505 = arith.addi %mul3A_503, %add3A_504 : i32
          %get3A_506 = arith.index_cast %rem3A_56 : i32 to index
          %get3A_507 = arith.index_cast %add3A_505 : i32 to index
          %get3A_508 = arith.constant 112 : index
          %get3A_509 = tpu.vector_load %arg13[%get3A_506, %get3A_507, %get3A_508] {strides = array<i32>} : memref<2x64x208xf32, #tpu.memory_space<vmem>>, vector<1x1x16xf32>,
          %get3A_510 = vector.shape_cast %get3A_509 : vector<1x1x16xf32> to vector<16xf32>
          %mul3A_511 = arith.constant 4 : i32
          %mul3A_512 = arith.muli %mul3A_511, %scan3A_206 : i32
          %add3A_513 = arith.constant 3 : i32
          %add3A_514 = arith.addi %mul3A_512, %add3A_513 : i32
          %get3A_515 = arith.index_cast %rem3A_56 : i32 to index
          %get3A_516 = arith.index_cast %add3A_514 : i32 to index
          %get3A_517 = arith.constant 112 : index
          %get3A_518 = tpu.vector_load %arg13[%get3A_515, %get3A_516, %get3A_517] {strides = array<i32>} : memref<2x64x208xf32, #tpu.memory_space<vmem>>, vector<1x1x16xf32>,
          %get3A_519 = vector.shape_cast %get3A_518 : vector<1x1x16xf32> to vector<16xf32>
          %add3A_520 = arith.addf %get3A_510, %get3A_519 : vector<16xf32>
          %add3A_521 = arith.addf %add3A_501, %add3A_520 : vector<16xf32>
          %add3A_522 = arith.addf %scan3A_214, %add3A_521 : vector<16xf32>
          %mul3A_523 = arith.constant 4 : i32
          %mul3A_524 = arith.muli %mul3A_523, %scan3A_206 : i32
          %get3A_525 = arith.index_cast %rem3A_56 : i32 to index
          %get3A_526 = arith.index_cast %mul3A_524 : i32 to index
          %get3A_527 = arith.constant 128 : index
          %get3A_528 = tpu.vector_load %arg13[%get3A_525, %get3A_526, %get3A_527] {strides = array<i32>} : memref<2x64x208xf32, #tpu.memory_space<vmem>>, vector<1x1x16xf32>,
          %get3A_529 = vector.shape_cast %get3A_528 : vector<1x1x16xf32> to vector<16xf32>
          %mul3A_530 = arith.constant 4 : i32
          %mul3A_531 = arith.muli %mul3A_530, %scan3A_206 : i32
          %add3A_532 = arith.constant 1 : i32
          %add3A_533 = arith.addi %mul3A_531, %add3A_532 : i32
          %get3A_534 = arith.index_cast %rem3A_56 : i32 to index
          %get3A_535 = arith.index_cast %add3A_533 : i32 to index
          %get3A_536 = arith.constant 128 : index
          %get3A_537 = tpu.vector_load %arg13[%get3A_534, %get3A_535, %get3A_536] {strides = array<i32>} : memref<2x64x208xf32, #tpu.memory_space<vmem>>, vector<1x1x16xf32>,
          %get3A_538 = vector.shape_cast %get3A_537 : vector<1x1x16xf32> to vector<16xf32>
          %add3A_539 = arith.addf %get3A_529, %get3A_538 : vector<16xf32>
          %mul3A_540 = arith.constant 4 : i32
          %mul3A_541 = arith.muli %mul3A_540, %scan3A_206 : i32
          %add3A_542 = arith.constant 2 : i32
          %add3A_543 = arith.addi %mul3A_541, %add3A_542 : i32
          %get3A_544 = arith.index_cast %rem3A_56 : i32 to index
          %get3A_545 = arith.index_cast %add3A_543 : i32 to index
          %get3A_546 = arith.constant 128 : index
          %get3A_547 = tpu.vector_load %arg13[%get3A_544, %get3A_545, %get3A_546] {strides = array<i32>} : memref<2x64x208xf32, #tpu.memory_space<vmem>>, vector<1x1x16xf32>,
          %get3A_548 = vector.shape_cast %get3A_547 : vector<1x1x16xf32> to vector<16xf32>
          %mul3A_549 = arith.constant 4 : i32
          %mul3A_550 = arith.muli %mul3A_549, %scan3A_206 : i32
          %add3A_551 = arith.constant 3 : i32
          %add3A_552 = arith.addi %mul3A_550, %add3A_551 : i32
          %get3A_553 = arith.index_cast %rem3A_56 : i32 to index
          %get3A_554 = arith.index_cast %add3A_552 : i32 to index
          %get3A_555 = arith.constant 128 : index
          %get3A_556 = tpu.vector_load %arg13[%get3A_553, %get3A_554, %get3A_555] {strides = array<i32>} : memref<2x64x208xf32, #tpu.memory_space<vmem>>, vector<1x1x16xf32>,
          %get3A_557 = vector.shape_cast %get3A_556 : vector<1x1x16xf32> to vector<16xf32>
          %add3A_558 = arith.addf %get3A_548, %get3A_557 : vector<16xf32>
          %add3A_559 = arith.addf %add3A_539, %add3A_558 : vector<16xf32>
          %add3A_560 = arith.addf %scan3A_215, %add3A_559 : vector<16xf32>
          %mul3A_561 = arith.constant 4 : i32
          %mul3A_562 = arith.muli %mul3A_561, %scan3A_206 : i32
          %get3A_563 = arith.index_cast %rem3A_56 : i32 to index
          %get3A_564 = arith.index_cast %mul3A_562 : i32 to index
          %get3A_565 = arith.constant 144 : index
          %get3A_566 = tpu.vector_load %arg13[%get3A_563, %get3A_564, %get3A_565] {strides = array<i32>} : memref<2x64x208xf32, #tpu.memory_space<vmem>>, vector<1x1x16xf32>,
          %get3A_567 = vector.shape_cast %get3A_566 : vector<1x1x16xf32> to vector<16xf32>
          %mul3A_568 = arith.constant 4 : i32
          %mul3A_569 = arith.muli %mul3A_568, %scan3A_206 : i32
          %add3A_570 = arith.constant 1 : i32
          %add3A_571 = arith.addi %mul3A_569, %add3A_570 : i32
          %get3A_572 = arith.index_cast %rem3A_56 : i32 to index
          %get3A_573 = arith.index_cast %add3A_571 : i32 to index
          %get3A_574 = arith.constant 144 : index
          %get3A_575 = tpu.vector_load %arg13[%get3A_572, %get3A_573, %get3A_574] {strides = array<i32>} : memref<2x64x208xf32, #tpu.memory_space<vmem>>, vector<1x1x16xf32>,
          %get3A_576 = vector.shape_cast %get3A_575 : vector<1x1x16xf32> to vector<16xf32>
          %add3A_577 = arith.addf %get3A_567, %get3A_576 : vector<16xf32>
          %mul3A_578 = arith.constant 4 : i32
          %mul3A_579 = arith.muli %mul3A_578, %scan3A_206 : i32
          %add3A_580 = arith.constant 2 : i32
          %add3A_581 = arith.addi %mul3A_579, %add3A_580 : i32
          %get3A_582 = arith.index_cast %rem3A_56 : i32 to index
          %get3A_583 = arith.index_cast %add3A_581 : i32 to index
          %get3A_584 = arith.constant 144 : index
          %get3A_585 = tpu.vector_load %arg13[%get3A_582, %get3A_583, %get3A_584] {strides = array<i32>} : memref<2x64x208xf32, #tpu.memory_space<vmem>>, vector<1x1x16xf32>,
          %get3A_586 = vector.shape_cast %get3A_585 : vector<1x1x16xf32> to vector<16xf32>
          %mul3A_587 = arith.constant 4 : i32
          %mul3A_588 = arith.muli %mul3A_587, %scan3A_206 : i32
          %add3A_589 = arith.constant 3 : i32
          %add3A_590 = arith.addi %mul3A_588, %add3A_589 : i32
          %get3A_591 = arith.index_cast %rem3A_56 : i32 to index
          %get3A_592 = arith.index_cast %add3A_590 : i32 to index
          %get3A_593 = arith.constant 144 : index
          %get3A_594 = tpu.vector_load %arg13[%get3A_591, %get3A_592, %get3A_593] {strides = array<i32>} : memref<2x64x208xf32, #tpu.memory_space<vmem>>, vector<1x1x16xf32>,
          %get3A_595 = vector.shape_cast %get3A_594 : vector<1x1x16xf32> to vector<16xf32>
          %add3A_596 = arith.addf %get3A_586, %get3A_595 : vector<16xf32>
          %add3A_597 = arith.addf %add3A_577, %add3A_596 : vector<16xf32>
          %add3A_598 = arith.addf %scan3A_216, %add3A_597 : vector<16xf32>
          %mul3A_599 = arith.constant 4 : i32
          %mul3A_600 = arith.muli %mul3A_599, %scan3A_206 : i32
          %get3A_601 = arith.index_cast %rem3A_56 : i32 to index
          %get3A_602 = arith.index_cast %mul3A_600 : i32 to index
          %get3A_603 = arith.constant 160 : index
          %get3A_604 = tpu.vector_load %arg13[%get3A_601, %get3A_602, %get3A_603] {strides = array<i32>} : memref<2x64x208xf32, #tpu.memory_space<vmem>>, vector<1x1x16xf32>,
          %get3A_605 = vector.shape_cast %get3A_604 : vector<1x1x16xf32> to vector<16xf32>
          %mul3A_606 = arith.constant 4 : i32
          %mul3A_607 = arith.muli %mul3A_606, %scan3A_206 : i32
          %add3A_608 = arith.constant 1 : i32
          %add3A_609 = arith.addi %mul3A_607, %add3A_608 : i32
          %get3A_610 = arith.index_cast %rem3A_56 : i32 to index
          %get3A_611 = arith.index_cast %add3A_609 : i32 to index
          %get3A_612 = arith.constant 160 : index
          %get3A_613 = tpu.vector_load %arg13[%get3A_610, %get3A_611, %get3A_612] {strides = array<i32>} : memref<2x64x208xf32, #tpu.memory_space<vmem>>, vector<1x1x16xf32>,
          %get3A_614 = vector.shape_cast %get3A_613 : vector<1x1x16xf32> to vector<16xf32>
          %add3A_615 = arith.addf %get3A_605, %get3A_614 : vector<16xf32>
          %mul3A_616 = arith.constant 4 : i32
          %mul3A_617 = arith.muli %mul3A_616, %scan3A_206 : i32
          %add3A_618 = arith.constant 2 : i32
          %add3A_619 = arith.addi %mul3A_617, %add3A_618 : i32
          %get3A_620 = arith.index_cast %rem3A_56 : i32 to index
          %get3A_621 = arith.index_cast %add3A_619 : i32 to index
          %get3A_622 = arith.constant 160 : index
          %get3A_623 = tpu.vector_load %arg13[%get3A_620, %get3A_621, %get3A_622] {strides = array<i32>} : memref<2x64x208xf32, #tpu.memory_space<vmem>>, vector<1x1x16xf32>,
          %get3A_624 = vector.shape_cast %get3A_623 : vector<1x1x16xf32> to vector<16xf32>
          %mul3A_625 = arith.constant 4 : i32
          %mul3A_626 = arith.muli %mul3A_625, %scan3A_206 : i32
          %add3A_627 = arith.constant 3 : i32
          %add3A_628 = arith.addi %mul3A_626, %add3A_627 : i32
          %get3A_629 = arith.index_cast %rem3A_56 : i32 to index
          %get3A_630 = arith.index_cast %add3A_628 : i32 to index
          %get3A_631 = arith.constant 160 : index
          %get3A_632 = tpu.vector_load %arg13[%get3A_629, %get3A_630, %get3A_631] {strides = array<i32>} : memref<2x64x208xf32, #tpu.memory_space<vmem>>, vector<1x1x16xf32>,
          %get3A_633 = vector.shape_cast %get3A_632 : vector<1x1x16xf32> to vector<16xf32>
          %add3A_634 = arith.addf %get3A_624, %get3A_633 : vector<16xf32>
          %add3A_635 = arith.addf %add3A_615, %add3A_634 : vector<16xf32>
          %add3A_636 = arith.addf %scan3A_217, %add3A_635 : vector<16xf32>
          %mul3A_637 = arith.constant 4 : i32
          %mul3A_638 = arith.muli %mul3A_637, %scan3A_206 : i32
          %get3A_639 = arith.index_cast %rem3A_56 : i32 to index
          %get3A_640 = arith.index_cast %mul3A_638 : i32 to index
          %get3A_641 = arith.constant 176 : index
          %get3A_642 = tpu.vector_load %arg13[%get3A_639, %get3A_640, %get3A_641] {strides = array<i32>} : memref<2x64x208xf32, #tpu.memory_space<vmem>>, vector<1x1x16xf32>,
          %get3A_643 = vector.shape_cast %get3A_642 : vector<1x1x16xf32> to vector<16xf32>
          %mul3A_644 = arith.constant 4 : i32
          %mul3A_645 = arith.muli %mul3A_644, %scan3A_206 : i32
          %add3A_646 = arith.constant 1 : i32
          %add3A_647 = arith.addi %mul3A_645, %add3A_646 : i32
          %get3A_648 = arith.index_cast %rem3A_56 : i32 to index
          %get3A_649 = arith.index_cast %add3A_647 : i32 to index
          %get3A_650 = arith.constant 176 : index
          %get3A_651 = tpu.vector_load %arg13[%get3A_648, %get3A_649, %get3A_650] {strides = array<i32>} : memref<2x64x208xf32, #tpu.memory_space<vmem>>, vector<1x1x16xf32>,
          %get3A_652 = vector.shape_cast %get3A_651 : vector<1x1x16xf32> to vector<16xf32>
          %add3A_653 = arith.addf %get3A_643, %get3A_652 : vector<16xf32>
          %mul3A_654 = arith.constant 4 : i32
          %mul3A_655 = arith.muli %mul3A_654, %scan3A_206 : i32
          %add3A_656 = arith.constant 2 : i32
          %add3A_657 = arith.addi %mul3A_655, %add3A_656 : i32
          %get3A_658 = arith.index_cast %rem3A_56 : i32 to index
          %get3A_659 = arith.index_cast %add3A_657 : i32 to index
          %get3A_660 = arith.constant 176 : index
          %get3A_661 = tpu.vector_load %arg13[%get3A_658, %get3A_659, %get3A_660] {strides = array<i32>} : memref<2x64x208xf32, #tpu.memory_space<vmem>>, vector<1x1x16xf32>,
          %get3A_662 = vector.shape_cast %get3A_661 : vector<1x1x16xf32> to vector<16xf32>
          %mul3A_663 = arith.constant 4 : i32
          %mul3A_664 = arith.muli %mul3A_663, %scan3A_206 : i32
          %add3A_665 = arith.constant 3 : i32
          %add3A_666 = arith.addi %mul3A_664, %add3A_665 : i32
          %get3A_667 = arith.index_cast %rem3A_56 : i32 to index
          %get3A_668 = arith.index_cast %add3A_666 : i32 to index
          %get3A_669 = arith.constant 176 : index
          %get3A_670 = tpu.vector_load %arg13[%get3A_667, %get3A_668, %get3A_669] {strides = array<i32>} : memref<2x64x208xf32, #tpu.memory_space<vmem>>, vector<1x1x16xf32>,
          %get3A_671 = vector.shape_cast %get3A_670 : vector<1x1x16xf32> to vector<16xf32>
          %add3A_672 = arith.addf %get3A_662, %get3A_671 : vector<16xf32>
          %add3A_673 = arith.addf %add3A_653, %add3A_672 : vector<16xf32>
          %add3A_674 = arith.addf %scan3A_218, %add3A_673 : vector<16xf32>
          %mul3A_675 = arith.constant 4 : i32
          %mul3A_676 = arith.muli %mul3A_675, %scan3A_206 : i32
          %get3A_677 = arith.index_cast %rem3A_56 : i32 to index
          %get3A_678 = arith.index_cast %mul3A_676 : i32 to index
          %get3A_679 = arith.constant 192 : index
          %get3A_680 = tpu.vector_load %arg13[%get3A_677, %get3A_678, %get3A_679] {strides = array<i32>} : memref<2x64x208xf32, #tpu.memory_space<vmem>>, vector<1x1x16xf32>,
          %get3A_681 = vector.shape_cast %get3A_680 : vector<1x1x16xf32> to vector<16xf32>
          %mul3A_682 = arith.constant 4 : i32
          %mul3A_683 = arith.muli %mul3A_682, %scan3A_206 : i32
          %add3A_684 = arith.constant 1 : i32
          %add3A_685 = arith.addi %mul3A_683, %add3A_684 : i32
          %get3A_686 = arith.index_cast %rem3A_56 : i32 to index
          %get3A_687 = arith.index_cast %add3A_685 : i32 to index
          %get3A_688 = arith.constant 192 : index
          %get3A_689 = tpu.vector_load %arg13[%get3A_686, %get3A_687, %get3A_688] {strides = array<i32>} : memref<2x64x208xf32, #tpu.memory_space<vmem>>, vector<1x1x16xf32>,
          %get3A_690 = vector.shape_cast %get3A_689 : vector<1x1x16xf32> to vector<16xf32>
          %add3A_691 = arith.addf %get3A_681, %get3A_690 : vector<16xf32>
          %mul3A_692 = arith.constant 4 : i32
          %mul3A_693 = arith.muli %mul3A_692, %scan3A_206 : i32
          %add3A_694 = arith.constant 2 : i32
          %add3A_695 = arith.addi %mul3A_693, %add3A_694 : i32
          %get3A_696 = arith.index_cast %rem3A_56 : i32 to index
          %get3A_697 = arith.index_cast %add3A_695 : i32 to index
          %get3A_698 = arith.constant 192 : index
          %get3A_699 = tpu.vector_load %arg13[%get3A_696, %get3A_697, %get3A_698] {strides = array<i32>} : memref<2x64x208xf32, #tpu.memory_space<vmem>>, vector<1x1x16xf32>,
          %get3A_700 = vector.shape_cast %get3A_699 : vector<1x1x16xf32> to vector<16xf32>
          %mul3A_701 = arith.constant 4 : i32
          %mul3A_702 = arith.muli %mul3A_701, %scan3A_206 : i32
          %add3A_703 = arith.constant 3 : i32
          %add3A_704 = arith.addi %mul3A_702, %add3A_703 : i32
          %get3A_705 = arith.index_cast %rem3A_56 : i32 to index
          %get3A_706 = arith.index_cast %add3A_704 : i32 to index
          %get3A_707 = arith.constant 192 : index
          %get3A_708 = tpu.vector_load %arg13[%get3A_705, %get3A_706, %get3A_707] {strides = array<i32>} : memref<2x64x208xf32, #tpu.memory_space<vmem>>, vector<1x1x16xf32>,
          %get3A_709 = vector.shape_cast %get3A_708 : vector<1x1x16xf32> to vector<16xf32>
          %add3A_710 = arith.addf %get3A_700, %get3A_709 : vector<16xf32>
          %add3A_711 = arith.addf %add3A_691, %add3A_710 : vector<16xf32>
          %add3A_712 = arith.addf %scan3A_219, %add3A_711 : vector<16xf32>
          scf.yield %add3A_256, %add3A_294, %add3A_332, %add3A_370, %add3A_408, %add3A_446, %add3A_484, %add3A_522, %add3A_560, %add3A_598, %add3A_636, %add3A_674, %add3A_712 : vector<16xf32>, vector<16xf32>, vector<16xf32>, vector<16xf32>, vector<16xf32>, vector<16xf32>, vector<16xf32>, vector<16xf32>, vector<16xf32>, vector<16xf32>, vector<16xf32>, vector<16xf32>, vector<16xf32>
        }
        %scan3A_101 = arith.constant 16 : i32
        %mul3A_102 = arith.constant 1.562500e-02 : f32
        %mul3A_103 = vector.broadcast %mul3A_102 : f32 to vector<16xf32>
        %mul3A_104 = arith.mulf %scan3A_100#0, %mul3A_103 : vector<16xf32>
        %swap3A = arith.index_cast %scan3A_54 : i32 to index
        %swap3A_105 = arith.constant 0 : index
        %swap3A_106 = tpu.vector_load %arg14[%swap3A, %swap3A_105] {strides = array<i32>} : memref<32x208xf32, #tpu.memory_space<vmem>>, vector<1x16xf32>,
        %swap3A_107 = vector.shape_cast %swap3A_106 : vector<1x16xf32> to vector<16xf32>
        %swap3A_108 = vector.shape_cast %mul3A_104 : vector<16xf32> to vector<1x16xf32>
        tpu.vector_store %arg14[%swap3A, %swap3A_105], %swap3A_108 {strides = array<i32>} : memref<32x208xf32, #tpu.memory_space<vmem>>, vector<1x16xf32>,
        %mul3A_109 = arith.constant 1.562500e-02 : f32
        %mul3A_110 = vector.broadcast %mul3A_109 : f32 to vector<16xf32>
        %mul3A_111 = arith.mulf %scan3A_100#1, %mul3A_110 : vector<16xf32>
        %swap3A_112 = arith.index_cast %scan3A_54 : i32 to index
        %swap3A_113 = arith.constant 16 : index
        %swap3A_114 = tpu.vector_load %arg14[%swap3A_112, %swap3A_113] {strides = array<i32>} : memref<32x208xf32, #tpu.memory_space<vmem>>, vector<1x16xf32>,
        %swap3A_115 = vector.shape_cast %swap3A_114 : vector<1x16xf32> to vector<16xf32>
        %swap3A_116 = vector.shape_cast %mul3A_111 : vector<16xf32> to vector<1x16xf32>
        tpu.vector_store %arg14[%swap3A_112, %swap3A_113], %swap3A_116 {strides = array<i32>} : memref<32x208xf32, #tpu.memory_space<vmem>>, vector<1x16xf32>,
        %mul3A_117 = arith.constant 1.562500e-02 : f32
        %mul3A_118 = vector.broadcast %mul3A_117 : f32 to vector<16xf32>
        %mul3A_119 = arith.mulf %scan3A_100#2, %mul3A_118 : vector<16xf32>
        %swap3A_120 = arith.index_cast %scan3A_54 : i32 to index
        %swap3A_121 = arith.constant 32 : index
        %swap3A_122 = tpu.vector_load %arg14[%swap3A_120, %swap3A_121] {strides = array<i32>} : memref<32x208xf32, #tpu.memory_space<vmem>>, vector<1x16xf32>,
        %swap3A_123 = vector.shape_cast %swap3A_122 : vector<1x16xf32> to vector<16xf32>
        %swap3A_124 = vector.shape_cast %mul3A_119 : vector<16xf32> to vector<1x16xf32>
        tpu.vector_store %arg14[%swap3A_120, %swap3A_121], %swap3A_124 {strides = array<i32>} : memref<32x208xf32, #tpu.memory_space<vmem>>, vector<1x16xf32>,
        %mul3A_125 = arith.constant 1.562500e-02 : f32
        %mul3A_126 = vector.broadcast %mul3A_125 : f32 to vector<16xf32>
        %mul3A_127 = arith.mulf %scan3A_100#3, %mul3A_126 : vector<16xf32>
        %swap3A_128 = arith.index_cast %scan3A_54 : i32 to index
        %swap3A_129 = arith.constant 48 : index
        %swap3A_130 = tpu.vector_load %arg14[%swap3A_128, %swap3A_129] {strides = array<i32>} : memref<32x208xf32, #tpu.memory_space<vmem>>, vector<1x16xf32>,
        %swap3A_131 = vector.shape_cast %swap3A_130 : vector<1x16xf32> to vector<16xf32>
        %swap3A_132 = vector.shape_cast %mul3A_127 : vector<16xf32> to vector<1x16xf32>
        tpu.vector_store %arg14[%swap3A_128, %swap3A_129], %swap3A_132 {strides = array<i32>} : memref<32x208xf32, #tpu.memory_space<vmem>>, vector<1x16xf32>,
        %mul3A_133 = arith.constant 1.562500e-02 : f32
        %mul3A_134 = vector.broadcast %mul3A_133 : f32 to vector<16xf32>
        %mul3A_135 = arith.mulf %scan3A_100#4, %mul3A_134 : vector<16xf32>
        %swap3A_136 = arith.index_cast %scan3A_54 : i32 to index
        %swap3A_137 = arith.constant 64 : index
        %swap3A_138 = tpu.vector_load %arg14[%swap3A_136, %swap3A_137] {strides = array<i32>} : memref<32x208xf32, #tpu.memory_space<vmem>>, vector<1x16xf32>,
        %swap3A_139 = vector.shape_cast %swap3A_138 : vector<1x16xf32> to vector<16xf32>
        %swap3A_140 = vector.shape_cast %mul3A_135 : vector<16xf32> to vector<1x16xf32>
        tpu.vector_store %arg14[%swap3A_136, %swap3A_137], %swap3A_140 {strides = array<i32>} : memref<32x208xf32, #tpu.memory_space<vmem>>, vector<1x16xf32>,
        %mul3A_141 = arith.constant 1.562500e-02 : f32
        %mul3A_142 = vector.broadcast %mul3A_141 : f32 to vector<16xf32>
        %mul3A_143 = arith.mulf %scan3A_100#5, %mul3A_142 : vector<16xf32>
        %swap3A_144 = arith.index_cast %scan3A_54 : i32 to index
        %swap3A_145 = arith.constant 80 : index
        %swap3A_146 = tpu.vector_load %arg14[%swap3A_144, %swap3A_145] {strides = array<i32>} : memref<32x208xf32, #tpu.memory_space<vmem>>, vector<1x16xf32>,
        %swap3A_147 = vector.shape_cast %swap3A_146 : vector<1x16xf32> to vector<16xf32>
        %swap3A_148 = vector.shape_cast %mul3A_143 : vector<16xf32> to vector<1x16xf32>
        tpu.vector_store %arg14[%swap3A_144, %swap3A_145], %swap3A_148 {strides = array<i32>} : memref<32x208xf32, #tpu.memory_space<vmem>>, vector<1x16xf32>,
        %mul3A_149 = arith.constant 1.562500e-02 : f32
        %mul3A_150 = vector.broadcast %mul3A_149 : f32 to vector<16xf32>
        %mul3A_151 = arith.mulf %scan3A_100#6, %mul3A_150 : vector<16xf32>
        %swap3A_152 = arith.index_cast %scan3A_54 : i32 to index
        %swap3A_153 = arith.constant 96 : index
        %swap3A_154 = tpu.vector_load %arg14[%swap3A_152, %swap3A_153] {strides = array<i32>} : memref<32x208xf32, #tpu.memory_space<vmem>>, vector<1x16xf32>,
        %swap3A_155 = vector.shape_cast %swap3A_154 : vector<1x16xf32> to vector<16xf32>
        %swap3A_156 = vector.shape_cast %mul3A_151 : vector<16xf32> to vector<1x16xf32>
        tpu.vector_store %arg14[%swap3A_152, %swap3A_153], %swap3A_156 {strides = array<i32>} : memref<32x208xf32, #tpu.memory_space<vmem>>, vector<1x16xf32>,
        %mul3A_157 = arith.constant 1.562500e-02 : f32
        %mul3A_158 = vector.broadcast %mul3A_157 : f32 to vector<16xf32>
        %mul3A_159 = arith.mulf %scan3A_100#7, %mul3A_158 : vector<16xf32>
        %swap3A_160 = arith.index_cast %scan3A_54 : i32 to index
        %swap3A_161 = arith.constant 112 : index
        %swap3A_162 = tpu.vector_load %arg14[%swap3A_160, %swap3A_161] {strides = array<i32>} : memref<32x208xf32, #tpu.memory_space<vmem>>, vector<1x16xf32>,
        %swap3A_163 = vector.shape_cast %swap3A_162 : vector<1x16xf32> to vector<16xf32>
        %swap3A_164 = vector.shape_cast %mul3A_159 : vector<16xf32> to vector<1x16xf32>
        tpu.vector_store %arg14[%swap3A_160, %swap3A_161], %swap3A_164 {strides = array<i32>} : memref<32x208xf32, #tpu.memory_space<vmem>>, vector<1x16xf32>,
        %mul3A_165 = arith.constant 1.562500e-02 : f32
        %mul3A_166 = vector.broadcast %mul3A_165 : f32 to vector<16xf32>
        %mul3A_167 = arith.mulf %scan3A_100#8, %mul3A_166 : vector<16xf32>
        %swap3A_168 = arith.index_cast %scan3A_54 : i32 to index
        %swap3A_169 = arith.constant 128 : index
        %swap3A_170 = tpu.vector_load %arg14[%swap3A_168, %swap3A_169] {strides = array<i32>} : memref<32x208xf32, #tpu.memory_space<vmem>>, vector<1x16xf32>,
        %swap3A_171 = vector.shape_cast %swap3A_170 : vector<1x16xf32> to vector<16xf32>
        %swap3A_172 = vector.shape_cast %mul3A_167 : vector<16xf32> to vector<1x16xf32>
        tpu.vector_store %arg14[%swap3A_168, %swap3A_169], %swap3A_172 {strides = array<i32>} : memref<32x208xf32, #tpu.memory_space<vmem>>, vector<1x16xf32>,
        %mul3A_173 = arith.constant 1.562500e-02 : f32
        %mul3A_174 = vector.broadcast %mul3A_173 : f32 to vector<16xf32>
        %mul3A_175 = arith.mulf %scan3A_100#9, %mul3A_174 : vector<16xf32>
        %swap3A_176 = arith.index_cast %scan3A_54 : i32 to index
        %swap3A_177 = arith.constant 144 : index
        %swap3A_178 = tpu.vector_load %arg14[%swap3A_176, %swap3A_177] {strides = array<i32>} : memref<32x208xf32, #tpu.memory_space<vmem>>, vector<1x16xf32>,
        %swap3A_179 = vector.shape_cast %swap3A_178 : vector<1x16xf32> to vector<16xf32>
        %swap3A_180 = vector.shape_cast %mul3A_175 : vector<16xf32> to vector<1x16xf32>
        tpu.vector_store %arg14[%swap3A_176, %swap3A_177], %swap3A_180 {strides = array<i32>} : memref<32x208xf32, #tpu.memory_space<vmem>>, vector<1x16xf32>,
        %mul3A_181 = arith.constant 1.562500e-02 : f32
        %mul3A_182 = vector.broadcast %mul3A_181 : f32 to vector<16xf32>
        %mul3A_183 = arith.mulf %scan3A_100#10, %mul3A_182 : vector<16xf32>
        %swap3A_184 = arith.index_cast %scan3A_54 : i32 to index
        %swap3A_185 = arith.constant 160 : index
        %swap3A_186 = tpu.vector_load %arg14[%swap3A_184, %swap3A_185] {strides = array<i32>} : memref<32x208xf32, #tpu.memory_space<vmem>>, vector<1x16xf32>,
        %swap3A_187 = vector.shape_cast %swap3A_186 : vector<1x16xf32> to vector<16xf32>
        %swap3A_188 = vector.shape_cast %mul3A_183 : vector<16xf32> to vector<1x16xf32>
        tpu.vector_store %arg14[%swap3A_184, %swap3A_185], %swap3A_188 {strides = array<i32>} : memref<32x208xf32, #tpu.memory_space<vmem>>, vector<1x16xf32>,
        %mul3A_189 = arith.constant 1.562500e-02 : f32
        %mul3A_190 = vector.broadcast %mul3A_189 : f32 to vector<16xf32>
        %mul3A_191 = arith.mulf %scan3A_100#11, %mul3A_190 : vector<16xf32>
        %swap3A_192 = arith.index_cast %scan3A_54 : i32 to index
        %swap3A_193 = arith.constant 176 : index
        %swap3A_194 = tpu.vector_load %arg14[%swap3A_192, %swap3A_193] {strides = array<i32>} : memref<32x208xf32, #tpu.memory_space<vmem>>, vector<1x16xf32>,
        %swap3A_195 = vector.shape_cast %swap3A_194 : vector<1x16xf32> to vector<16xf32>
        %swap3A_196 = vector.shape_cast %mul3A_191 : vector<16xf32> to vector<1x16xf32>
        tpu.vector_store %arg14[%swap3A_192, %swap3A_193], %swap3A_196 {strides = array<i32>} : memref<32x208xf32, #tpu.memory_space<vmem>>, vector<1x16xf32>,
        %mul3A_197 = arith.constant 1.562500e-02 : f32
        %mul3A_198 = vector.broadcast %mul3A_197 : f32 to vector<16xf32>
        %mul3A_199 = arith.mulf %scan3A_100#12, %mul3A_198 : vector<16xf32>
        %swap3A_200 = arith.index_cast %scan3A_54 : i32 to index
        %swap3A_201 = arith.constant 192 : index
        %swap3A_202 = tpu.vector_load %arg14[%swap3A_200, %swap3A_201] {strides = array<i32>} : memref<32x208xf32, #tpu.memory_space<vmem>>, vector<1x16xf32>,
        %swap3A_203 = vector.shape_cast %swap3A_202 : vector<1x16xf32> to vector<16xf32>
        %swap3A_204 = vector.shape_cast %mul3A_199 : vector<16xf32> to vector<1x16xf32>
        tpu.vector_store %arg14[%swap3A_200, %swap3A_201], %swap3A_204 {strides = array<i32>} : memref<32x208xf32, #tpu.memory_space<vmem>>, vector<1x16xf32>,
        %scan3A_205 = arith.constant 0 : i32
        scf.yield %scan3A_205 : i32
      }
      %scan3A_52 = arith.constant 32 : i32
      "tpu.region"() ({
        %run_scoped3A = tpu.sem_alloc : memref<!tpu.dma_semaphore, #tpu.memory_space<semaphore_mem>>
        %dma_start3A_54 = arith.constant 0 : i32
        %dma_start3A_55 = tpu.memref_slice %arg8[%mul3A_27, %dma_start3A_54] : memref<10240x208xf32, #tpu.memory_space<hbm>> -> memref<32x208xf32, #tpu.memory_space<hbm>>
        %dma_start3A_56 = arith.constant 0 : i32
        %dma_start3A_57 = tpu.memref_slice %arg8[%mul3A_27, %dma_start3A_56] : memref<10240x208xf32, #tpu.memory_space<hbm>> -> memref<32x208xf32, #tpu.memory_space<hbm>>
        tpu.enqueue_dma source(%arg14 : memref<32x208xf32, #tpu.memory_space<vmem>>) target(%dma_start3A_57 : memref<32x208xf32, #tpu.memory_space<hbm>>) target_semaphore(%run_scoped3A : memref<!tpu.dma_semaphore, #tpu.memory_space<semaphore_mem>>)
        %dma_wait3A_58 = arith.constant 0 : i32
        %dma_wait3A_59 = tpu.memref_slice %arg8[%mul3A_27, %dma_wait3A_58] : memref<10240x208xf32, #tpu.memory_space<hbm>> -> memref<32x208xf32, #tpu.memory_space<hbm>>
        %dma_wait3A_60 = arith.constant 0 : i32
        %dma_wait3A_61 = tpu.memref_slice %arg8[%mul3A_27, %dma_wait3A_60] : memref<10240x208xf32, #tpu.memory_space<hbm>> -> memref<32x208xf32, #tpu.memory_space<hbm>>
        tpu.wait_dma2 semaphore(%run_scoped3A : memref<!tpu.dma_semaphore, #tpu.memory_space<semaphore_mem>>) src(%arg14 : memref<32x208xf32, #tpu.memory_space<vmem>>) dst(%dma_wait3A_61 : memref<32x208xf32, #tpu.memory_space<hbm>>)
        tpu.yield
      }) : () -> ()
      %scan3A_53 = arith.constant 0 : i32
      scf.yield %scan3A_53 : i32
    }
    %scan3A_6 = arith.constant 10 : i32
    %mul3A_7 = arith.constant 32 : i32
    %mul3A_8 = arith.muli %add3A, %mul3A_7 : i32
    "tpu.region"() ({
      %run_scoped3A = tpu.sem_alloc : memref<!tpu.dma_semaphore, #tpu.memory_space<semaphore_mem>>
      %dma_start3A_21 = tpu.memref_slice %arg4[%mul3A_8] : memref<1024xi32, #tpu.memory_space<hbm>> -> memref<32xi32, #tpu.memory_space<hbm>>
      %dma_start3A_22 = tpu.memref_slice %arg4[%mul3A_8] : memref<1024xi32, #tpu.memory_space<hbm>> -> memref<32xi32, #tpu.memory_space<hbm>>
      tpu.enqueue_dma source(%dma_start3A_22 : memref<32xi32, #tpu.memory_space<hbm>>) target(%arg15 : memref<32xi32, #tpu.memory_space<vmem>>) target_semaphore(%run_scoped3A : memref<!tpu.dma_semaphore, #tpu.memory_space<semaphore_mem>>)
      %dma_wait3A_23 = tpu.memref_slice %arg4[%mul3A_8] : memref<1024xi32, #tpu.memory_space<hbm>> -> memref<32xi32, #tpu.memory_space<hbm>>
      %dma_wait3A_24 = tpu.memref_slice %arg4[%mul3A_8] : memref<1024xi32, #tpu.memory_space<hbm>> -> memref<32xi32, #tpu.memory_space<hbm>>
      tpu.wait_dma2 semaphore(%run_scoped3A : memref<!tpu.dma_semaphore, #tpu.memory_space<semaphore_mem>>) src(%dma_wait3A_24 : memref<32xi32, #tpu.memory_space<hbm>>) dst(%arg15 : memref<32xi32, #tpu.memory_space<vmem>>)
      tpu.yield
    }) : () -> ()
    %dma_start3A = arith.constant 0 : i32
    %dma_start3A_9 = arith.constant 0 : i32
    %dma_start3A_10 = tpu.memref_slice %arg6[%dma_start3A, %dma_start3A_9] : memref<10000x208xf32, #tpu.memory_space<hbm>> -> memref<10000x208xf32, #tpu.memory_space<hbm>>
    tpu.enqueue_indirect_dma source(%dma_start3A_10 : memref<10000x208xf32, #tpu.memory_space<hbm>>) target(%arg16 : memref<32x208xf32, #tpu.memory_space<vmem>>) offsets(%arg15 : memref<32xi32, #tpu.memory_space<vmem>>) semaphore(%arg17 : memref<!tpu.dma_semaphore, #tpu.memory_space<semaphore_mem>>)
    %dma_wait3A = arith.constant 0 : i32
    %dma_wait3A_11 = arith.constant 0 : i32
    %dma_wait3A_12 = tpu.memref_slice %arg6[%dma_wait3A, %dma_wait3A_11] : memref<10000x208xf32, #tpu.memory_space<hbm>> -> memref<10000x208xf32, #tpu.memory_space<hbm>>
    tpu.wait_indirect_dma semaphore(%arg17 : memref<!tpu.dma_semaphore, #tpu.memory_space<semaphore_mem>>) src(%dma_wait3A_12 : memref<10000x208xf32, #tpu.memory_space<hbm>>) dst(%arg16 : memref<32x208xf32, #tpu.memory_space<vmem>>)
    "tpu.region"() ({
      %run_scoped3A = tpu.sem_alloc : memref<!tpu.dma_semaphore, #tpu.memory_space<semaphore_mem>>
      %dma_start3A_21 = arith.constant 0 : i32
      %dma_start3A_22 = tpu.memref_slice %arg9[%mul3A_8, %dma_start3A_21] : memref<1024x208xf32, #tpu.memory_space<hbm>> -> memref<32x208xf32, #tpu.memory_space<hbm>>
      %dma_start3A_23 = arith.constant 0 : i32
      %dma_start3A_24 = tpu.memref_slice %arg9[%mul3A_8, %dma_start3A_23] : memref<1024x208xf32, #tpu.memory_space<hbm>> -> memref<32x208xf32, #tpu.memory_space<hbm>>
      tpu.enqueue_dma source(%arg16 : memref<32x208xf32, #tpu.memory_space<vmem>>) target(%dma_start3A_24 : memref<32x208xf32, #tpu.memory_space<hbm>>) target_semaphore(%run_scoped3A : memref<!tpu.dma_semaphore, #tpu.memory_space<semaphore_mem>>)
      %dma_wait3A_25 = arith.constant 0 : i32
      %dma_wait3A_26 = tpu.memref_slice %arg9[%mul3A_8, %dma_wait3A_25] : memref<1024x208xf32, #tpu.memory_space<hbm>> -> memref<32x208xf32, #tpu.memory_space<hbm>>
      %dma_wait3A_27 = arith.constant 0 : i32
      %dma_wait3A_28 = tpu.memref_slice %arg9[%mul3A_8, %dma_wait3A_27] : memref<1024x208xf32, #tpu.memory_space<hbm>> -> memref<32x208xf32, #tpu.memory_space<hbm>>
      tpu.wait_dma2 semaphore(%run_scoped3A : memref<!tpu.dma_semaphore, #tpu.memory_space<semaphore_mem>>) src(%arg16 : memref<32x208xf32, #tpu.memory_space<vmem>>) dst(%dma_wait3A_28 : memref<32x208xf32, #tpu.memory_space<hbm>>)
      tpu.yield
    }) : () -> ()
    %mul3A_13 = arith.constant 32 : i32
    %mul3A_14 = arith.muli %add3A, %mul3A_13 : i32
    "tpu.region"() ({
      %run_scoped3A = tpu.sem_alloc : memref<!tpu.dma_semaphore, #tpu.memory_space<semaphore_mem>>
      %dma_start3A_21 = tpu.memref_slice %arg5[%mul3A_14] : memref<1024xi32, #tpu.memory_space<hbm>> -> memref<32xi32, #tpu.memory_space<hbm>>
      %dma_start3A_22 = tpu.memref_slice %arg5[%mul3A_14] : memref<1024xi32, #tpu.memory_space<hbm>> -> memref<32xi32, #tpu.memory_space<hbm>>
      tpu.enqueue_dma source(%dma_start3A_22 : memref<32xi32, #tpu.memory_space<hbm>>) target(%arg15 : memref<32xi32, #tpu.memory_space<vmem>>) target_semaphore(%run_scoped3A : memref<!tpu.dma_semaphore, #tpu.memory_space<semaphore_mem>>)
      %dma_wait3A_23 = tpu.memref_slice %arg5[%mul3A_14] : memref<1024xi32, #tpu.memory_space<hbm>> -> memref<32xi32, #tpu.memory_space<hbm>>
      %dma_wait3A_24 = tpu.memref_slice %arg5[%mul3A_14] : memref<1024xi32, #tpu.memory_space<hbm>> -> memref<32xi32, #tpu.memory_space<hbm>>
      tpu.wait_dma2 semaphore(%run_scoped3A : memref<!tpu.dma_semaphore, #tpu.memory_space<semaphore_mem>>) src(%dma_wait3A_24 : memref<32xi32, #tpu.memory_space<hbm>>) dst(%arg15 : memref<32xi32, #tpu.memory_space<vmem>>)
      tpu.yield
    }) : () -> ()
    %dma_start3A_15 = arith.constant 0 : i32
    %dma_start3A_16 = arith.constant 0 : i32
    %dma_start3A_17 = tpu.memref_slice %arg7[%dma_start3A_15, %dma_start3A_16] : memref<10000x208xf32, #tpu.memory_space<hbm>> -> memref<10000x208xf32, #tpu.memory_space<hbm>>
    tpu.enqueue_indirect_dma source(%dma_start3A_17 : memref<10000x208xf32, #tpu.memory_space<hbm>>) target(%arg16 : memref<32x208xf32, #tpu.memory_space<vmem>>) offsets(%arg15 : memref<32xi32, #tpu.memory_space<vmem>>) semaphore(%arg17 : memref<!tpu.dma_semaphore, #tpu.memory_space<semaphore_mem>>)
    %dma_wait3A_18 = arith.constant 0 : i32
    %dma_wait3A_19 = arith.constant 0 : i32
    %dma_wait3A_20 = tpu.memref_slice %arg7[%dma_wait3A_18, %dma_wait3A_19] : memref<10000x208xf32, #tpu.memory_space<hbm>> -> memref<10000x208xf32, #tpu.memory_space<hbm>>
    tpu.wait_indirect_dma semaphore(%arg17 : memref<!tpu.dma_semaphore, #tpu.memory_space<semaphore_mem>>) src(%dma_wait3A_20 : memref<10000x208xf32, #tpu.memory_space<hbm>>) dst(%arg16 : memref<32x208xf32, #tpu.memory_space<vmem>>)
    "tpu.region"() ({
      %run_scoped3A = tpu.sem_alloc : memref<!tpu.dma_semaphore, #tpu.memory_space<semaphore_mem>>
      %dma_start3A_21 = arith.constant 0 : i32
      %dma_start3A_22 = tpu.memref_slice %arg10[%mul3A_14, %dma_start3A_21] : memref<1024x208xf32, #tpu.memory_space<hbm>> -> memref<32x208xf32, #tpu.memory_space<hbm>>
      %dma_start3A_23 = arith.constant 0 : i32
      %dma_start3A_24 = tpu.memref_slice %arg10[%mul3A_14, %dma_start3A_23] : memref<1024x208xf32, #tpu.memory_space<hbm>> -> memref<32x208xf32, #tpu.memory_space<hbm>>
      tpu.enqueue_dma source(%arg16 : memref<32x208xf32, #tpu.memory_space<vmem>>) target(%dma_start3A_24 : memref<32x208xf32, #tpu.memory_space<hbm>>) target_semaphore(%run_scoped3A : memref<!tpu.dma_semaphore, #tpu.memory_space<semaphore_mem>>)
      %dma_wait3A_25 = arith.constant 0 : i32
      %dma_wait3A_26 = tpu.memref_slice %arg10[%mul3A_14, %dma_wait3A_25] : memref<1024x208xf32, #tpu.memory_space<hbm>> -> memref<32x208xf32, #tpu.memory_space<hbm>>
      %dma_wait3A_27 = arith.constant 0 : i32
      %dma_wait3A_28 = tpu.memref_slice %arg10[%mul3A_14, %dma_wait3A_27] : memref<1024x208xf32, #tpu.memory_space<hbm>> -> memref<32x208xf32, #tpu.memory_space<hbm>>
      tpu.wait_dma2 semaphore(%run_scoped3A : memref<!tpu.dma_semaphore, #tpu.memory_space<semaphore_mem>>) src(%arg16 : memref<32x208xf32, #tpu.memory_space<vmem>>) dst(%dma_wait3A_28 : memref<32x208xf32, #tpu.memory_space<hbm>>)
      tpu.yield
    }) : () -> ()
    return
  }
}

#map = affine_map<(d0, d1) -> (0, 0)>
#map1 = affine_map<(d0, d1) -> (0)>
module attributes {stable_mosaic.version = 14 : i64} {
  func.func @k(%arg0: i32, %arg1: i32, %arg2: memref<10240x64xi32, #tpu.memory_space<hbm>>, %arg3: memref<10240xi32, #tpu.memory_space<hbm>>, %arg4: memref<1024xi32, #tpu.memory_space<hbm>>, %arg5: memref<1024xi32, #tpu.memory_space<hbm>>, %arg6: memref<10000x208xf32, #tpu.memory_space<hbm>>, %arg7: memref<10000x208xf32, #tpu.memory_space<hbm>>, %arg8: memref<10240x208xf32, #tpu.memory_space<hbm>>, %arg9: memref<1024x208xf32, #tpu.memory_space<hbm>>, %arg10: memref<1024x208xf32, #tpu.memory_space<hbm>>, %arg11: memref<32xi32, #tpu.memory_space<vmem>>, %arg12: memref<32x64xi32, #tpu.memory_space<vmem>>, %arg13: memref<2x64x208xf32, #tpu.memory_space<vmem>>, %arg14: memref<32x208xf32, #tpu.memory_space<vmem>>, %arg15: memref<32xi32, #tpu.memory_space<vmem>>, %arg16: memref<32x208xf32, #tpu.memory_space<vmem>>, %arg17: memref<!tpu.dma_semaphore, #tpu.memory_space<semaphore_mem>>) attributes {dimension_semantics = [#tpu.dimension_semantics<core_parallel>, #tpu.dimension_semantics<subcore_parallel>], iteration_bounds = array<i64: 2, 16>, scalar_prefetch = 0 : i64, scratch_operands = 7 : i64, tpu.core_type = #tpu.core_type<sc_vector_subcore>, window_params = [{transform_indices = #map}, {transform_indices = #map1}, {transform_indices = #map1}, {transform_indices = #map1}, {transform_indices = #map}, {transform_indices = #map}, {transform_indices = #map}, {transform_indices = #map}, {transform_indices = #map}]} {
    %mul3A = arith.constant 2 : i32
    %mul3A_0 = arith.muli %arg1, %mul3A : i32
    %add3A = arith.addi %mul3A_0, %arg0 : i32
    %scan3A = arith.constant 0 : i32
    %scan3A_1 = arith.constant 0 : i32
    %scan3A_2 = arith.constant 10 : i32
    %scan3A_3 = arith.addi %scan3A_1, %scan3A_2 : i32
    %scan3A_4 = arith.constant 1 : i32
    %scan3A_5 = scf.for %scan3A_21 = %scan3A_1 to %scan3A_3 step %scan3A_4 iter_args(%scan3A_22 = %scan3A) -> (i32)  : i32 {
      %mul3A_23 = arith.constant 32 : i32
      %mul3A_24 = arith.muli %mul3A_23, %scan3A_21 : i32
      %add3A_25 = arith.addi %add3A, %mul3A_24 : i32
      %mul3A_26 = arith.constant 32 : i32
      %mul3A_27 = arith.muli %add3A_25, %mul3A_26 : i32
      "tpu.region"() ({
        %run_scoped3A = tpu.sem_alloc : memref<!tpu.dma_semaphore, #tpu.memory_space<semaphore_mem>>
        %dma_start3A_54 = tpu.memref_slice %arg3[%mul3A_27] : memref<10240xi32, #tpu.memory_space<hbm>> -> memref<32xi32, #tpu.memory_space<hbm>>
        %dma_start3A_55 = tpu.memref_slice %arg3[%mul3A_27] : memref<10240xi32, #tpu.memory_space<hbm>> -> memref<32xi32, #tpu.memory_space<hbm>>
        tpu.enqueue_dma source(%dma_start3A_55 : memref<32xi32, #tpu.memory_space<hbm>>) target(%arg11 : memref<32xi32, #tpu.memory_space<vmem>>) target_semaphore(%run_scoped3A : memref<!tpu.dma_semaphore, #tpu.memory_space<semaphore_mem>>)
        %dma_wait3A_56 = tpu.memref_slice %arg3[%mul3A_27] : memref<10240xi32, #tpu.memory_space<hbm>> -> memref<32xi32, #tpu.memory_space<hbm>>
        %dma_wait3A_57 = tpu.memref_slice %arg3[%mul3A_27] : memref<10240xi32, #tpu.memory_space<hbm>> -> memref<32xi32, #tpu.memory_space<hbm>>
        tpu.wait_dma2 semaphore(%run_scoped3A : memref<!tpu.dma_semaphore, #tpu.memory_space<semaphore_mem>>) src(%dma_wait3A_57 : memref<32xi32, #tpu.memory_space<hbm>>) dst(%arg11 : memref<32xi32, #tpu.memory_space<vmem>>)
        tpu.yield
      }) : () -> ()
      %dma_start3A_28 = arith.constant 0 : i32
      %dma_start3A_29 = arith.constant 0 : i32
      %dma_start3A_30 = tpu.memref_slice %arg2[%dma_start3A_28, %dma_start3A_29] : memref<10240x64xi32, #tpu.memory_space<hbm>> -> memref<10240x64xi32, #tpu.memory_space<hbm>>
      tpu.enqueue_indirect_dma source(%dma_start3A_30 : memref<10240x64xi32, #tpu.memory_space<hbm>>) target(%arg12 : memref<32x64xi32, #tpu.memory_space<vmem>>) offsets(%arg11 : memref<32xi32, #tpu.memory_space<vmem>>) semaphore(%arg17 : memref<!tpu.dma_semaphore, #tpu.memory_space<semaphore_mem>>)
      %dma_wait3A_31 = arith.constant 0 : i32
      %dma_wait3A_32 = arith.constant 0 : i32
      %dma_wait3A_33 = tpu.memref_slice %arg2[%dma_wait3A_31, %dma_wait3A_32] : memref<10240x64xi32, #tpu.memory_space<hbm>> -> memref<10240x64xi32, #tpu.memory_space<hbm>>
      tpu.wait_indirect_dma semaphore(%arg17 : memref<!tpu.dma_semaphore, #tpu.memory_space<semaphore_mem>>) src(%dma_wait3A_33 : memref<10240x64xi32, #tpu.memory_space<hbm>>) dst(%arg12 : memref<32x64xi32, #tpu.memory_space<vmem>>)
      %dma_start3A_34 = arith.constant 0 : i32
      %dma_start3A_35 = arith.constant 0 : i32
      %dma_start3A_36 = arith.constant 0 : i32
      %dma_start3A_37 = arith.constant 0 : i32
      %dma_start3A_38 = tpu.memref_slice %arg13[%dma_start3A_35, %dma_start3A_36, %dma_start3A_37] : memref<2x64x208xf32, #tpu.memory_space<vmem>> -> memref<1x64x208xf32, #tpu.memory_space<vmem>>
      %dma_start3A_39 = tpu.memref_squeeze %dma_start3A_38 : memref<1x64x208xf32, #tpu.memory_space<vmem>> -> memref<64x208xf32, #tpu.memory_space<vmem>>
      %dma_start3A_40 = arith.constant 0 : i32
      %dma_start3A_41 = tpu.memref_slice %arg12[%dma_start3A_34, %dma_start3A_40] : memref<32x64xi32, #tpu.memory_space<vmem>> -> memref<1x64xi32, #tpu.memory_space<vmem>>
      %dma_start3A_42 = tpu.memref_squeeze %dma_start3A_41 : memref<1x64xi32, #tpu.memory_space<vmem>> -> memref<64xi32, #tpu.memory_space<vmem>>
      %dma_start3A_43 = arith.constant 0 : i32
      %dma_start3A_44 = arith.constant 0 : i32
      %dma_start3A_45 = tpu.memref_slice %arg6[%dma_start3A_43, %dma_start3A_44] : memref<10000x208xf32, #tpu.memory_space<hbm>> -> memref<10000x208xf32, #tpu.memory_space<hbm>>
      tpu.enqueue_indirect_dma source(%dma_start3A_45 : memref<10000x208xf32, #tpu.memory_space<hbm>>) target(%dma_start3A_39 : memref<64x208xf32, #tpu.memory_space<vmem>>) offsets(%dma_start3A_42 : memref<64xi32, #tpu.memory_space<vmem>>) semaphore(%arg17 : memref<!tpu.dma_semaphore, #tpu.memory_space<semaphore_mem>>)
      %scan3A_46 = arith.constant 0 : i32
      %scan3A_47 = arith.constant 0 : i32
      %scan3A_48 = arith.constant 32 : i32
      %scan3A_49 = arith.addi %scan3A_47, %scan3A_48 : i32
      %scan3A_50 = arith.constant 1 : i32
      %scan3A_51 = scf.for %scan3A_54 = %scan3A_47 to %scan3A_49 step %scan3A_50 iter_args(%scan3A_55 = %scan3A_46) -> (i32)  : i32 {
        %rem3A = arith.constant 2 : i32
        %rem3A_56 = arith.remsi %scan3A_54, %rem3A : i32
        %add3A_57 = arith.constant 1 : i32
        %add3A_58 = arith.addi %scan3A_54, %add3A_57 : i32
        %lt3A = arith.constant 32 : i32
        %lt3A_59 = arith.cmpi slt, %add3A_58, %lt3A : i32
        %convert_element_type3A = arith.extui %lt3A_59 : i1 to i32
        %cond3A = arith.constant 0 : i32
        %cond3A_60 = arith.cmpi ne, %convert_element_type3A, %cond3A : i32
        scf.if %cond3A_60 {
          %add3A_206 = arith.constant 1 : i32
          %add3A_207 = arith.addi %scan3A_54, %add3A_206 : i32
          %add3A_208 = arith.constant 1 : i32
          %add3A_209 = arith.addi %scan3A_54, %add3A_208 : i32
          %rem3A_210 = arith.constant 2 : i32
          %rem3A_211 = arith.remsi %add3A_209, %rem3A_210 : i32
          %dma_start3A_212 = arith.constant 0 : i32
          %dma_start3A_213 = arith.constant 0 : i32
          %dma_start3A_214 = tpu.memref_slice %arg13[%rem3A_211, %dma_start3A_212, %dma_start3A_213] : memref<2x64x208xf32, #tpu.memory_space<vmem>> -> memref<1x64x208xf32, #tpu.memory_space<vmem>>
          %dma_start3A_215 = tpu.memref_squeeze %dma_start3A_214 : memref<1x64x208xf32, #tpu.memory_space<vmem>> -> memref<64x208xf32, #tpu.memory_space<vmem>>
          %dma_start3A_216 = arith.constant 0 : i32
          %dma_start3A_217 = tpu.memref_slice %arg12[%add3A_207, %dma_start3A_216] : memref<32x64xi32, #tpu.memory_space<vmem>> -> memref<1x64xi32, #tpu.memory_space<vmem>>
          %dma_start3A_218 = tpu.memref_squeeze %dma_start3A_217 : memref<1x64xi32, #tpu.memory_space<vmem>> -> memref<64xi32, #tpu.memory_space<vmem>>
          %dma_start3A_219 = arith.constant 0 : i32
          %dma_start3A_220 = arith.constant 0 : i32
          %dma_start3A_221 = tpu.memref_slice %arg6[%dma_start3A_219, %dma_start3A_220] : memref<10000x208xf32, #tpu.memory_space<hbm>> -> memref<10000x208xf32, #tpu.memory_space<hbm>>
          tpu.enqueue_indirect_dma source(%dma_start3A_221 : memref<10000x208xf32, #tpu.memory_space<hbm>>) target(%dma_start3A_215 : memref<64x208xf32, #tpu.memory_space<vmem>>) offsets(%dma_start3A_218 : memref<64xi32, #tpu.memory_space<vmem>>) semaphore(%arg17 : memref<!tpu.dma_semaphore, #tpu.memory_space<semaphore_mem>>)
        } else {
        }
        %dma_wait3A_61 = arith.constant 0 : i32
        %dma_wait3A_62 = arith.constant 0 : i32
        %dma_wait3A_63 = tpu.memref_slice %arg13[%rem3A_56, %dma_wait3A_61, %dma_wait3A_62] : memref<2x64x208xf32, #tpu.memory_space<vmem>> -> memref<1x64x208xf32, #tpu.memory_space<vmem>>
        %dma_wait3A_64 = tpu.memref_squeeze %dma_wait3A_63 : memref<1x64x208xf32, #tpu.memory_space<vmem>> -> memref<64x208xf32, #tpu.memory_space<vmem>>
        %dma_wait3A_65 = arith.constant 0 : i32
        %dma_wait3A_66 = tpu.memref_slice %arg12[%scan3A_54, %dma_wait3A_65] : memref<32x64xi32, #tpu.memory_space<vmem>> -> memref<1x64xi32, #tpu.memory_space<vmem>>
        %dma_wait3A_67 = tpu.memref_squeeze %dma_wait3A_66 : memref<1x64xi32, #tpu.memory_space<vmem>> -> memref<64xi32, #tpu.memory_space<vmem>>
        %dma_wait3A_68 = arith.constant 0 : i32
        %dma_wait3A_69 = arith.constant 0 : i32
        %dma_wait3A_70 = tpu.memref_slice %arg6[%dma_wait3A_68, %dma_wait3A_69] : memref<10000x208xf32, #tpu.memory_space<hbm>> -> memref<10000x208xf32, #tpu.memory_space<hbm>>
        tpu.wait_indirect_dma semaphore(%arg17 : memref<!tpu.dma_semaphore, #tpu.memory_space<semaphore_mem>>) src(%dma_wait3A_70 : memref<10000x208xf32, #tpu.memory_space<hbm>>) dst(%dma_wait3A_64 : memref<64x208xf32, #tpu.memory_space<vmem>>)
        %broadcast_in_dim3A = arith.constant 0.000000e+00 : f32
        %broadcast_in_dim3A_71 = vector.broadcast %broadcast_in_dim3A : f32 to vector<16xf32>
        %broadcast_in_dim3A_72 = arith.constant 0.000000e+00 : f32
        %broadcast_in_dim3A_73 = vector.broadcast %broadcast_in_dim3A_72 : f32 to vector<16xf32>
        %broadcast_in_dim3A_74 = arith.constant 0.000000e+00 : f32
        %broadcast_in_dim3A_75 = vector.broadcast %broadcast_in_dim3A_74 : f32 to vector<16xf32>
        %broadcast_in_dim3A_76 = arith.constant 0.000000e+00 : f32
        %broadcast_in_dim3A_77 = vector.broadcast %broadcast_in_dim3A_76 : f32 to vector<16xf32>
        %broadcast_in_dim3A_78 = arith.constant 0.000000e+00 : f32
        %broadcast_in_dim3A_79 = vector.broadcast %broadcast_in_dim3A_78 : f32 to vector<16xf32>
        %broadcast_in_dim3A_80 = arith.constant 0.000000e+00 : f32
        %broadcast_in_dim3A_81 = vector.broadcast %broadcast_in_dim3A_80 : f32 to vector<16xf32>
        %broadcast_in_dim3A_82 = arith.constant 0.000000e+00 : f32
        %broadcast_in_dim3A_83 = vector.broadcast %broadcast_in_dim3A_82 : f32 to vector<16xf32>
        %broadcast_in_dim3A_84 = arith.constant 0.000000e+00 : f32
        %broadcast_in_dim3A_85 = vector.broadcast %broadcast_in_dim3A_84 : f32 to vector<16xf32>
        %broadcast_in_dim3A_86 = arith.constant 0.000000e+00 : f32
        %broadcast_in_dim3A_87 = vector.broadcast %broadcast_in_dim3A_86 : f32 to vector<16xf32>
        %broadcast_in_dim3A_88 = arith.constant 0.000000e+00 : f32
        %broadcast_in_dim3A_89 = vector.broadcast %broadcast_in_dim3A_88 : f32 to vector<16xf32>
        %broadcast_in_dim3A_90 = arith.constant 0.000000e+00 : f32
        %broadcast_in_dim3A_91 = vector.broadcast %broadcast_in_dim3A_90 : f32 to vector<16xf32>
        %broadcast_in_dim3A_92 = arith.constant 0.000000e+00 : f32
        %broadcast_in_dim3A_93 = vector.broadcast %broadcast_in_dim3A_92 : f32 to vector<16xf32>
        %broadcast_in_dim3A_94 = arith.constant 0.000000e+00 : f32
        %broadcast_in_dim3A_95 = vector.broadcast %broadcast_in_dim3A_94 : f32 to vector<16xf32>
        %scan3A_96 = arith.constant 0 : i32
        %scan3A_97 = arith.constant 16 : i32
        %scan3A_98 = arith.addi %scan3A_96, %scan3A_97 : i32
        %scan3A_99 = arith.constant 1 : i32
        %scan3A_100:13 = scf.for %scan3A_206 = %scan3A_96 to %scan3A_98 step %scan3A_99 iter_args(%scan3A_207 = %broadcast_in_dim3A_71, %scan3A_208 = %broadcast_in_dim3A_73, %scan3A_209 = %broadcast_in_dim3A_75, %scan3A_210 = %broadcast_in_dim3A_77, %scan3A_211 = %broadcast_in_dim3A_79, %scan3A_212 = %broadcast_in_dim3A_81, %scan3A_213 = %broadcast_in_dim3A_83, %scan3A_214 = %broadcast_in_dim3A_85, %scan3A_215 = %broadcast_in_dim3A_87, %scan3A_216 = %broadcast_in_dim3A_89, %scan3A_217 = %broadcast_in_dim3A_91, %scan3A_218 = %broadcast_in_dim3A_93, %scan3A_219 = %broadcast_in_dim3A_95) -> (vector<16xf32>, vector<16xf32>, vector<16xf32>, vector<16xf32>, vector<16xf32>, vector<16xf32>, vector<16xf32>, vector<16xf32>, vector<16xf32>, vector<16xf32>, vector<16xf32>, vector<16xf32>, vector<16xf32>)  : i32 {
          %mul3A_220 = arith.constant 4 : i32
          %mul3A_221 = arith.muli %mul3A_220, %scan3A_206 : i32
          %get3A = arith.index_cast %rem3A_56 : i32 to index
          %get3A_222 = arith.index_cast %mul3A_221 : i32 to index
          %get3A_223 = arith.constant 0 : index
          %get3A_224 = tpu.vector_load %arg13[%get3A, %get3A_222, %get3A_223] {strides = array<i32>} : memref<2x64x208xf32, #tpu.memory_space<vmem>>, vector<1x1x16xf32>,
          %get3A_225 = vector.shape_cast %get3A_224 : vector<1x1x16xf32> to vector<16xf32>
          %mul3A_226 = arith.constant 4 : i32
          %mul3A_227 = arith.muli %mul3A_226, %scan3A_206 : i32
          %add3A_228 = arith.constant 1 : i32
          %add3A_229 = arith.addi %mul3A_227, %add3A_228 : i32
          %get3A_230 = arith.index_cast %rem3A_56 : i32 to index
          %get3A_231 = arith.index_cast %add3A_229 : i32 to index
          %get3A_232 = arith.constant 0 : index
          %get3A_233 = tpu.vector_load %arg13[%get3A_230, %get3A_231, %get3A_232] {strides = array<i32>} : memref<2x64x208xf32, #tpu.memory_space<vmem>>, vector<1x1x16xf32>,
          %get3A_234 = vector.shape_cast %get3A_233 : vector<1x1x16xf32> to vector<16xf32>
          %add3A_235 = arith.addf %get3A_225, %get3A_234 : vector<16xf32>
          %mul3A_236 = arith.constant 4 : i32
          %mul3A_237 = arith.muli %mul3A_236, %scan3A_206 : i32
          %add3A_238 = arith.constant 2 : i32
          %add3A_239 = arith.addi %mul3A_237, %add3A_238 : i32
          %get3A_240 = arith.index_cast %rem3A_56 : i32 to index
          %get3A_241 = arith.index_cast %add3A_239 : i32 to index
          %get3A_242 = arith.constant 0 : index
          %get3A_243 = tpu.vector_load %arg13[%get3A_240, %get3A_241, %get3A_242] {strides = array<i32>} : memref<2x64x208xf32, #tpu.memory_space<vmem>>, vector<1x1x16xf32>,
          %get3A_244 = vector.shape_cast %get3A_243 : vector<1x1x16xf32> to vector<16xf32>
          %mul3A_245 = arith.constant 4 : i32
          %mul3A_246 = arith.muli %mul3A_245, %scan3A_206 : i32
          %add3A_247 = arith.constant 3 : i32
          %add3A_248 = arith.addi %mul3A_246, %add3A_247 : i32
          %get3A_249 = arith.index_cast %rem3A_56 : i32 to index
          %get3A_250 = arith.index_cast %add3A_248 : i32 to index
          %get3A_251 = arith.constant 0 : index
          %get3A_252 = tpu.vector_load %arg13[%get3A_249, %get3A_250, %get3A_251] {strides = array<i32>} : memref<2x64x208xf32, #tpu.memory_space<vmem>>, vector<1x1x16xf32>,
          %get3A_253 = vector.shape_cast %get3A_252 : vector<1x1x16xf32> to vector<16xf32>
          %add3A_254 = arith.addf %get3A_244, %get3A_253 : vector<16xf32>
          %add3A_255 = arith.addf %add3A_235, %add3A_254 : vector<16xf32>
          %add3A_256 = arith.addf %scan3A_207, %add3A_255 : vector<16xf32>
          %mul3A_257 = arith.constant 4 : i32
          %mul3A_258 = arith.muli %mul3A_257, %scan3A_206 : i32
          %get3A_259 = arith.index_cast %rem3A_56 : i32 to index
          %get3A_260 = arith.index_cast %mul3A_258 : i32 to index
          %get3A_261 = arith.constant 16 : index
          %get3A_262 = tpu.vector_load %arg13[%get3A_259, %get3A_260, %get3A_261] {strides = array<i32>} : memref<2x64x208xf32, #tpu.memory_space<vmem>>, vector<1x1x16xf32>,
          %get3A_263 = vector.shape_cast %get3A_262 : vector<1x1x16xf32> to vector<16xf32>
          %mul3A_264 = arith.constant 4 : i32
          %mul3A_265 = arith.muli %mul3A_264, %scan3A_206 : i32
          %add3A_266 = arith.constant 1 : i32
          %add3A_267 = arith.addi %mul3A_265, %add3A_266 : i32
          %get3A_268 = arith.index_cast %rem3A_56 : i32 to index
          %get3A_269 = arith.index_cast %add3A_267 : i32 to index
          %get3A_270 = arith.constant 16 : index
          %get3A_271 = tpu.vector_load %arg13[%get3A_268, %get3A_269, %get3A_270] {strides = array<i32>} : memref<2x64x208xf32, #tpu.memory_space<vmem>>, vector<1x1x16xf32>,
          %get3A_272 = vector.shape_cast %get3A_271 : vector<1x1x16xf32> to vector<16xf32>
          %add3A_273 = arith.addf %get3A_263, %get3A_272 : vector<16xf32>
          %mul3A_274 = arith.constant 4 : i32
          %mul3A_275 = arith.muli %mul3A_274, %scan3A_206 : i32
          %add3A_276 = arith.constant 2 : i32
          %add3A_277 = arith.addi %mul3A_275, %add3A_276 : i32
          %get3A_278 = arith.index_cast %rem3A_56 : i32 to index
          %get3A_279 = arith.index_cast %add3A_277 : i32 to index
          %get3A_280 = arith.constant 16 : index
          %get3A_281 = tpu.vector_load %arg13[%get3A_278, %get3A_279, %get3A_280] {strides = array<i32>} : memref<2x64x208xf32, #tpu.memory_space<vmem>>, vector<1x1x16xf32>,
          %get3A_282 = vector.shape_cast %get3A_281 : vector<1x1x16xf32> to vector<16xf32>
          %mul3A_283 = arith.constant 4 : i32
          %mul3A_284 = arith.muli %mul3A_283, %scan3A_206 : i32
          %add3A_285 = arith.constant 3 : i32
          %add3A_286 = arith.addi %mul3A_284, %add3A_285 : i32
          %get3A_287 = arith.index_cast %rem3A_56 : i32 to index
          %get3A_288 = arith.index_cast %add3A_286 : i32 to index
          %get3A_289 = arith.constant 16 : index
          %get3A_290 = tpu.vector_load %arg13[%get3A_287, %get3A_288, %get3A_289] {strides = array<i32>} : memref<2x64x208xf32, #tpu.memory_space<vmem>>, vector<1x1x16xf32>,
          %get3A_291 = vector.shape_cast %get3A_290 : vector<1x1x16xf32> to vector<16xf32>
          %add3A_292 = arith.addf %get3A_282, %get3A_291 : vector<16xf32>
          %add3A_293 = arith.addf %add3A_273, %add3A_292 : vector<16xf32>
          %add3A_294 = arith.addf %scan3A_208, %add3A_293 : vector<16xf32>
          %mul3A_295 = arith.constant 4 : i32
          %mul3A_296 = arith.muli %mul3A_295, %scan3A_206 : i32
          %get3A_297 = arith.index_cast %rem3A_56 : i32 to index
          %get3A_298 = arith.index_cast %mul3A_296 : i32 to index
          %get3A_299 = arith.constant 32 : index
          %get3A_300 = tpu.vector_load %arg13[%get3A_297, %get3A_298, %get3A_299] {strides = array<i32>} : memref<2x64x208xf32, #tpu.memory_space<vmem>>, vector<1x1x16xf32>,
          %get3A_301 = vector.shape_cast %get3A_300 : vector<1x1x16xf32> to vector<16xf32>
          %mul3A_302 = arith.constant 4 : i32
          %mul3A_303 = arith.muli %mul3A_302, %scan3A_206 : i32
          %add3A_304 = arith.constant 1 : i32
          %add3A_305 = arith.addi %mul3A_303, %add3A_304 : i32
          %get3A_306 = arith.index_cast %rem3A_56 : i32 to index
          %get3A_307 = arith.index_cast %add3A_305 : i32 to index
          %get3A_308 = arith.constant 32 : index
          %get3A_309 = tpu.vector_load %arg13[%get3A_306, %get3A_307, %get3A_308] {strides = array<i32>} : memref<2x64x208xf32, #tpu.memory_space<vmem>>, vector<1x1x16xf32>,
          %get3A_310 = vector.shape_cast %get3A_309 : vector<1x1x16xf32> to vector<16xf32>
          %add3A_311 = arith.addf %get3A_301, %get3A_310 : vector<16xf32>
          %mul3A_312 = arith.constant 4 : i32
          %mul3A_313 = arith.muli %mul3A_312, %scan3A_206 : i32
          %add3A_314 = arith.constant 2 : i32
          %add3A_315 = arith.addi %mul3A_313, %add3A_314 : i32
          %get3A_316 = arith.index_cast %rem3A_56 : i32 to index
          %get3A_317 = arith.index_cast %add3A_315 : i32 to index
          %get3A_318 = arith.constant 32 : index
          %get3A_319 = tpu.vector_load %arg13[%get3A_316, %get3A_317, %get3A_318] {strides = array<i32>} : memref<2x64x208xf32, #tpu.memory_space<vmem>>, vector<1x1x16xf32>,
          %get3A_320 = vector.shape_cast %get3A_319 : vector<1x1x16xf32> to vector<16xf32>
          %mul3A_321 = arith.constant 4 : i32
          %mul3A_322 = arith.muli %mul3A_321, %scan3A_206 : i32
          %add3A_323 = arith.constant 3 : i32
          %add3A_324 = arith.addi %mul3A_322, %add3A_323 : i32
          %get3A_325 = arith.index_cast %rem3A_56 : i32 to index
          %get3A_326 = arith.index_cast %add3A_324 : i32 to index
          %get3A_327 = arith.constant 32 : index
          %get3A_328 = tpu.vector_load %arg13[%get3A_325, %get3A_326, %get3A_327] {strides = array<i32>} : memref<2x64x208xf32, #tpu.memory_space<vmem>>, vector<1x1x16xf32>,
          %get3A_329 = vector.shape_cast %get3A_328 : vector<1x1x16xf32> to vector<16xf32>
          %add3A_330 = arith.addf %get3A_320, %get3A_329 : vector<16xf32>
          %add3A_331 = arith.addf %add3A_311, %add3A_330 : vector<16xf32>
          %add3A_332 = arith.addf %scan3A_209, %add3A_331 : vector<16xf32>
          %mul3A_333 = arith.constant 4 : i32
          %mul3A_334 = arith.muli %mul3A_333, %scan3A_206 : i32
          %get3A_335 = arith.index_cast %rem3A_56 : i32 to index
          %get3A_336 = arith.index_cast %mul3A_334 : i32 to index
          %get3A_337 = arith.constant 48 : index
          %get3A_338 = tpu.vector_load %arg13[%get3A_335, %get3A_336, %get3A_337] {strides = array<i32>} : memref<2x64x208xf32, #tpu.memory_space<vmem>>, vector<1x1x16xf32>,
          %get3A_339 = vector.shape_cast %get3A_338 : vector<1x1x16xf32> to vector<16xf32>
          %mul3A_340 = arith.constant 4 : i32
          %mul3A_341 = arith.muli %mul3A_340, %scan3A_206 : i32
          %add3A_342 = arith.constant 1 : i32
          %add3A_343 = arith.addi %mul3A_341, %add3A_342 : i32
          %get3A_344 = arith.index_cast %rem3A_56 : i32 to index
          %get3A_345 = arith.index_cast %add3A_343 : i32 to index
          %get3A_346 = arith.constant 48 : index
          %get3A_347 = tpu.vector_load %arg13[%get3A_344, %get3A_345, %get3A_346] {strides = array<i32>} : memref<2x64x208xf32, #tpu.memory_space<vmem>>, vector<1x1x16xf32>,
          %get3A_348 = vector.shape_cast %get3A_347 : vector<1x1x16xf32> to vector<16xf32>
          %add3A_349 = arith.addf %get3A_339, %get3A_348 : vector<16xf32>
          %mul3A_350 = arith.constant 4 : i32
          %mul3A_351 = arith.muli %mul3A_350, %scan3A_206 : i32
          %add3A_352 = arith.constant 2 : i32
          %add3A_353 = arith.addi %mul3A_351, %add3A_352 : i32
          %get3A_354 = arith.index_cast %rem3A_56 : i32 to index
          %get3A_355 = arith.index_cast %add3A_353 : i32 to index
          %get3A_356 = arith.constant 48 : index
          %get3A_357 = tpu.vector_load %arg13[%get3A_354, %get3A_355, %get3A_356] {strides = array<i32>} : memref<2x64x208xf32, #tpu.memory_space<vmem>>, vector<1x1x16xf32>,
          %get3A_358 = vector.shape_cast %get3A_357 : vector<1x1x16xf32> to vector<16xf32>
          %mul3A_359 = arith.constant 4 : i32
          %mul3A_360 = arith.muli %mul3A_359, %scan3A_206 : i32
          %add3A_361 = arith.constant 3 : i32
          %add3A_362 = arith.addi %mul3A_360, %add3A_361 : i32
          %get3A_363 = arith.index_cast %rem3A_56 : i32 to index
          %get3A_364 = arith.index_cast %add3A_362 : i32 to index
          %get3A_365 = arith.constant 48 : index
          %get3A_366 = tpu.vector_load %arg13[%get3A_363, %get3A_364, %get3A_365] {strides = array<i32>} : memref<2x64x208xf32, #tpu.memory_space<vmem>>, vector<1x1x16xf32>,
          %get3A_367 = vector.shape_cast %get3A_366 : vector<1x1x16xf32> to vector<16xf32>
          %add3A_368 = arith.addf %get3A_358, %get3A_367 : vector<16xf32>
          %add3A_369 = arith.addf %add3A_349, %add3A_368 : vector<16xf32>
          %add3A_370 = arith.addf %scan3A_210, %add3A_369 : vector<16xf32>
          %mul3A_371 = arith.constant 4 : i32
          %mul3A_372 = arith.muli %mul3A_371, %scan3A_206 : i32
          %get3A_373 = arith.index_cast %rem3A_56 : i32 to index
          %get3A_374 = arith.index_cast %mul3A_372 : i32 to index
          %get3A_375 = arith.constant 64 : index
          %get3A_376 = tpu.vector_load %arg13[%get3A_373, %get3A_374, %get3A_375] {strides = array<i32>} : memref<2x64x208xf32, #tpu.memory_space<vmem>>, vector<1x1x16xf32>,
          %get3A_377 = vector.shape_cast %get3A_376 : vector<1x1x16xf32> to vector<16xf32>
          %mul3A_378 = arith.constant 4 : i32
          %mul3A_379 = arith.muli %mul3A_378, %scan3A_206 : i32
          %add3A_380 = arith.constant 1 : i32
          %add3A_381 = arith.addi %mul3A_379, %add3A_380 : i32
          %get3A_382 = arith.index_cast %rem3A_56 : i32 to index
          %get3A_383 = arith.index_cast %add3A_381 : i32 to index
          %get3A_384 = arith.constant 64 : index
          %get3A_385 = tpu.vector_load %arg13[%get3A_382, %get3A_383, %get3A_384] {strides = array<i32>} : memref<2x64x208xf32, #tpu.memory_space<vmem>>, vector<1x1x16xf32>,
          %get3A_386 = vector.shape_cast %get3A_385 : vector<1x1x16xf32> to vector<16xf32>
          %add3A_387 = arith.addf %get3A_377, %get3A_386 : vector<16xf32>
          %mul3A_388 = arith.constant 4 : i32
          %mul3A_389 = arith.muli %mul3A_388, %scan3A_206 : i32
          %add3A_390 = arith.constant 2 : i32
          %add3A_391 = arith.addi %mul3A_389, %add3A_390 : i32
          %get3A_392 = arith.index_cast %rem3A_56 : i32 to index
          %get3A_393 = arith.index_cast %add3A_391 : i32 to index
          %get3A_394 = arith.constant 64 : index
          %get3A_395 = tpu.vector_load %arg13[%get3A_392, %get3A_393, %get3A_394] {strides = array<i32>} : memref<2x64x208xf32, #tpu.memory_space<vmem>>, vector<1x1x16xf32>,
          %get3A_396 = vector.shape_cast %get3A_395 : vector<1x1x16xf32> to vector<16xf32>
          %mul3A_397 = arith.constant 4 : i32
          %mul3A_398 = arith.muli %mul3A_397, %scan3A_206 : i32
          %add3A_399 = arith.constant 3 : i32
          %add3A_400 = arith.addi %mul3A_398, %add3A_399 : i32
          %get3A_401 = arith.index_cast %rem3A_56 : i32 to index
          %get3A_402 = arith.index_cast %add3A_400 : i32 to index
          %get3A_403 = arith.constant 64 : index
          %get3A_404 = tpu.vector_load %arg13[%get3A_401, %get3A_402, %get3A_403] {strides = array<i32>} : memref<2x64x208xf32, #tpu.memory_space<vmem>>, vector<1x1x16xf32>,
          %get3A_405 = vector.shape_cast %get3A_404 : vector<1x1x16xf32> to vector<16xf32>
          %add3A_406 = arith.addf %get3A_396, %get3A_405 : vector<16xf32>
          %add3A_407 = arith.addf %add3A_387, %add3A_406 : vector<16xf32>
          %add3A_408 = arith.addf %scan3A_211, %add3A_407 : vector<16xf32>
          %mul3A_409 = arith.constant 4 : i32
          %mul3A_410 = arith.muli %mul3A_409, %scan3A_206 : i32
          %get3A_411 = arith.index_cast %rem3A_56 : i32 to index
          %get3A_412 = arith.index_cast %mul3A_410 : i32 to index
          %get3A_413 = arith.constant 80 : index
          %get3A_414 = tpu.vector_load %arg13[%get3A_411, %get3A_412, %get3A_413] {strides = array<i32>} : memref<2x64x208xf32, #tpu.memory_space<vmem>>, vector<1x1x16xf32>,
          %get3A_415 = vector.shape_cast %get3A_414 : vector<1x1x16xf32> to vector<16xf32>
          %mul3A_416 = arith.constant 4 : i32
          %mul3A_417 = arith.muli %mul3A_416, %scan3A_206 : i32
          %add3A_418 = arith.constant 1 : i32
          %add3A_419 = arith.addi %mul3A_417, %add3A_418 : i32
          %get3A_420 = arith.index_cast %rem3A_56 : i32 to index
          %get3A_421 = arith.index_cast %add3A_419 : i32 to index
          %get3A_422 = arith.constant 80 : index
          %get3A_423 = tpu.vector_load %arg13[%get3A_420, %get3A_421, %get3A_422] {strides = array<i32>} : memref<2x64x208xf32, #tpu.memory_space<vmem>>, vector<1x1x16xf32>,
          %get3A_424 = vector.shape_cast %get3A_423 : vector<1x1x16xf32> to vector<16xf32>
          %add3A_425 = arith.addf %get3A_415, %get3A_424 : vector<16xf32>
          %mul3A_426 = arith.constant 4 : i32
          %mul3A_427 = arith.muli %mul3A_426, %scan3A_206 : i32
          %add3A_428 = arith.constant 2 : i32
          %add3A_429 = arith.addi %mul3A_427, %add3A_428 : i32
          %get3A_430 = arith.index_cast %rem3A_56 : i32 to index
          %get3A_431 = arith.index_cast %add3A_429 : i32 to index
          %get3A_432 = arith.constant 80 : index
          %get3A_433 = tpu.vector_load %arg13[%get3A_430, %get3A_431, %get3A_432] {strides = array<i32>} : memref<2x64x208xf32, #tpu.memory_space<vmem>>, vector<1x1x16xf32>,
          %get3A_434 = vector.shape_cast %get3A_433 : vector<1x1x16xf32> to vector<16xf32>
          %mul3A_435 = arith.constant 4 : i32
          %mul3A_436 = arith.muli %mul3A_435, %scan3A_206 : i32
          %add3A_437 = arith.constant 3 : i32
          %add3A_438 = arith.addi %mul3A_436, %add3A_437 : i32
          %get3A_439 = arith.index_cast %rem3A_56 : i32 to index
          %get3A_440 = arith.index_cast %add3A_438 : i32 to index
          %get3A_441 = arith.constant 80 : index
          %get3A_442 = tpu.vector_load %arg13[%get3A_439, %get3A_440, %get3A_441] {strides = array<i32>} : memref<2x64x208xf32, #tpu.memory_space<vmem>>, vector<1x1x16xf32>,
          %get3A_443 = vector.shape_cast %get3A_442 : vector<1x1x16xf32> to vector<16xf32>
          %add3A_444 = arith.addf %get3A_434, %get3A_443 : vector<16xf32>
          %add3A_445 = arith.addf %add3A_425, %add3A_444 : vector<16xf32>
          %add3A_446 = arith.addf %scan3A_212, %add3A_445 : vector<16xf32>
          %mul3A_447 = arith.constant 4 : i32
          %mul3A_448 = arith.muli %mul3A_447, %scan3A_206 : i32
          %get3A_449 = arith.index_cast %rem3A_56 : i32 to index
          %get3A_450 = arith.index_cast %mul3A_448 : i32 to index
          %get3A_451 = arith.constant 96 : index
          %get3A_452 = tpu.vector_load %arg13[%get3A_449, %get3A_450, %get3A_451] {strides = array<i32>} : memref<2x64x208xf32, #tpu.memory_space<vmem>>, vector<1x1x16xf32>,
          %get3A_453 = vector.shape_cast %get3A_452 : vector<1x1x16xf32> to vector<16xf32>
          %mul3A_454 = arith.constant 4 : i32
          %mul3A_455 = arith.muli %mul3A_454, %scan3A_206 : i32
          %add3A_456 = arith.constant 1 : i32
          %add3A_457 = arith.addi %mul3A_455, %add3A_456 : i32
          %get3A_458 = arith.index_cast %rem3A_56 : i32 to index
          %get3A_459 = arith.index_cast %add3A_457 : i32 to index
          %get3A_460 = arith.constant 96 : index
          %get3A_461 = tpu.vector_load %arg13[%get3A_458, %get3A_459, %get3A_460] {strides = array<i32>} : memref<2x64x208xf32, #tpu.memory_space<vmem>>, vector<1x1x16xf32>,
          %get3A_462 = vector.shape_cast %get3A_461 : vector<1x1x16xf32> to vector<16xf32>
          %add3A_463 = arith.addf %get3A_453, %get3A_462 : vector<16xf32>
          %mul3A_464 = arith.constant 4 : i32
          %mul3A_465 = arith.muli %mul3A_464, %scan3A_206 : i32
          %add3A_466 = arith.constant 2 : i32
          %add3A_467 = arith.addi %mul3A_465, %add3A_466 : i32
          %get3A_468 = arith.index_cast %rem3A_56 : i32 to index
          %get3A_469 = arith.index_cast %add3A_467 : i32 to index
          %get3A_470 = arith.constant 96 : index
          %get3A_471 = tpu.vector_load %arg13[%get3A_468, %get3A_469, %get3A_470] {strides = array<i32>} : memref<2x64x208xf32, #tpu.memory_space<vmem>>, vector<1x1x16xf32>,
          %get3A_472 = vector.shape_cast %get3A_471 : vector<1x1x16xf32> to vector<16xf32>
          %mul3A_473 = arith.constant 4 : i32
          %mul3A_474 = arith.muli %mul3A_473, %scan3A_206 : i32
          %add3A_475 = arith.constant 3 : i32
          %add3A_476 = arith.addi %mul3A_474, %add3A_475 : i32
          %get3A_477 = arith.index_cast %rem3A_56 : i32 to index
          %get3A_478 = arith.index_cast %add3A_476 : i32 to index
          %get3A_479 = arith.constant 96 : index
          %get3A_480 = tpu.vector_load %arg13[%get3A_477, %get3A_478, %get3A_479] {strides = array<i32>} : memref<2x64x208xf32, #tpu.memory_space<vmem>>, vector<1x1x16xf32>,
          %get3A_481 = vector.shape_cast %get3A_480 : vector<1x1x16xf32> to vector<16xf32>
          %add3A_482 = arith.addf %get3A_472, %get3A_481 : vector<16xf32>
          %add3A_483 = arith.addf %add3A_463, %add3A_482 : vector<16xf32>
          %add3A_484 = arith.addf %scan3A_213, %add3A_483 : vector<16xf32>
          %mul3A_485 = arith.constant 4 : i32
          %mul3A_486 = arith.muli %mul3A_485, %scan3A_206 : i32
          %get3A_487 = arith.index_cast %rem3A_56 : i32 to index
          %get3A_488 = arith.index_cast %mul3A_486 : i32 to index
          %get3A_489 = arith.constant 112 : index
          %get3A_490 = tpu.vector_load %arg13[%get3A_487, %get3A_488, %get3A_489] {strides = array<i32>} : memref<2x64x208xf32, #tpu.memory_space<vmem>>, vector<1x1x16xf32>,
          %get3A_491 = vector.shape_cast %get3A_490 : vector<1x1x16xf32> to vector<16xf32>
          %mul3A_492 = arith.constant 4 : i32
          %mul3A_493 = arith.muli %mul3A_492, %scan3A_206 : i32
          %add3A_494 = arith.constant 1 : i32
          %add3A_495 = arith.addi %mul3A_493, %add3A_494 : i32
          %get3A_496 = arith.index_cast %rem3A_56 : i32 to index
          %get3A_497 = arith.index_cast %add3A_495 : i32 to index
          %get3A_498 = arith.constant 112 : index
          %get3A_499 = tpu.vector_load %arg13[%get3A_496, %get3A_497, %get3A_498] {strides = array<i32>} : memref<2x64x208xf32, #tpu.memory_space<vmem>>, vector<1x1x16xf32>,
          %get3A_500 = vector.shape_cast %get3A_499 : vector<1x1x16xf32> to vector<16xf32>
          %add3A_501 = arith.addf %get3A_491, %get3A_500 : vector<16xf32>
          %mul3A_502 = arith.constant 4 : i32
          %mul3A_503 = arith.muli %mul3A_502, %scan3A_206 : i32
          %add3A_504 = arith.constant 2 : i32
          %add3A_505 = arith.addi %mul3A_503, %add3A_504 : i32
          %get3A_506 = arith.index_cast %rem3A_56 : i32 to index
          %get3A_507 = arith.index_cast %add3A_505 : i32 to index
          %get3A_508 = arith.constant 112 : index
          %get3A_509 = tpu.vector_load %arg13[%get3A_506, %get3A_507, %get3A_508] {strides = array<i32>} : memref<2x64x208xf32, #tpu.memory_space<vmem>>, vector<1x1x16xf32>,
          %get3A_510 = vector.shape_cast %get3A_509 : vector<1x1x16xf32> to vector<16xf32>
          %mul3A_511 = arith.constant 4 : i32
          %mul3A_512 = arith.muli %mul3A_511, %scan3A_206 : i32
          %add3A_513 = arith.constant 3 : i32
          %add3A_514 = arith.addi %mul3A_512, %add3A_513 : i32
          %get3A_515 = arith.index_cast %rem3A_56 : i32 to index
          %get3A_516 = arith.index_cast %add3A_514 : i32 to index
          %get3A_517 = arith.constant 112 : index
          %get3A_518 = tpu.vector_load %arg13[%get3A_515, %get3A_516, %get3A_517] {strides = array<i32>} : memref<2x64x208xf32, #tpu.memory_space<vmem>>, vector<1x1x16xf32>,
          %get3A_519 = vector.shape_cast %get3A_518 : vector<1x1x16xf32> to vector<16xf32>
          %add3A_520 = arith.addf %get3A_510, %get3A_519 : vector<16xf32>
          %add3A_521 = arith.addf %add3A_501, %add3A_520 : vector<16xf32>
          %add3A_522 = arith.addf %scan3A_214, %add3A_521 : vector<16xf32>
          %mul3A_523 = arith.constant 4 : i32
          %mul3A_524 = arith.muli %mul3A_523, %scan3A_206 : i32
          %get3A_525 = arith.index_cast %rem3A_56 : i32 to index
          %get3A_526 = arith.index_cast %mul3A_524 : i32 to index
          %get3A_527 = arith.constant 128 : index
          %get3A_528 = tpu.vector_load %arg13[%get3A_525, %get3A_526, %get3A_527] {strides = array<i32>} : memref<2x64x208xf32, #tpu.memory_space<vmem>>, vector<1x1x16xf32>,
          %get3A_529 = vector.shape_cast %get3A_528 : vector<1x1x16xf32> to vector<16xf32>
          %mul3A_530 = arith.constant 4 : i32
          %mul3A_531 = arith.muli %mul3A_530, %scan3A_206 : i32
          %add3A_532 = arith.constant 1 : i32
          %add3A_533 = arith.addi %mul3A_531, %add3A_532 : i32
          %get3A_534 = arith.index_cast %rem3A_56 : i32 to index
          %get3A_535 = arith.index_cast %add3A_533 : i32 to index
          %get3A_536 = arith.constant 128 : index
          %get3A_537 = tpu.vector_load %arg13[%get3A_534, %get3A_535, %get3A_536] {strides = array<i32>} : memref<2x64x208xf32, #tpu.memory_space<vmem>>, vector<1x1x16xf32>,
          %get3A_538 = vector.shape_cast %get3A_537 : vector<1x1x16xf32> to vector<16xf32>
          %add3A_539 = arith.addf %get3A_529, %get3A_538 : vector<16xf32>
          %mul3A_540 = arith.constant 4 : i32
          %mul3A_541 = arith.muli %mul3A_540, %scan3A_206 : i32
          %add3A_542 = arith.constant 2 : i32
          %add3A_543 = arith.addi %mul3A_541, %add3A_542 : i32
          %get3A_544 = arith.index_cast %rem3A_56 : i32 to index
          %get3A_545 = arith.index_cast %add3A_543 : i32 to index
          %get3A_546 = arith.constant 128 : index
          %get3A_547 = tpu.vector_load %arg13[%get3A_544, %get3A_545, %get3A_546] {strides = array<i32>} : memref<2x64x208xf32, #tpu.memory_space<vmem>>, vector<1x1x16xf32>,
          %get3A_548 = vector.shape_cast %get3A_547 : vector<1x1x16xf32> to vector<16xf32>
          %mul3A_549 = arith.constant 4 : i32
          %mul3A_550 = arith.muli %mul3A_549, %scan3A_206 : i32
          %add3A_551 = arith.constant 3 : i32
          %add3A_552 = arith.addi %mul3A_550, %add3A_551 : i32
          %get3A_553 = arith.index_cast %rem3A_56 : i32 to index
          %get3A_554 = arith.index_cast %add3A_552 : i32 to index
          %get3A_555 = arith.constant 128 : index
          %get3A_556 = tpu.vector_load %arg13[%get3A_553, %get3A_554, %get3A_555] {strides = array<i32>} : memref<2x64x208xf32, #tpu.memory_space<vmem>>, vector<1x1x16xf32>,
          %get3A_557 = vector.shape_cast %get3A_556 : vector<1x1x16xf32> to vector<16xf32>
          %add3A_558 = arith.addf %get3A_548, %get3A_557 : vector<16xf32>
          %add3A_559 = arith.addf %add3A_539, %add3A_558 : vector<16xf32>
          %add3A_560 = arith.addf %scan3A_215, %add3A_559 : vector<16xf32>
          %mul3A_561 = arith.constant 4 : i32
          %mul3A_562 = arith.muli %mul3A_561, %scan3A_206 : i32
          %get3A_563 = arith.index_cast %rem3A_56 : i32 to index
          %get3A_564 = arith.index_cast %mul3A_562 : i32 to index
          %get3A_565 = arith.constant 144 : index
          %get3A_566 = tpu.vector_load %arg13[%get3A_563, %get3A_564, %get3A_565] {strides = array<i32>} : memref<2x64x208xf32, #tpu.memory_space<vmem>>, vector<1x1x16xf32>,
          %get3A_567 = vector.shape_cast %get3A_566 : vector<1x1x16xf32> to vector<16xf32>
          %mul3A_568 = arith.constant 4 : i32
          %mul3A_569 = arith.muli %mul3A_568, %scan3A_206 : i32
          %add3A_570 = arith.constant 1 : i32
          %add3A_571 = arith.addi %mul3A_569, %add3A_570 : i32
          %get3A_572 = arith.index_cast %rem3A_56 : i32 to index
          %get3A_573 = arith.index_cast %add3A_571 : i32 to index
          %get3A_574 = arith.constant 144 : index
          %get3A_575 = tpu.vector_load %arg13[%get3A_572, %get3A_573, %get3A_574] {strides = array<i32>} : memref<2x64x208xf32, #tpu.memory_space<vmem>>, vector<1x1x16xf32>,
          %get3A_576 = vector.shape_cast %get3A_575 : vector<1x1x16xf32> to vector<16xf32>
          %add3A_577 = arith.addf %get3A_567, %get3A_576 : vector<16xf32>
          %mul3A_578 = arith.constant 4 : i32
          %mul3A_579 = arith.muli %mul3A_578, %scan3A_206 : i32
          %add3A_580 = arith.constant 2 : i32
          %add3A_581 = arith.addi %mul3A_579, %add3A_580 : i32
          %get3A_582 = arith.index_cast %rem3A_56 : i32 to index
          %get3A_583 = arith.index_cast %add3A_581 : i32 to index
          %get3A_584 = arith.constant 144 : index
          %get3A_585 = tpu.vector_load %arg13[%get3A_582, %get3A_583, %get3A_584] {strides = array<i32>} : memref<2x64x208xf32, #tpu.memory_space<vmem>>, vector<1x1x16xf32>,
          %get3A_586 = vector.shape_cast %get3A_585 : vector<1x1x16xf32> to vector<16xf32>
          %mul3A_587 = arith.constant 4 : i32
          %mul3A_588 = arith.muli %mul3A_587, %scan3A_206 : i32
          %add3A_589 = arith.constant 3 : i32
          %add3A_590 = arith.addi %mul3A_588, %add3A_589 : i32
          %get3A_591 = arith.index_cast %rem3A_56 : i32 to index
          %get3A_592 = arith.index_cast %add3A_590 : i32 to index
          %get3A_593 = arith.constant 144 : index
          %get3A_594 = tpu.vector_load %arg13[%get3A_591, %get3A_592, %get3A_593] {strides = array<i32>} : memref<2x64x208xf32, #tpu.memory_space<vmem>>, vector<1x1x16xf32>,
          %get3A_595 = vector.shape_cast %get3A_594 : vector<1x1x16xf32> to vector<16xf32>
          %add3A_596 = arith.addf %get3A_586, %get3A_595 : vector<16xf32>
          %add3A_597 = arith.addf %add3A_577, %add3A_596 : vector<16xf32>
          %add3A_598 = arith.addf %scan3A_216, %add3A_597 : vector<16xf32>
          %mul3A_599 = arith.constant 4 : i32
          %mul3A_600 = arith.muli %mul3A_599, %scan3A_206 : i32
          %get3A_601 = arith.index_cast %rem3A_56 : i32 to index
          %get3A_602 = arith.index_cast %mul3A_600 : i32 to index
          %get3A_603 = arith.constant 160 : index
          %get3A_604 = tpu.vector_load %arg13[%get3A_601, %get3A_602, %get3A_603] {strides = array<i32>} : memref<2x64x208xf32, #tpu.memory_space<vmem>>, vector<1x1x16xf32>,
          %get3A_605 = vector.shape_cast %get3A_604 : vector<1x1x16xf32> to vector<16xf32>
          %mul3A_606 = arith.constant 4 : i32
          %mul3A_607 = arith.muli %mul3A_606, %scan3A_206 : i32
          %add3A_608 = arith.constant 1 : i32
          %add3A_609 = arith.addi %mul3A_607, %add3A_608 : i32
          %get3A_610 = arith.index_cast %rem3A_56 : i32 to index
          %get3A_611 = arith.index_cast %add3A_609 : i32 to index
          %get3A_612 = arith.constant 160 : index
          %get3A_613 = tpu.vector_load %arg13[%get3A_610, %get3A_611, %get3A_612] {strides = array<i32>} : memref<2x64x208xf32, #tpu.memory_space<vmem>>, vector<1x1x16xf32>,
          %get3A_614 = vector.shape_cast %get3A_613 : vector<1x1x16xf32> to vector<16xf32>
          %add3A_615 = arith.addf %get3A_605, %get3A_614 : vector<16xf32>
          %mul3A_616 = arith.constant 4 : i32
          %mul3A_617 = arith.muli %mul3A_616, %scan3A_206 : i32
          %add3A_618 = arith.constant 2 : i32
          %add3A_619 = arith.addi %mul3A_617, %add3A_618 : i32
          %get3A_620 = arith.index_cast %rem3A_56 : i32 to index
          %get3A_621 = arith.index_cast %add3A_619 : i32 to index
          %get3A_622 = arith.constant 160 : index
          %get3A_623 = tpu.vector_load %arg13[%get3A_620, %get3A_621, %get3A_622] {strides = array<i32>} : memref<2x64x208xf32, #tpu.memory_space<vmem>>, vector<1x1x16xf32>,
          %get3A_624 = vector.shape_cast %get3A_623 : vector<1x1x16xf32> to vector<16xf32>
          %mul3A_625 = arith.constant 4 : i32
          %mul3A_626 = arith.muli %mul3A_625, %scan3A_206 : i32
          %add3A_627 = arith.constant 3 : i32
          %add3A_628 = arith.addi %mul3A_626, %add3A_627 : i32
          %get3A_629 = arith.index_cast %rem3A_56 : i32 to index
          %get3A_630 = arith.index_cast %add3A_628 : i32 to index
          %get3A_631 = arith.constant 160 : index
          %get3A_632 = tpu.vector_load %arg13[%get3A_629, %get3A_630, %get3A_631] {strides = array<i32>} : memref<2x64x208xf32, #tpu.memory_space<vmem>>, vector<1x1x16xf32>,
          %get3A_633 = vector.shape_cast %get3A_632 : vector<1x1x16xf32> to vector<16xf32>
          %add3A_634 = arith.addf %get3A_624, %get3A_633 : vector<16xf32>
          %add3A_635 = arith.addf %add3A_615, %add3A_634 : vector<16xf32>
          %add3A_636 = arith.addf %scan3A_217, %add3A_635 : vector<16xf32>
          %mul3A_637 = arith.constant 4 : i32
          %mul3A_638 = arith.muli %mul3A_637, %scan3A_206 : i32
          %get3A_639 = arith.index_cast %rem3A_56 : i32 to index
          %get3A_640 = arith.index_cast %mul3A_638 : i32 to index
          %get3A_641 = arith.constant 176 : index
          %get3A_642 = tpu.vector_load %arg13[%get3A_639, %get3A_640, %get3A_641] {strides = array<i32>} : memref<2x64x208xf32, #tpu.memory_space<vmem>>, vector<1x1x16xf32>,
          %get3A_643 = vector.shape_cast %get3A_642 : vector<1x1x16xf32> to vector<16xf32>
          %mul3A_644 = arith.constant 4 : i32
          %mul3A_645 = arith.muli %mul3A_644, %scan3A_206 : i32
          %add3A_646 = arith.constant 1 : i32
          %add3A_647 = arith.addi %mul3A_645, %add3A_646 : i32
          %get3A_648 = arith.index_cast %rem3A_56 : i32 to index
          %get3A_649 = arith.index_cast %add3A_647 : i32 to index
          %get3A_650 = arith.constant 176 : index
          %get3A_651 = tpu.vector_load %arg13[%get3A_648, %get3A_649, %get3A_650] {strides = array<i32>} : memref<2x64x208xf32, #tpu.memory_space<vmem>>, vector<1x1x16xf32>,
          %get3A_652 = vector.shape_cast %get3A_651 : vector<1x1x16xf32> to vector<16xf32>
          %add3A_653 = arith.addf %get3A_643, %get3A_652 : vector<16xf32>
          %mul3A_654 = arith.constant 4 : i32
          %mul3A_655 = arith.muli %mul3A_654, %scan3A_206 : i32
          %add3A_656 = arith.constant 2 : i32
          %add3A_657 = arith.addi %mul3A_655, %add3A_656 : i32
          %get3A_658 = arith.index_cast %rem3A_56 : i32 to index
          %get3A_659 = arith.index_cast %add3A_657 : i32 to index
          %get3A_660 = arith.constant 176 : index
          %get3A_661 = tpu.vector_load %arg13[%get3A_658, %get3A_659, %get3A_660] {strides = array<i32>} : memref<2x64x208xf32, #tpu.memory_space<vmem>>, vector<1x1x16xf32>,
          %get3A_662 = vector.shape_cast %get3A_661 : vector<1x1x16xf32> to vector<16xf32>
          %mul3A_663 = arith.constant 4 : i32
          %mul3A_664 = arith.muli %mul3A_663, %scan3A_206 : i32
          %add3A_665 = arith.constant 3 : i32
          %add3A_666 = arith.addi %mul3A_664, %add3A_665 : i32
          %get3A_667 = arith.index_cast %rem3A_56 : i32 to index
          %get3A_668 = arith.index_cast %add3A_666 : i32 to index
          %get3A_669 = arith.constant 176 : index
          %get3A_670 = tpu.vector_load %arg13[%get3A_667, %get3A_668, %get3A_669] {strides = array<i32>} : memref<2x64x208xf32, #tpu.memory_space<vmem>>, vector<1x1x16xf32>,
          %get3A_671 = vector.shape_cast %get3A_670 : vector<1x1x16xf32> to vector<16xf32>
          %add3A_672 = arith.addf %get3A_662, %get3A_671 : vector<16xf32>
          %add3A_673 = arith.addf %add3A_653, %add3A_672 : vector<16xf32>
          %add3A_674 = arith.addf %scan3A_218, %add3A_673 : vector<16xf32>
          %mul3A_675 = arith.constant 4 : i32
          %mul3A_676 = arith.muli %mul3A_675, %scan3A_206 : i32
          %get3A_677 = arith.index_cast %rem3A_56 : i32 to index
          %get3A_678 = arith.index_cast %mul3A_676 : i32 to index
          %get3A_679 = arith.constant 192 : index
          %get3A_680 = tpu.vector_load %arg13[%get3A_677, %get3A_678, %get3A_679] {strides = array<i32>} : memref<2x64x208xf32, #tpu.memory_space<vmem>>, vector<1x1x16xf32>,
          %get3A_681 = vector.shape_cast %get3A_680 : vector<1x1x16xf32> to vector<16xf32>
          %mul3A_682 = arith.constant 4 : i32
          %mul3A_683 = arith.muli %mul3A_682, %scan3A_206 : i32
          %add3A_684 = arith.constant 1 : i32
          %add3A_685 = arith.addi %mul3A_683, %add3A_684 : i32
          %get3A_686 = arith.index_cast %rem3A_56 : i32 to index
          %get3A_687 = arith.index_cast %add3A_685 : i32 to index
          %get3A_688 = arith.constant 192 : index
          %get3A_689 = tpu.vector_load %arg13[%get3A_686, %get3A_687, %get3A_688] {strides = array<i32>} : memref<2x64x208xf32, #tpu.memory_space<vmem>>, vector<1x1x16xf32>,
          %get3A_690 = vector.shape_cast %get3A_689 : vector<1x1x16xf32> to vector<16xf32>
          %add3A_691 = arith.addf %get3A_681, %get3A_690 : vector<16xf32>
          %mul3A_692 = arith.constant 4 : i32
          %mul3A_693 = arith.muli %mul3A_692, %scan3A_206 : i32
          %add3A_694 = arith.constant 2 : i32
          %add3A_695 = arith.addi %mul3A_693, %add3A_694 : i32
          %get3A_696 = arith.index_cast %rem3A_56 : i32 to index
          %get3A_697 = arith.index_cast %add3A_695 : i32 to index
          %get3A_698 = arith.constant 192 : index
          %get3A_699 = tpu.vector_load %arg13[%get3A_696, %get3A_697, %get3A_698] {strides = array<i32>} : memref<2x64x208xf32, #tpu.memory_space<vmem>>, vector<1x1x16xf32>,
          %get3A_700 = vector.shape_cast %get3A_699 : vector<1x1x16xf32> to vector<16xf32>
          %mul3A_701 = arith.constant 4 : i32
          %mul3A_702 = arith.muli %mul3A_701, %scan3A_206 : i32
          %add3A_703 = arith.constant 3 : i32
          %add3A_704 = arith.addi %mul3A_702, %add3A_703 : i32
          %get3A_705 = arith.index_cast %rem3A_56 : i32 to index
          %get3A_706 = arith.index_cast %add3A_704 : i32 to index
          %get3A_707 = arith.constant 192 : index
          %get3A_708 = tpu.vector_load %arg13[%get3A_705, %get3A_706, %get3A_707] {strides = array<i32>} : memref<2x64x208xf32, #tpu.memory_space<vmem>>, vector<1x1x16xf32>,
          %get3A_709 = vector.shape_cast %get3A_708 : vector<1x1x16xf32> to vector<16xf32>
          %add3A_710 = arith.addf %get3A_700, %get3A_709 : vector<16xf32>
          %add3A_711 = arith.addf %add3A_691, %add3A_710 : vector<16xf32>
          %add3A_712 = arith.addf %scan3A_219, %add3A_711 : vector<16xf32>
          scf.yield %add3A_256, %add3A_294, %add3A_332, %add3A_370, %add3A_408, %add3A_446, %add3A_484, %add3A_522, %add3A_560, %add3A_598, %add3A_636, %add3A_674, %add3A_712 : vector<16xf32>, vector<16xf32>, vector<16xf32>, vector<16xf32>, vector<16xf32>, vector<16xf32>, vector<16xf32>, vector<16xf32>, vector<16xf32>, vector<16xf32>, vector<16xf32>, vector<16xf32>, vector<16xf32>
        }
        %scan3A_101 = arith.constant 16 : i32
        %mul3A_102 = arith.constant 1.562500e-02 : f32
        %mul3A_103 = vector.broadcast %mul3A_102 : f32 to vector<16xf32>
        %mul3A_104 = arith.mulf %scan3A_100#0, %mul3A_103 : vector<16xf32>
        %swap3A = arith.index_cast %scan3A_54 : i32 to index
        %swap3A_105 = arith.constant 0 : index
        %swap3A_106 = tpu.vector_load %arg14[%swap3A, %swap3A_105] {strides = array<i32>} : memref<32x208xf32, #tpu.memory_space<vmem>>, vector<1x16xf32>,
        %swap3A_107 = vector.shape_cast %swap3A_106 : vector<1x16xf32> to vector<16xf32>
        %swap3A_108 = vector.shape_cast %mul3A_104 : vector<16xf32> to vector<1x16xf32>
        tpu.vector_store %arg14[%swap3A, %swap3A_105], %swap3A_108 {strides = array<i32>} : memref<32x208xf32, #tpu.memory_space<vmem>>, vector<1x16xf32>,
        %mul3A_109 = arith.constant 1.562500e-02 : f32
        %mul3A_110 = vector.broadcast %mul3A_109 : f32 to vector<16xf32>
        %mul3A_111 = arith.mulf %scan3A_100#1, %mul3A_110 : vector<16xf32>
        %swap3A_112 = arith.index_cast %scan3A_54 : i32 to index
        %swap3A_113 = arith.constant 16 : index
        %swap3A_114 = tpu.vector_load %arg14[%swap3A_112, %swap3A_113] {strides = array<i32>} : memref<32x208xf32, #tpu.memory_space<vmem>>, vector<1x16xf32>,
        %swap3A_115 = vector.shape_cast %swap3A_114 : vector<1x16xf32> to vector<16xf32>
        %swap3A_116 = vector.shape_cast %mul3A_111 : vector<16xf32> to vector<1x16xf32>
        tpu.vector_store %arg14[%swap3A_112, %swap3A_113], %swap3A_116 {strides = array<i32>} : memref<32x208xf32, #tpu.memory_space<vmem>>, vector<1x16xf32>,
        %mul3A_117 = arith.constant 1.562500e-02 : f32
        %mul3A_118 = vector.broadcast %mul3A_117 : f32 to vector<16xf32>
        %mul3A_119 = arith.mulf %scan3A_100#2, %mul3A_118 : vector<16xf32>
        %swap3A_120 = arith.index_cast %scan3A_54 : i32 to index
        %swap3A_121 = arith.constant 32 : index
        %swap3A_122 = tpu.vector_load %arg14[%swap3A_120, %swap3A_121] {strides = array<i32>} : memref<32x208xf32, #tpu.memory_space<vmem>>, vector<1x16xf32>,
        %swap3A_123 = vector.shape_cast %swap3A_122 : vector<1x16xf32> to vector<16xf32>
        %swap3A_124 = vector.shape_cast %mul3A_119 : vector<16xf32> to vector<1x16xf32>
        tpu.vector_store %arg14[%swap3A_120, %swap3A_121], %swap3A_124 {strides = array<i32>} : memref<32x208xf32, #tpu.memory_space<vmem>>, vector<1x16xf32>,
        %mul3A_125 = arith.constant 1.562500e-02 : f32
        %mul3A_126 = vector.broadcast %mul3A_125 : f32 to vector<16xf32>
        %mul3A_127 = arith.mulf %scan3A_100#3, %mul3A_126 : vector<16xf32>
        %swap3A_128 = arith.index_cast %scan3A_54 : i32 to index
        %swap3A_129 = arith.constant 48 : index
        %swap3A_130 = tpu.vector_load %arg14[%swap3A_128, %swap3A_129] {strides = array<i32>} : memref<32x208xf32, #tpu.memory_space<vmem>>, vector<1x16xf32>,
        %swap3A_131 = vector.shape_cast %swap3A_130 : vector<1x16xf32> to vector<16xf32>
        %swap3A_132 = vector.shape_cast %mul3A_127 : vector<16xf32> to vector<1x16xf32>
        tpu.vector_store %arg14[%swap3A_128, %swap3A_129], %swap3A_132 {strides = array<i32>} : memref<32x208xf32, #tpu.memory_space<vmem>>, vector<1x16xf32>,
        %mul3A_133 = arith.constant 1.562500e-02 : f32
        %mul3A_134 = vector.broadcast %mul3A_133 : f32 to vector<16xf32>
        %mul3A_135 = arith.mulf %scan3A_100#4, %mul3A_134 : vector<16xf32>
        %swap3A_136 = arith.index_cast %scan3A_54 : i32 to index
        %swap3A_137 = arith.constant 64 : index
        %swap3A_138 = tpu.vector_load %arg14[%swap3A_136, %swap3A_137] {strides = array<i32>} : memref<32x208xf32, #tpu.memory_space<vmem>>, vector<1x16xf32>,
        %swap3A_139 = vector.shape_cast %swap3A_138 : vector<1x16xf32> to vector<16xf32>
        %swap3A_140 = vector.shape_cast %mul3A_135 : vector<16xf32> to vector<1x16xf32>
        tpu.vector_store %arg14[%swap3A_136, %swap3A_137], %swap3A_140 {strides = array<i32>} : memref<32x208xf32, #tpu.memory_space<vmem>>, vector<1x16xf32>,
        %mul3A_141 = arith.constant 1.562500e-02 : f32
        %mul3A_142 = vector.broadcast %mul3A_141 : f32 to vector<16xf32>
        %mul3A_143 = arith.mulf %scan3A_100#5, %mul3A_142 : vector<16xf32>
        %swap3A_144 = arith.index_cast %scan3A_54 : i32 to index
        %swap3A_145 = arith.constant 80 : index
        %swap3A_146 = tpu.vector_load %arg14[%swap3A_144, %swap3A_145] {strides = array<i32>} : memref<32x208xf32, #tpu.memory_space<vmem>>, vector<1x16xf32>,
        %swap3A_147 = vector.shape_cast %swap3A_146 : vector<1x16xf32> to vector<16xf32>
        %swap3A_148 = vector.shape_cast %mul3A_143 : vector<16xf32> to vector<1x16xf32>
        tpu.vector_store %arg14[%swap3A_144, %swap3A_145], %swap3A_148 {strides = array<i32>} : memref<32x208xf32, #tpu.memory_space<vmem>>, vector<1x16xf32>,
        %mul3A_149 = arith.constant 1.562500e-02 : f32
        %mul3A_150 = vector.broadcast %mul3A_149 : f32 to vector<16xf32>
        %mul3A_151 = arith.mulf %scan3A_100#6, %mul3A_150 : vector<16xf32>
        %swap3A_152 = arith.index_cast %scan3A_54 : i32 to index
        %swap3A_153 = arith.constant 96 : index
        %swap3A_154 = tpu.vector_load %arg14[%swap3A_152, %swap3A_153] {strides = array<i32>} : memref<32x208xf32, #tpu.memory_space<vmem>>, vector<1x16xf32>,
        %swap3A_155 = vector.shape_cast %swap3A_154 : vector<1x16xf32> to vector<16xf32>
        %swap3A_156 = vector.shape_cast %mul3A_151 : vector<16xf32> to vector<1x16xf32>
        tpu.vector_store %arg14[%swap3A_152, %swap3A_153], %swap3A_156 {strides = array<i32>} : memref<32x208xf32, #tpu.memory_space<vmem>>, vector<1x16xf32>,
        %mul3A_157 = arith.constant 1.562500e-02 : f32
        %mul3A_158 = vector.broadcast %mul3A_157 : f32 to vector<16xf32>
        %mul3A_159 = arith.mulf %scan3A_100#7, %mul3A_158 : vector<16xf32>
        %swap3A_160 = arith.index_cast %scan3A_54 : i32 to index
        %swap3A_161 = arith.constant 112 : index
        %swap3A_162 = tpu.vector_load %arg14[%swap3A_160, %swap3A_161] {strides = array<i32>} : memref<32x208xf32, #tpu.memory_space<vmem>>, vector<1x16xf32>,
        %swap3A_163 = vector.shape_cast %swap3A_162 : vector<1x16xf32> to vector<16xf32>
        %swap3A_164 = vector.shape_cast %mul3A_159 : vector<16xf32> to vector<1x16xf32>
        tpu.vector_store %arg14[%swap3A_160, %swap3A_161], %swap3A_164 {strides = array<i32>} : memref<32x208xf32, #tpu.memory_space<vmem>>, vector<1x16xf32>,
        %mul3A_165 = arith.constant 1.562500e-02 : f32
        %mul3A_166 = vector.broadcast %mul3A_165 : f32 to vector<16xf32>
        %mul3A_167 = arith.mulf %scan3A_100#8, %mul3A_166 : vector<16xf32>
        %swap3A_168 = arith.index_cast %scan3A_54 : i32 to index
        %swap3A_169 = arith.constant 128 : index
        %swap3A_170 = tpu.vector_load %arg14[%swap3A_168, %swap3A_169] {strides = array<i32>} : memref<32x208xf32, #tpu.memory_space<vmem>>, vector<1x16xf32>,
        %swap3A_171 = vector.shape_cast %swap3A_170 : vector<1x16xf32> to vector<16xf32>
        %swap3A_172 = vector.shape_cast %mul3A_167 : vector<16xf32> to vector<1x16xf32>
        tpu.vector_store %arg14[%swap3A_168, %swap3A_169], %swap3A_172 {strides = array<i32>} : memref<32x208xf32, #tpu.memory_space<vmem>>, vector<1x16xf32>,
        %mul3A_173 = arith.constant 1.562500e-02 : f32
        %mul3A_174 = vector.broadcast %mul3A_173 : f32 to vector<16xf32>
        %mul3A_175 = arith.mulf %scan3A_100#9, %mul3A_174 : vector<16xf32>
        %swap3A_176 = arith.index_cast %scan3A_54 : i32 to index
        %swap3A_177 = arith.constant 144 : index
        %swap3A_178 = tpu.vector_load %arg14[%swap3A_176, %swap3A_177] {strides = array<i32>} : memref<32x208xf32, #tpu.memory_space<vmem>>, vector<1x16xf32>,
        %swap3A_179 = vector.shape_cast %swap3A_178 : vector<1x16xf32> to vector<16xf32>
        %swap3A_180 = vector.shape_cast %mul3A_175 : vector<16xf32> to vector<1x16xf32>
        tpu.vector_store %arg14[%swap3A_176, %swap3A_177], %swap3A_180 {strides = array<i32>} : memref<32x208xf32, #tpu.memory_space<vmem>>, vector<1x16xf32>,
        %mul3A_181 = arith.constant 1.562500e-02 : f32
        %mul3A_182 = vector.broadcast %mul3A_181 : f32 to vector<16xf32>
        %mul3A_183 = arith.mulf %scan3A_100#10, %mul3A_182 : vector<16xf32>
        %swap3A_184 = arith.index_cast %scan3A_54 : i32 to index
        %swap3A_185 = arith.constant 160 : index
        %swap3A_186 = tpu.vector_load %arg14[%swap3A_184, %swap3A_185] {strides = array<i32>} : memref<32x208xf32, #tpu.memory_space<vmem>>, vector<1x16xf32>,
        %swap3A_187 = vector.shape_cast %swap3A_186 : vector<1x16xf32> to vector<16xf32>
        %swap3A_188 = vector.shape_cast %mul3A_183 : vector<16xf32> to vector<1x16xf32>
        tpu.vector_store %arg14[%swap3A_184, %swap3A_185], %swap3A_188 {strides = array<i32>} : memref<32x208xf32, #tpu.memory_space<vmem>>, vector<1x16xf32>,
        %mul3A_189 = arith.constant 1.562500e-02 : f32
        %mul3A_190 = vector.broadcast %mul3A_189 : f32 to vector<16xf32>
        %mul3A_191 = arith.mulf %scan3A_100#11, %mul3A_190 : vector<16xf32>
        %swap3A_192 = arith.index_cast %scan3A_54 : i32 to index
        %swap3A_193 = arith.constant 176 : index
        %swap3A_194 = tpu.vector_load %arg14[%swap3A_192, %swap3A_193] {strides = array<i32>} : memref<32x208xf32, #tpu.memory_space<vmem>>, vector<1x16xf32>,
        %swap3A_195 = vector.shape_cast %swap3A_194 : vector<1x16xf32> to vector<16xf32>
        %swap3A_196 = vector.shape_cast %mul3A_191 : vector<16xf32> to vector<1x16xf32>
        tpu.vector_store %arg14[%swap3A_192, %swap3A_193], %swap3A_196 {strides = array<i32>} : memref<32x208xf32, #tpu.memory_space<vmem>>, vector<1x16xf32>,
        %mul3A_197 = arith.constant 1.562500e-02 : f32
        %mul3A_198 = vector.broadcast %mul3A_197 : f32 to vector<16xf32>
        %mul3A_199 = arith.mulf %scan3A_100#12, %mul3A_198 : vector<16xf32>
        %swap3A_200 = arith.index_cast %scan3A_54 : i32 to index
        %swap3A_201 = arith.constant 192 : index
        %swap3A_202 = tpu.vector_load %arg14[%swap3A_200, %swap3A_201] {strides = array<i32>} : memref<32x208xf32, #tpu.memory_space<vmem>>, vector<1x16xf32>,
        %swap3A_203 = vector.shape_cast %swap3A_202 : vector<1x16xf32> to vector<16xf32>
        %swap3A_204 = vector.shape_cast %mul3A_199 : vector<16xf32> to vector<1x16xf32>
        tpu.vector_store %arg14[%swap3A_200, %swap3A_201], %swap3A_204 {strides = array<i32>} : memref<32x208xf32, #tpu.memory_space<vmem>>, vector<1x16xf32>,
        %scan3A_205 = arith.constant 0 : i32
        scf.yield %scan3A_205 : i32
      }
      %scan3A_52 = arith.constant 32 : i32
      "tpu.region"() ({
        %run_scoped3A = tpu.sem_alloc : memref<!tpu.dma_semaphore, #tpu.memory_space<semaphore_mem>>
        %dma_start3A_54 = arith.constant 0 : i32
        %dma_start3A_55 = tpu.memref_slice %arg8[%mul3A_27, %dma_start3A_54] : memref<10240x208xf32, #tpu.memory_space<hbm>> -> memref<32x208xf32, #tpu.memory_space<hbm>>
        %dma_start3A_56 = arith.constant 0 : i32
        %dma_start3A_57 = tpu.memref_slice %arg8[%mul3A_27, %dma_start3A_56] : memref<10240x208xf32, #tpu.memory_space<hbm>> -> memref<32x208xf32, #tpu.memory_space<hbm>>
        tpu.enqueue_dma source(%arg14 : memref<32x208xf32, #tpu.memory_space<vmem>>) target(%dma_start3A_57 : memref<32x208xf32, #tpu.memory_space<hbm>>) target_semaphore(%run_scoped3A : memref<!tpu.dma_semaphore, #tpu.memory_space<semaphore_mem>>)
        %dma_wait3A_58 = arith.constant 0 : i32
        %dma_wait3A_59 = tpu.memref_slice %arg8[%mul3A_27, %dma_wait3A_58] : memref<10240x208xf32, #tpu.memory_space<hbm>> -> memref<32x208xf32, #tpu.memory_space<hbm>>
        %dma_wait3A_60 = arith.constant 0 : i32
        %dma_wait3A_61 = tpu.memref_slice %arg8[%mul3A_27, %dma_wait3A_60] : memref<10240x208xf32, #tpu.memory_space<hbm>> -> memref<32x208xf32, #tpu.memory_space<hbm>>
        tpu.wait_dma2 semaphore(%run_scoped3A : memref<!tpu.dma_semaphore, #tpu.memory_space<semaphore_mem>>) src(%arg14 : memref<32x208xf32, #tpu.memory_space<vmem>>) dst(%dma_wait3A_61 : memref<32x208xf32, #tpu.memory_space<hbm>>)
        tpu.yield
      }) : () -> ()
      %scan3A_53 = arith.constant 0 : i32
      scf.yield %scan3A_53 : i32
    }
    %scan3A_6 = arith.constant 10 : i32
    %mul3A_7 = arith.constant 32 : i32
    %mul3A_8 = arith.muli %add3A, %mul3A_7 : i32
    "tpu.region"() ({
      %run_scoped3A = tpu.sem_alloc : memref<!tpu.dma_semaphore, #tpu.memory_space<semaphore_mem>>
      %dma_start3A_21 = tpu.memref_slice %arg4[%mul3A_8] : memref<1024xi32, #tpu.memory_space<hbm>> -> memref<32xi32, #tpu.memory_space<hbm>>
      %dma_start3A_22 = tpu.memref_slice %arg4[%mul3A_8] : memref<1024xi32, #tpu.memory_space<hbm>> -> memref<32xi32, #tpu.memory_space<hbm>>
      tpu.enqueue_dma source(%dma_start3A_22 : memref<32xi32, #tpu.memory_space<hbm>>) target(%arg15 : memref<32xi32, #tpu.memory_space<vmem>>) target_semaphore(%run_scoped3A : memref<!tpu.dma_semaphore, #tpu.memory_space<semaphore_mem>>)
      %dma_wait3A_23 = tpu.memref_slice %arg4[%mul3A_8] : memref<1024xi32, #tpu.memory_space<hbm>> -> memref<32xi32, #tpu.memory_space<hbm>>
      %dma_wait3A_24 = tpu.memref_slice %arg4[%mul3A_8] : memref<1024xi32, #tpu.memory_space<hbm>> -> memref<32xi32, #tpu.memory_space<hbm>>
      tpu.wait_dma2 semaphore(%run_scoped3A : memref<!tpu.dma_semaphore, #tpu.memory_space<semaphore_mem>>) src(%dma_wait3A_24 : memref<32xi32, #tpu.memory_space<hbm>>) dst(%arg15 : memref<32xi32, #tpu.memory_space<vmem>>)
      tpu.yield
    }) : () -> ()
    %dma_start3A = arith.constant 0 : i32
    %dma_start3A_9 = arith.constant 0 : i32
    %dma_start3A_10 = tpu.memref_slice %arg6[%dma_start3A, %dma_start3A_9] : memref<10000x208xf32, #tpu.memory_space<hbm>> -> memref<10000x208xf32, #tpu.memory_space<hbm>>
    tpu.enqueue_indirect_dma source(%dma_start3A_10 : memref<10000x208xf32, #tpu.memory_space<hbm>>) target(%arg16 : memref<32x208xf32, #tpu.memory_space<vmem>>) offsets(%arg15 : memref<32xi32, #tpu.memory_space<vmem>>) semaphore(%arg17 : memref<!tpu.dma_semaphore, #tpu.memory_space<semaphore_mem>>)
    %dma_wait3A = arith.constant 0 : i32
    %dma_wait3A_11 = arith.constant 0 : i32
    %dma_wait3A_12 = tpu.memref_slice %arg6[%dma_wait3A, %dma_wait3A_11] : memref<10000x208xf32, #tpu.memory_space<hbm>> -> memref<10000x208xf32, #tpu.memory_space<hbm>>
    tpu.wait_indirect_dma semaphore(%arg17 : memref<!tpu.dma_semaphore, #tpu.memory_space<semaphore_mem>>) src(%dma_wait3A_12 : memref<10000x208xf32, #tpu.memory_space<hbm>>) dst(%arg16 : memref<32x208xf32, #tpu.memory_space<vmem>>)
    "tpu.region"() ({
      %run_scoped3A = tpu.sem_alloc : memref<!tpu.dma_semaphore, #tpu.memory_space<semaphore_mem>>
      %dma_start3A_21 = arith.constant 0 : i32
      %dma_start3A_22 = tpu.memref_slice %arg9[%mul3A_8, %dma_start3A_21] : memref<1024x208xf32, #tpu.memory_space<hbm>> -> memref<32x208xf32, #tpu.memory_space<hbm>>
      %dma_start3A_23 = arith.constant 0 : i32
      %dma_start3A_24 = tpu.memref_slice %arg9[%mul3A_8, %dma_start3A_23] : memref<1024x208xf32, #tpu.memory_space<hbm>> -> memref<32x208xf32, #tpu.memory_space<hbm>>
      tpu.enqueue_dma source(%arg16 : memref<32x208xf32, #tpu.memory_space<vmem>>) target(%dma_start3A_24 : memref<32x208xf32, #tpu.memory_space<hbm>>) target_semaphore(%run_scoped3A : memref<!tpu.dma_semaphore, #tpu.memory_space<semaphore_mem>>)
      %dma_wait3A_25 = arith.constant 0 : i32
      %dma_wait3A_26 = tpu.memref_slice %arg9[%mul3A_8, %dma_wait3A_25] : memref<1024x208xf32, #tpu.memory_space<hbm>> -> memref<32x208xf32, #tpu.memory_space<hbm>>
      %dma_wait3A_27 = arith.constant 0 : i32
      %dma_wait3A_28 = tpu.memref_slice %arg9[%mul3A_8, %dma_wait3A_27] : memref<1024x208xf32, #tpu.memory_space<hbm>> -> memref<32x208xf32, #tpu.memory_space<hbm>>
      tpu.wait_dma2 semaphore(%run_scoped3A : memref<!tpu.dma_semaphore, #tpu.memory_space<semaphore_mem>>) src(%arg16 : memref<32x208xf32, #tpu.memory_space<vmem>>) dst(%dma_wait3A_28 : memref<32x208xf32, #tpu.memory_space<hbm>>)
      tpu.yield
    }) : () -> ()
    %mul3A_13 = arith.constant 32 : i32
    %mul3A_14 = arith.muli %add3A, %mul3A_13 : i32
    "tpu.region"() ({
      %run_scoped3A = tpu.sem_alloc : memref<!tpu.dma_semaphore, #tpu.memory_space<semaphore_mem>>
      %dma_start3A_21 = tpu.memref_slice %arg5[%mul3A_14] : memref<1024xi32, #tpu.memory_space<hbm>> -> memref<32xi32, #tpu.memory_space<hbm>>
      %dma_start3A_22 = tpu.memref_slice %arg5[%mul3A_14] : memref<1024xi32, #tpu.memory_space<hbm>> -> memref<32xi32, #tpu.memory_space<hbm>>
      tpu.enqueue_dma source(%dma_start3A_22 : memref<32xi32, #tpu.memory_space<hbm>>) target(%arg15 : memref<32xi32, #tpu.memory_space<vmem>>) target_semaphore(%run_scoped3A : memref<!tpu.dma_semaphore, #tpu.memory_space<semaphore_mem>>)
      %dma_wait3A_23 = tpu.memref_slice %arg5[%mul3A_14] : memref<1024xi32, #tpu.memory_space<hbm>> -> memref<32xi32, #tpu.memory_space<hbm>>
      %dma_wait3A_24 = tpu.memref_slice %arg5[%mul3A_14] : memref<1024xi32, #tpu.memory_space<hbm>> -> memref<32xi32, #tpu.memory_space<hbm>>
      tpu.wait_dma2 semaphore(%run_scoped3A : memref<!tpu.dma_semaphore, #tpu.memory_space<semaphore_mem>>) src(%dma_wait3A_24 : memref<32xi32, #tpu.memory_space<hbm>>) dst(%arg15 : memref<32xi32, #tpu.memory_space<vmem>>)
      tpu.yield
    }) : () -> ()
    %dma_start3A_15 = arith.constant 0 : i32
    %dma_start3A_16 = arith.constant 0 : i32
    %dma_start3A_17 = tpu.memref_slice %arg7[%dma_start3A_15, %dma_start3A_16] : memref<10000x208xf32, #tpu.memory_space<hbm>> -> memref<10000x208xf32, #tpu.memory_space<hbm>>
    tpu.enqueue_indirect_dma source(%dma_start3A_17 : memref<10000x208xf32, #tpu.memory_space<hbm>>) target(%arg16 : memref<32x208xf32, #tpu.memory_space<vmem>>) offsets(%arg15 : memref<32xi32, #tpu.memory_space<vmem>>) semaphore(%arg17 : memref<!tpu.dma_semaphore, #tpu.memory_space<semaphore_mem>>)
    %dma_wait3A_18 = arith.constant 0 : i32
    %dma_wait3A_19 = arith.constant 0 : i32
    %dma_wait3A_20 = tpu.memref_slice %arg7[%dma_wait3A_18, %dma_wait3A_19] : memref<10000x208xf32, #tpu.memory_space<hbm>> -> memref<10000x208xf32, #tpu.memory_space<hbm>>
    tpu.wait_indirect_dma semaphore(%arg17 : memref<!tpu.dma_semaphore, #tpu.memory_space<semaphore_mem>>) src(%dma_wait3A_20 : memref<10000x208xf32, #tpu.memory_space<hbm>>) dst(%arg16 : memref<32x208xf32, #tpu.memory_space<vmem>>)
    "tpu.region"() ({
      %run_scoped3A = tpu.sem_alloc : memref<!tpu.dma_semaphore, #tpu.memory_space<semaphore_mem>>
      %dma_start3A_21 = arith.constant 0 : i32
      %dma_start3A_22 = tpu.memref_slice %arg10[%mul3A_14, %dma_start3A_21] : memref<1024x208xf32, #tpu.memory_space<hbm>> -> memref<32x208xf32, #tpu.memory_space<hbm>>
      %dma_start3A_23 = arith.constant 0 : i32
      %dma_start3A_24 = tpu.memref_slice %arg10[%mul3A_14, %dma_start3A_23] : memref<1024x208xf32, #tpu.memory_space<hbm>> -> memref<32x208xf32, #tpu.memory_space<hbm>>
      tpu.enqueue_dma source(%arg16 : memref<32x208xf32, #tpu.memory_space<vmem>>) target(%dma_start3A_24 : memref<32x208xf32, #tpu.memory_space<hbm>>) target_semaphore(%run_scoped3A : memref<!tpu.dma_semaphore, #tpu.memory_space<semaphore_mem>>)
      %dma_wait3A_25 = arith.constant 0 : i32
      %dma_wait3A_26 = tpu.memref_slice %arg10[%mul3A_14, %dma_wait3A_25] : memref<1024x208xf32, #tpu.memory_space<hbm>> -> memref<32x208xf32, #tpu.memory_space<hbm>>
      %dma_wait3A_27 = arith.constant 0 : i32
      %dma_wait3A_28 = tpu.memref_slice %arg10[%mul3A_14, %dma_wait3A_27] : memref<1024x208xf32, #tpu.memory_space<hbm>> -> memref<32x208xf32, #tpu.memory_space<hbm>>
      tpu.wait_dma2 semaphore(%run_scoped3A : memref<!tpu.dma_semaphore, #tpu.memory_space<semaphore_mem>>) src(%arg16 : memref<32x208xf32, #tpu.memory_space<vmem>>) dst(%dma_wait3A_28 : memref<32x208xf32, #tpu.memory_space<hbm>>)
      tpu.yield
    }) : () -> ()
    return
  }
}

module attributes {stable_mosaic.version = 14 : i64} {
  func.func @_gru_body(%arg0: memref<10x1024x208xf32, #tpu.memory_space<vmem>>, %arg1: memref<1024x208xf32, #tpu.memory_space<vmem>>, %arg2: memref<1024x208xf32, #tpu.memory_space<vmem>>, %arg3: memref<1024x1xi32, #tpu.memory_space<vmem>>, %arg4: memref<208x600xf32, #tpu.memory_space<vmem>>, %arg5: memref<208x600xf32, #tpu.memory_space<vmem>>, %arg6: memref<208x600xf32, #tpu.memory_space<vmem>>, %arg7: memref<200x600xf32, #tpu.memory_space<vmem>>, %arg8: memref<1x600xf32, #tpu.memory_space<vmem>>, %arg9: memref<1x600xf32, #tpu.memory_space<vmem>>, %arg10: memref<1024x200xf32, #tpu.memory_space<vmem>>) attributes {dimension_semantics = [], scalar_prefetch = 0 : i64, scratch_operands = 0 : i64, tpu.core_type = #tpu.core_type<tc>} {
    %get3A = arith.constant 0 : index
    %get3A_0 = arith.constant 0 : index
    %get3A_1 = vector.load %arg1[%get3A, %get3A_0] : memref<1024x208xf32, #tpu.memory_space<vmem>>, vector<1024x208xf32>
    %get3A_2 = arith.constant 0 : index
    %get3A_3 = arith.constant 0 : index
    %get3A_4 = vector.load %arg2[%get3A_2, %get3A_3] : memref<1024x208xf32, #tpu.memory_space<vmem>>, vector<1024x208xf32>
    %get3A_5 = arith.constant 0 : index
    %get3A_6 = arith.constant 0 : index
    %get3A_7 = vector.load %arg4[%get3A_5, %get3A_6] : memref<208x600xf32, #tpu.memory_space<vmem>>, vector<208x600xf32>
    %dot_general3A = arith.constant dense<0.000000e+00> : vector<1024x600xf32>
    %dot_general3A_8 = tpu.matmul %get3A_1, %get3A_7, %dot_general3A {dimension_numbers = #tpu.dot_dimension_numbers<[1], [0], [0], [1], [0, 0, 1, 1], [], []>, transpose_lhs_hint = false} : vector<1024x208xf32>, vector<208x600xf32>, vector<1024x600xf32> -> vector<1024x600xf32>
    %get3A_9 = arith.constant 0 : index
    %get3A_10 = arith.constant 0 : index
    %get3A_11 = vector.load %arg6[%get3A_9, %get3A_10] : memref<208x600xf32, #tpu.memory_space<vmem>>, vector<208x600xf32>
    %dot_general3A_12 = arith.constant dense<0.000000e+00> : vector<1024x600xf32>
    %dot_general3A_13 = tpu.matmul %get3A_4, %get3A_11, %dot_general3A_12 {dimension_numbers = #tpu.dot_dimension_numbers<[1], [0], [0], [1], [0, 0, 1, 1], [], []>, transpose_lhs_hint = false} : vector<1024x208xf32>, vector<208x600xf32>, vector<1024x600xf32> -> vector<1024x600xf32>
    %add3A = arith.addf %dot_general3A_8, %dot_general3A_13 : vector<1024x600xf32>
    %get3A_14 = arith.constant 0 : index
    %get3A_15 = arith.constant 0 : index
    %get3A_16 = vector.load %arg8[%get3A_14, %get3A_15] : memref<1x600xf32, #tpu.memory_space<vmem>>, vector<1x600xf32>
    %add3A_17 = vector.broadcast %get3A_16 : vector<1x600xf32> to vector<1024x600xf32>
    %add3A_18 = arith.addf %add3A, %add3A_17 : vector<1024x600xf32>
    %get3A_19 = arith.constant 0 : index
    %get3A_20 = arith.constant 0 : index
    %get3A_21 = vector.load %arg3[%get3A_19, %get3A_20] : memref<1024x1xi32, #tpu.memory_space<vmem>>, vector<1024x1xi32>
    %broadcast_in_dim3A = arith.constant 0.000000e+00 : f32
    %broadcast_in_dim3A_22 = vector.broadcast %broadcast_in_dim3A : f32 to vector<1024x200xf32>
    %scan3A = arith.constant 0 : i32
    %scan3A_23 = arith.constant 10 : i32
    %scan3A_24 = arith.addi %scan3A, %scan3A_23 : i32
    %scan3A_25 = arith.constant 1 : i32
    %scan3A_26 = scf.for %scan3A_30 = %scan3A to %scan3A_24 step %scan3A_25 iter_args(%scan3A_31 = %broadcast_in_dim3A_22) -> (vector<1024x200xf32>)  : i32 {
      %get3A_32 = arith.index_cast %scan3A_30 : i32 to index
      %get3A_33 = arith.constant 0 : index
      %get3A_34 = arith.constant 0 : index
      %get3A_35 = vector.load %arg0[%get3A_32, %get3A_33, %get3A_34] : memref<10x1024x208xf32, #tpu.memory_space<vmem>>, vector<1x1024x208xf32>
      %get3A_36 = vector.shape_cast %get3A_35 : vector<1x1024x208xf32> to vector<1024x208xf32>
      %get3A_37 = arith.constant 0 : index
      %get3A_38 = arith.constant 0 : index
      %get3A_39 = vector.load %arg5[%get3A_37, %get3A_38] : memref<208x600xf32, #tpu.memory_space<vmem>>, vector<208x600xf32>
      %dot_general3A_40 = arith.constant dense<0.000000e+00> : vector<1024x600xf32>
      %dot_general3A_41 = tpu.matmul %get3A_36, %get3A_39, %dot_general3A_40 {dimension_numbers = #tpu.dot_dimension_numbers<[1], [0], [0], [1], [0, 0, 1, 1], [], []>, transpose_lhs_hint = false} : vector<1024x208xf32>, vector<208x600xf32>, vector<1024x600xf32> -> vector<1024x600xf32>
      %add3A_42 = arith.addf %add3A_18, %dot_general3A_41 : vector<1024x600xf32>
      %get3A_43 = arith.constant 0 : index
      %get3A_44 = arith.constant 0 : index
      %get3A_45 = vector.load %arg7[%get3A_43, %get3A_44] : memref<200x600xf32, #tpu.memory_space<vmem>>, vector<200x600xf32>
      %dot_general3A_46 = arith.constant dense<0.000000e+00> : vector<1024x600xf32>
      %dot_general3A_47 = tpu.matmul %scan3A_31, %get3A_45, %dot_general3A_46 {dimension_numbers = #tpu.dot_dimension_numbers<[1], [0], [0], [1], [0, 0, 1, 1], [], []>, transpose_lhs_hint = false} : vector<1024x200xf32>, vector<200x600xf32>, vector<1024x600xf32> -> vector<1024x600xf32>
      %get3A_48 = arith.constant 0 : index
      %get3A_49 = arith.constant 0 : index
      %get3A_50 = vector.load %arg9[%get3A_48, %get3A_49] : memref<1x600xf32, #tpu.memory_space<vmem>>, vector<1x600xf32>
      %add3A_51 = vector.broadcast %get3A_50 : vector<1x600xf32> to vector<1024x600xf32>
      %add3A_52 = arith.addf %dot_general3A_47, %add3A_51 : vector<1024x600xf32>
      %slice3A = vector.extract_strided_slice %add3A_42 {offsets = [0, 0], sizes = [1024, 200], strides = [1, 1]} : vector<1024x600xf32> to vector<1024x200xf32>
      %slice3A_53 = vector.extract_strided_slice %add3A_42 {offsets = [0, 200], sizes = [1024, 200], strides = [1, 1]} : vector<1024x600xf32> to vector<1024x200xf32>
      %slice3A_54 = vector.extract_strided_slice %add3A_42 {offsets = [0, 400], sizes = [1024, 200], strides = [1, 1]} : vector<1024x600xf32> to vector<1024x200xf32>
      %slice3A_55 = vector.extract_strided_slice %add3A_52 {offsets = [0, 0], sizes = [1024, 200], strides = [1, 1]} : vector<1024x600xf32> to vector<1024x200xf32>
      %slice3A_56 = vector.extract_strided_slice %add3A_52 {offsets = [0, 200], sizes = [1024, 200], strides = [1, 1]} : vector<1024x600xf32> to vector<1024x200xf32>
      %slice3A_57 = vector.extract_strided_slice %add3A_52 {offsets = [0, 400], sizes = [1024, 200], strides = [1, 1]} : vector<1024x600xf32> to vector<1024x200xf32>
      %add3A_58 = arith.addf %slice3A, %slice3A_55 : vector<1024x200xf32>
      %logistic3A = arith.negf %add3A_58 : vector<1024x200xf32>
      %logistic3A_59 = math.exp %logistic3A : vector<1024x200xf32>
      %logistic3A_60 = arith.constant 1.000000e+00 : f32
      %logistic3A_61 = vector.broadcast %logistic3A_60 : f32 to vector<1024x200xf32>
      %logistic3A_62 = arith.addf %logistic3A_61, %logistic3A_59 : vector<1024x200xf32>
      %logistic3A_63 = arith.divf %logistic3A_61, %logistic3A_62 : vector<1024x200xf32>
      %add3A_64 = arith.addf %slice3A_53, %slice3A_56 : vector<1024x200xf32>
      %logistic3A_65 = arith.negf %add3A_64 : vector<1024x200xf32>
      %logistic3A_66 = math.exp %logistic3A_65 : vector<1024x200xf32>
      %logistic3A_67 = arith.constant 1.000000e+00 : f32
      %logistic3A_68 = vector.broadcast %logistic3A_67 : f32 to vector<1024x200xf32>
      %logistic3A_69 = arith.addf %logistic3A_68, %logistic3A_66 : vector<1024x200xf32>
      %logistic3A_70 = arith.divf %logistic3A_68, %logistic3A_69 : vector<1024x200xf32>
      %mul3A = arith.mulf %logistic3A_63, %slice3A_57 : vector<1024x200xf32>
      %add3A_71 = arith.addf %slice3A_54, %mul3A : vector<1024x200xf32>
      %tanh3A = math.tanh %add3A_71 : vector<1024x200xf32>
      %sub3A = arith.constant 1.000000e+00 : f32
      %sub3A_72 = vector.broadcast %sub3A : f32 to vector<1024x200xf32>
      %sub3A_73 = arith.subf %sub3A_72, %logistic3A_70 : vector<1024x200xf32>
      %mul3A_74 = arith.mulf %sub3A_73, %tanh3A : vector<1024x200xf32>
      %mul3A_75 = arith.mulf %logistic3A_70, %scan3A_31 : vector<1024x200xf32>
      %add3A_76 = arith.addf %mul3A_74, %mul3A_75 : vector<1024x200xf32>
      %gt3A = vector.broadcast %scan3A_30 : i32 to vector<1024x1xi32>
      %gt3A_77 = arith.cmpi sgt, %get3A_21, %gt3A : vector<1024x1xi32>
      %broadcast_in_dim3A_78 = vector.shape_cast %gt3A_77 : vector<1024x1xi1> to vector<1024x1xi1>
      %broadcast_in_dim3A_79 = vector.broadcast %broadcast_in_dim3A_78 : vector<1024x1xi1> to vector<1024x200xi1>
      %select_n3A = arith.select %broadcast_in_dim3A_79, %add3A_76, %scan3A_31 : vector<1024x200xi1>, vector<1024x200xf32>
      scf.yield %select_n3A : vector<1024x200xf32>
    }
    %scan3A_27 = arith.constant 10 : i32
    %swap3A = arith.constant 0 : index
    %swap3A_28 = arith.constant 0 : index
    %swap3A_29 = vector.load %arg10[%swap3A, %swap3A_28] : memref<1024x200xf32, #tpu.memory_space<vmem>>, vector<1024x200xf32>
    tpu.vector_store %arg10[%swap3A, %swap3A_28], %scan3A_26 {strides = array<i32>} : memref<1024x200xf32, #tpu.memory_space<vmem>>, vector<1024x200xf32>,
    return
  }
}

module attributes {stable_mosaic.version = 14 : i64} {
  func.func @_proj_body(%arg0: i32, %arg1: memref<1024x608xf32, #tpu.memory_space<vmem>>, %arg2: memref<608x1024xf32, #tpu.memory_space<vmem>>, %arg3: memref<1024x1xi32, #tpu.memory_space<vmem>>, %arg4: memref<1024x1024xf32, #tpu.memory_space<vmem>>, %arg5: memref<1x1xf32, #tpu.memory_space<vmem>>, %arg6: memref<1024x1xf32, #tpu.memory_space<vmem>>, %arg7: memref<1024x1xf32, #tpu.memory_space<vmem>>, %arg8: memref<1024x1xf32, #tpu.memory_space<vmem>>) attributes {dimension_semantics = [#tpu.dimension_semantics<arbitrary>], iteration_bounds = array<i64: 10>, scalar_prefetch = 0 : i64, scratch_operands = 3 : i64, tpu.core_type = #tpu.core_type<tc>, window_params = [{pipeline_mode = #tpu.pipeline_mode<synchronous>, transform_indices = @transform_0, window_bounds = array<i64: 1024, 608>}, {transform_indices = @transform_1, window_bounds = array<i64: 608, 1024>}, {pipeline_mode = #tpu.pipeline_mode<synchronous>, transform_indices = @transform_2, window_bounds = array<i64: 1024, 1>}, {transform_indices = @transform_3, window_bounds = array<i64: 1024, 1024>}, {pipeline_mode = #tpu.pipeline_mode<synchronous>, transform_indices = @transform_4, window_bounds = array<i64: 1, 1>}]} {
    %eq3A = arith.constant 0 : i32
    %eq3A_0 = arith.cmpi eq, %arg0, %eq3A : i32
    %convert_element_type3A = arith.extui %eq3A_0 : i1 to i32
    %cond3A = arith.constant 0 : i32
    %cond3A_1 = arith.cmpi ne, %convert_element_type3A, %cond3A : i32
    scf.if %cond3A_1 {
      %broadcast_in_dim3A_53 = arith.constant -1.000000e+30 : f32
      %broadcast_in_dim3A_54 = vector.broadcast %broadcast_in_dim3A_53 : f32 to vector<1024x1xf32>
      %swap3A_55 = arith.constant 0 : index
      %swap3A_56 = arith.constant 0 : index
      %swap3A_57 = vector.load %arg6[%swap3A_55, %swap3A_56] : memref<1024x1xf32, #tpu.memory_space<vmem>>, vector<1024x1xf32>
      tpu.vector_store %arg6[%swap3A_55, %swap3A_56], %broadcast_in_dim3A_54 {strides = array<i32>} : memref<1024x1xf32, #tpu.memory_space<vmem>>, vector<1024x1xf32>,
      %broadcast_in_dim3A_58 = arith.constant 0.000000e+00 : f32
      %broadcast_in_dim3A_59 = vector.broadcast %broadcast_in_dim3A_58 : f32 to vector<1024x1xf32>
      %swap3A_60 = arith.constant 0 : index
      %swap3A_61 = arith.constant 0 : index
      %swap3A_62 = vector.load %arg7[%swap3A_60, %swap3A_61] : memref<1024x1xf32, #tpu.memory_space<vmem>>, vector<1024x1xf32>
      tpu.vector_store %arg7[%swap3A_60, %swap3A_61], %broadcast_in_dim3A_59 {strides = array<i32>} : memref<1024x1xf32, #tpu.memory_space<vmem>>, vector<1024x1xf32>,
      %broadcast_in_dim3A_63 = arith.constant 0.000000e+00 : f32
      %broadcast_in_dim3A_64 = vector.broadcast %broadcast_in_dim3A_63 : f32 to vector<1024x1xf32>
      %swap3A_65 = arith.constant 0 : index
      %swap3A_66 = arith.constant 0 : index
      %swap3A_67 = vector.load %arg8[%swap3A_65, %swap3A_66] : memref<1024x1xf32, #tpu.memory_space<vmem>>, vector<1024x1xf32>
      tpu.vector_store %arg8[%swap3A_65, %swap3A_66], %broadcast_in_dim3A_64 {strides = array<i32>} : memref<1024x1xf32, #tpu.memory_space<vmem>>, vector<1024x1xf32>,
    } else {
    }
    %get3A = arith.constant 0 : index
    %get3A_2 = arith.constant 0 : index
    %get3A_3 = vector.load %arg1[%get3A, %get3A_2] : memref<1024x608xf32, #tpu.memory_space<vmem>>, vector<1024x608xf32>
    %get3A_4 = arith.constant 0 : index
    %get3A_5 = arith.constant 0 : index
    %get3A_6 = vector.load %arg2[%get3A_4, %get3A_5] : memref<608x1024xf32, #tpu.memory_space<vmem>>, vector<608x1024xf32>
    %dot_general3A = arith.constant dense<0.000000e+00> : vector<1024x1024xf32>
    %dot_general3A_7 = tpu.matmul %get3A_3, %get3A_6, %dot_general3A {dimension_numbers = #tpu.dot_dimension_numbers<[1], [0], [0], [1], [0, 0, 1, 1], [], []>, transpose_lhs_hint = false} : vector<1024x608xf32>, vector<608x1024xf32>, vector<1024x1024xf32> -> vector<1024x1024xf32>
    %swap3A = arith.constant 0 : index
    %swap3A_8 = arith.constant 0 : index
    %swap3A_9 = vector.load %arg4[%swap3A, %swap3A_8] : memref<1024x1024xf32, #tpu.memory_space<vmem>>, vector<1024x1024xf32>
    tpu.vector_store %arg4[%swap3A, %swap3A_8], %dot_general3A_7 {strides = array<i32>} : memref<1024x1024xf32, #tpu.memory_space<vmem>>, vector<1024x1024xf32>,
    %reduce_max3A = arith.constant dense<0xFF800000> : vector<1024xf32>
    %reduce_max3A_10 = vector.multi_reduction <maximumf>, %dot_general3A_7, %reduce_max3A [1] : vector<1024x1024xf32> to vector<1024xf32>
    %broadcast_in_dim3A = vector.shape_cast %reduce_max3A_10 : vector<1024xf32> to vector<1024x1xf32>
    %get3A_11 = arith.constant 0 : index
    %get3A_12 = arith.constant 0 : index
    %get3A_13 = vector.load %arg6[%get3A_11, %get3A_12] : memref<1024x1xf32, #tpu.memory_space<vmem>>, vector<1024x1xf32>
    %max3A = arith.maximumf %get3A_13, %broadcast_in_dim3A : vector<1024x1xf32>
    %get3A_14 = arith.constant 0 : index
    %get3A_15 = arith.constant 0 : index
    %get3A_16 = vector.load %arg7[%get3A_14, %get3A_15] : memref<1024x1xf32, #tpu.memory_space<vmem>>, vector<1024x1xf32>
    %sub3A = arith.subf %get3A_13, %max3A : vector<1024x1xf32>
    %exp3A = math.exp %sub3A : vector<1024x1xf32>
    %mul3A = arith.mulf %get3A_16, %exp3A : vector<1024x1xf32>
    %sub3A_17 = vector.broadcast %max3A : vector<1024x1xf32> to vector<1024x1024xf32>
    %sub3A_18 = arith.subf %dot_general3A_7, %sub3A_17 : vector<1024x1024xf32>
    %exp3A_19 = math.exp %sub3A_18 : vector<1024x1024xf32>
    %reduce_sum3A = arith.constant dense<0.000000e+00> : vector<1024xf32>
    %reduce_sum3A_20 = vector.multi_reduction <add>, %exp3A_19, %reduce_sum3A [1] : vector<1024x1024xf32> to vector<1024xf32>
    %broadcast_in_dim3A_21 = vector.shape_cast %reduce_sum3A_20 : vector<1024xf32> to vector<1024x1xf32>
    %add3A = arith.addf %mul3A, %broadcast_in_dim3A_21 : vector<1024x1xf32>
    %swap3A_22 = arith.constant 0 : index
    %swap3A_23 = arith.constant 0 : index
    %swap3A_24 = vector.load %arg7[%swap3A_22, %swap3A_23] : memref<1024x1xf32, #tpu.memory_space<vmem>>, vector<1024x1xf32>
    tpu.vector_store %arg7[%swap3A_22, %swap3A_23], %add3A {strides = array<i32>} : memref<1024x1xf32, #tpu.memory_space<vmem>>, vector<1024x1xf32>,
    %swap3A_25 = arith.constant 0 : index
    %swap3A_26 = arith.constant 0 : index
    %swap3A_27 = vector.load %arg6[%swap3A_25, %swap3A_26] : memref<1024x1xf32, #tpu.memory_space<vmem>>, vector<1024x1xf32>
    tpu.vector_store %arg6[%swap3A_25, %swap3A_26], %max3A {strides = array<i32>} : memref<1024x1xf32, #tpu.memory_space<vmem>>, vector<1024x1xf32>,
    %iota3A = tpu.iota {dimensions = array<i32: 1>} : vector<1024x1024xi32>
    %mul3A_28 = arith.constant 1024 : i32
    %mul3A_29 = arith.muli %arg0, %mul3A_28 : i32
    %add3A_30 = vector.broadcast %mul3A_29 : i32 to vector<1024x1024xi32>
    %add3A_31 = arith.addi %iota3A, %add3A_30 : vector<1024x1024xi32>
    %get3A_32 = arith.constant 0 : index
    %get3A_33 = arith.constant 0 : index
    %get3A_34 = vector.load %arg3[%get3A_32, %get3A_33] : memref<1024x1xi32, #tpu.memory_space<vmem>>, vector<1024x1xi32>
    %eq3A_35 = vector.broadcast %get3A_34 : vector<1024x1xi32> to vector<1024x1024xi32>
    %eq3A_36 = arith.cmpi eq, %add3A_31, %eq3A_35 : vector<1024x1024xi32>
    %get3A_37 = arith.constant 0 : index
    %get3A_38 = arith.constant 0 : index
    %get3A_39 = vector.load %arg8[%get3A_37, %get3A_38] : memref<1024x1xf32, #tpu.memory_space<vmem>>, vector<1024x1xf32>
    %jit3A = arith.constant 0.000000e+00 : f32
    %broadcast_in_dim3A_40 = vector.broadcast %jit3A : f32 to vector<1024x1024xf32>
    %select_n3A = arith.select %eq3A_36, %dot_general3A_7, %broadcast_in_dim3A_40 : vector<1024x1024xi1>, vector<1024x1024xf32>
    %reduce_sum3A_41 = arith.constant dense<0.000000e+00> : vector<1024xf32>
    %reduce_sum3A_42 = vector.multi_reduction <add>, %select_n3A, %reduce_sum3A_41 [1] : vector<1024x1024xf32> to vector<1024xf32>
    %broadcast_in_dim3A_43 = vector.shape_cast %reduce_sum3A_42 : vector<1024xf32> to vector<1024x1xf32>
    %add3A_44 = arith.addf %get3A_39, %broadcast_in_dim3A_43 : vector<1024x1xf32>
    %swap3A_45 = arith.constant 0 : index
    %swap3A_46 = arith.constant 0 : index
    %swap3A_47 = vector.load %arg8[%swap3A_45, %swap3A_46] : memref<1024x1xf32, #tpu.memory_space<vmem>>, vector<1024x1xf32>
    tpu.vector_store %arg8[%swap3A_45, %swap3A_46], %add3A_44 {strides = array<i32>} : memref<1024x1xf32, #tpu.memory_space<vmem>>, vector<1024x1xf32>,
    %eq3A_48 = arith.constant 9 : i32
    %eq3A_49 = arith.cmpi eq, %arg0, %eq3A_48 : i32
    %convert_element_type3A_50 = arith.extui %eq3A_49 : i1 to i32
    %cond3A_51 = arith.constant 0 : i32
    %cond3A_52 = arith.cmpi ne, %convert_element_type3A_50, %cond3A_51 : i32
    scf.if %cond3A_52 {
      %get3A_53 = arith.constant 0 : index
      %get3A_54 = arith.constant 0 : index
      %get3A_55 = vector.load %arg6[%get3A_53, %get3A_54] : memref<1024x1xf32, #tpu.memory_space<vmem>>, vector<1024x1xf32>
      %get3A_56 = arith.constant 0 : index
      %get3A_57 = arith.constant 0 : index
      %get3A_58 = vector.load %arg7[%get3A_56, %get3A_57] : memref<1024x1xf32, #tpu.memory_space<vmem>>, vector<1024x1xf32>
      %log3A = math.log %get3A_58 : vector<1024x1xf32>
      %add3A_59 = arith.addf %get3A_55, %log3A : vector<1024x1xf32>
      %get3A_60 = arith.constant 0 : index
      %get3A_61 = arith.constant 0 : index
      %get3A_62 = vector.load %arg8[%get3A_60, %get3A_61] : memref<1024x1xf32, #tpu.memory_space<vmem>>, vector<1024x1xf32>
      %sub3A_63 = arith.subf %add3A_59, %get3A_62 : vector<1024x1xf32>
      %reduce_sum3A_64 = vector.shape_cast %sub3A_63 : vector<1024x1xf32> to vector<1x1024x1xf32>
      %reduce_sum3A_65 = arith.constant dense<0.000000e+00> : vector<1xf32>
      %reduce_sum3A_66 = vector.multi_reduction <add>, %reduce_sum3A_64, %reduce_sum3A_65 [1, 2] : vector<1x1024x1xf32> to vector<1xf32>
      %reduce_sum3A_67 = vector.shape_cast %reduce_sum3A_66 : vector<1xf32> to vector<1x1x1xf32>
      %reduce_sum3A_68 = vector.extract %reduce_sum3A_67[0, 0, 0] : f32 from vector<1x1x1xf32>
      %mul3A_69 = arith.constant 9.765625E-4 : f32
      %mul3A_70 = arith.mulf %reduce_sum3A_68, %mul3A_69 : f32
      %reshape3A = vector.broadcast %mul3A_70 : f32 to vector<1x1xf32>
      %swap3A_71 = arith.constant 0 : index
      %swap3A_72 = arith.constant 0 : index
      %swap3A_73 = vector.load %arg5[%swap3A_71, %swap3A_72] : memref<1x1xf32, #tpu.memory_space<vmem>>, vector<1x1xf32>
      tpu.vector_store %arg5[%swap3A_71, %swap3A_72], %reshape3A {strides = array<i32>} : memref<1x1xf32, #tpu.memory_space<vmem>>, vector<1x1xf32>,
    } else {
    }
    return
  }
  func.func @transform_0(%arg0: i32) -> (i32, i32) {
    %c0_i32 = arith.constant 0 : i32
    %c0_i32_0 = arith.constant 0 : i32
    %c0_i32_1 = arith.constant 0 : i32
    return %c0_i32, %c0_i32_0 : i32, i32
  }
  func.func @transform_1(%arg0: i32) -> (i32, i32) {
    %c0_i32 = arith.constant 0 : i32
    %c0_i32_0 = arith.constant 0 : i32
    return %c0_i32, %arg0 : i32, i32
  }
  func.func @transform_2(%arg0: i32) -> (i32, i32) {
    %c0_i32 = arith.constant 0 : i32
    %c0_i32_0 = arith.constant 0 : i32
    %c0_i32_1 = arith.constant 0 : i32
    return %c0_i32, %c0_i32_0 : i32, i32
  }
  func.func @transform_3(%arg0: i32) -> (i32, i32) {
    %c0_i32 = arith.constant 0 : i32
    %c0_i32_0 = arith.constant 0 : i32
    return %c0_i32, %arg0 : i32, i32
  }
  func.func @transform_4(%arg0: i32) -> (i32, i32) {
    %c0_i32 = arith.constant 0 : i32
    %c0_i32_0 = arith.constant 0 : i32
    %c0_i32_1 = arith.constant 0 : i32
    return %c0_i32, %c0_i32_0 : i32, i32
  }
}

</mosaic_0001>

<sc_bundles>
// kernel: kernel.11.cloned.1.call-start
scs
__scs_entry_jumppad:
0x0: {  	(pc) =	sbr.rel $0x88, $3  }
0x1: {  	(tag) =	ssettag $0x0;
	lr =	simm.s32 $0x1  }
0x2: {  	[smem:$0x3F8E] =	sst lr;
	_ =	strace $0xD0000000  }
0x3: {  	_ = 	snop  }
0x4: {  	_ = 	snop  }
0x5: {  	_ = 	snop  }
0x6: {  	_ = 	snop  }
0x7: {  	_ = 	snop  }
__scs_overlays_trampoline_lowered:
0x8: {  	[smem:$0x3F9D] =	sst s0  }
0x9: {  	[smem:$0x3F9E] =	sst s1  }
0xa: {  	[smem:$0x3F9F] =	sst s2  }
0xb: {  	[smem:$0x3FA0] =	sst s3  }
0xc: {  	[smem:$0x3FA1] =	sst s4  }
0xd: {  	[smem:$0x3FA2] =	sst s5  }
0xe: {  	[smem:$0x3FA3] =	sst s6  }
0xf: {  	[smem:$0x3FA4] =	sst s7  }
0x10: {  	[smem:$0x3FA5] =	sst s8  }
0x11: {  	[smem:$0x3FA6] =	sst s9;
	s0 =	simm.s32 @!p0 $0x0  }
0x12: {  	s1 =	sld [smem:$0x3F8C];
	s0 =	simm.s32 @p0 $0x1  }
0x13: {  	[smem:$0x3FA7] =	sst s0;
	s0 =	simm.s32 @!p1 $0x0  }
0x14: {  	s2 =	sld [smem:$0x3F8B];
	s0 =	simm.s32 @p1 $0x1  }
0x15: {  	[smem:$0x3FA8] =	sst s0;
	s0 =	simm.s32 @!p2 $0x0  }
0x16: {  	s3 =	sld [smem:$0x3FDB];
	s0 =	simm.s32 @p2 $0x1  }
0x17: {  	s4 =	simm.s32 $0x1BF5;
	[smem:$0x3FAA] =	sst s0  }
0x18: {  	s0 =	sld [smem:$0x3F8D];
	_ =	swait.ge [sflag:s4], $0x0  }
0x19: {  	s7 =	sld [smem:$0x3F8E]  }
0x1a: {  	s8 =	sadd.s32 $0xFFFFE003, lr  }
0x1b: {  	s9 =	sadd.s32 $0xFFFFFEF7, lr;
	s5 =	simm.s32 $0xFFFFFFFF;
	p2 =	slt.u32 s8, $0xFFFFF086  }
0x1c: {  	p1 =	slt.u32 s9, $0xF7A;
	s5 =	simm.s32 @!p2 $0x0  }
0x1d: {  	s5 =	simm.s32 @p1 $0x1;
	p0 =	seq.s32 s7, s2  }
0x1e: {  	s7 =	smul.u32 @!p0 $0xF7A, s2;
	p2 =	seq.s32 @!p0 s5, $0x0  }
0x1f: {  	s9 =	smul.u32 $0xF7A, s1;
	s8 =	simm.s32 @!p0 $0x1BF5;
	p2 =	por !p2, p0  }
0x20: {  	[sflag:s8] =	ssyncset.s32 @!p0 $0xFFFFF086;
	s6 =	sadd.s32 @!p0 s3, s7;
	s7 =	simm.s32 @!p0 $0x108  }
0x21: {  	s3 =	sadd.s32 s3, s9;
	s6 =	sadd.s32 @!p0 $0x88, s6;
	s7 =	simm.s32 @p2 $0x1082  }
0x22: {  	[simem:s7], [sflag:s8] =	dma.local @!p0 [hbm:s6], $0xF7A  }
0x23: {  	s9 =	sor.u32 $0xD0000000, s2;
	s6 =	simm.s32 $0x108;
	_ =	swait.ge @!p0 [sflag:s8], $0x0  }
0x24: {  	s3 =	sadd.s32 $0x88, s3;
	s6 =	simm.s32 @!p1 $0x1082;
	[sflag:s4] =	ssyncset.s32 $0xFFFFF086  }
0x25: {  	[simem:s6], [sflag:s4] =	dma.local [hbm:s3], $0xF7A  }
0x26: {  	[smem:$0x3F8E] =	sst s1;
	(tag) =	ssettag s2;
	_ =	strace s9  }
0x27: {  	s1 =	sld [smem:$0x3F9E]  }
0x28: {  	s2 =	sld [smem:$0x3F9F]  }
0x29: {  	s4 =	sld [smem:$0x3FA1]  }
0x2a: {  	p0 =	seq.s32 s5, $0x0;
	s5 =	sld [smem:$0x3FA2]  }
0x2b: {  	s6 =	sld [smem:$0x3FA3]  }
0x2c: {  	s7 =	sld [smem:$0x3FA4]  }
0x2d: {  	s3 =	simm.s32 $0x108;
	s8 =	sld [smem:$0x3FA5]  }
0x2e: {  	s3 =	simm.s32 @!p0 $0x1082;
	s9 =	sld [smem:$0x3FA6]  }
0x2f: {  	lr =	sadd.s32 s0, s3;
	s0 =	sld [smem:$0x3F9D]  }
0x30: {  	s3 =	sld [smem:$0x3FA0]  }
0x31: {  	[smem:$0x3FA9] =	sst s10  }
0x32: {  	s10 =	sld [smem:$0x3FA7];
	_ =	sdelay $0x3  }
0x33: {  	p0 =	seq.s32 s10, $0x1;
	s10 =	sld [smem:$0x3FA9];
	_ =	sdelay $0x3  }
0x34: {  	[smem:$0x3FA9] =	sst s10  }
0x35: {  	s10 =	sld [smem:$0x3FA8];
	_ =	sdelay $0x3  }
0x36: {  	p1 =	seq.s32 s10, $0x1;
	s10 =	sld [smem:$0x3FA9];
	_ =	sdelay $0x3  }
0x37: {  	[smem:$0x3FA9] =	sst s10  }
0x38: {  	s10 =	sld [smem:$0x3FAA]  }
0x39: {  	_ = 	snop;
	(pc) =	sbr.ind lr, $3  }
0x3a: {  	_ = 	snop  }
0x3b: {  	_ = 	snop  }
0x3c: {  	p2 =	seq.s32 s10, $0x1;
	s10 =	sld [smem:$0x3FA9]  }
0x3d: {  	_ =	shalt  }
0x3e: {  	_ =	shalt  }
0x3f: {  	_ =	shalt  }
0x40: {  	_ =	shalt  }
0x41: {  	_ =	shalt  }
0x42: {  	_ =	shalt  }
0x43: {  	_ =	shalt  }
0x44: {  	_ =	shalt  }
0x45: {  	_ =	shalt  }
0x46: {  	_ =	shalt  }
0x47: {  	_ =	shalt  }
0x48: {  	_ =	shalt  }
0x49: {  	_ =	shalt  }
0x4a: {  	_ =	shalt  }
0x4b: {  	_ =	shalt  }
0x4c: {  	_ =	shalt  }
0x4d: {  	_ =	shalt  }
0x4e: {  	_ =	shalt  }
0x4f: {  	_ =	shalt  }
0x50: {  	_ =	shalt  }
0x51: {  	_ =	shalt  }
0x52: {  	_ =	shalt  }
0x53: {  	_ =	shalt  }
0x54: {  	_ =	shalt  }
0x55: {  	_ =	shalt  }
0x56: {  	_ =	shalt  }
0x57: {  	_ =	shalt  }
0x58: {  	_ =	shalt  }
0x59: {  	_ =	shalt  }
0x5a: {  	_ =	shalt  }
0x5b: {  	_ =	shalt  }
0x5c: {  	_ =	shalt  }
0x5d: {  	_ =	shalt  }
0x5e: {  	_ =	shalt  }
0x5f: {  	_ =	shalt  }
0x60: {  	_ =	shalt  }
0x61: {  	_ =	shalt  }
0x62: {  	_ =	shalt  }
0x63: {  	_ =	shalt  }
0x64: {  	_ =	shalt  }
0x65: {  	_ =	shalt  }
0x66: {  	_ =	shalt  }
0x67: {  	_ =	shalt  }
0x68: {  	_ =	shalt  }
0x69: {  	_ =	shalt  }
0x6a: {  	_ =	shalt  }
0x6b: {  	_ =	shalt  }
0x6c: {  	_ =	shalt  }
0x6d: {  	_ =	shalt  }
0x6e: {  	_ =	shalt  }
0x6f: {  	_ =	shalt  }
0x70: {  	_ =	shalt  }
0x71: {  	_ =	shalt  }
0x72: {  	_ =	shalt  }
0x73: {  	_ =	shalt  }
0x74: {  	_ =	shalt  }
0x75: {  	_ =	shalt  }
0x76: {  	_ =	shalt  }
0x77: {  	_ =	shalt  }
0x78: {  	_ =	shalt  }
0x79: {  	_ =	shalt  }
0x7a: {  	_ =	shalt  }
0x7b: {  	_ =	shalt  }
0x7c: {  	_ =	shalt  }
0x7d: {  	_ =	shalt  }
0x7e: {  	_ =	shalt  }
0x7f: {  	_ =	shalt  }
0x80: {  	_ =	shalt  }
0x81: {  	_ =	shalt  }
0x82: {  	_ =	shalt  }
0x83: {  	_ =	shalt  }
0x84: {  	_ =	shalt  }
0x85: {  	_ =	shalt  }
0x86: {  	_ =	shalt  }
0x87: {  	_ =	shalt  }
.Lfunc_end0:
.L_simem_size_0:
called_computation.3_lowered:
.L_overlay_start_0:
0x88: {  	s2 =	sld [smem:$0x3FD9]  }
0x89: {  	s3 =	sld [smem:$0x3FFE];
	_ =	sdelay $0x1  }
0x8a: {  	s1 =	srdreg.scid  }
0x8b: {  	s0 =	sand.u32 $0x1, s1  }
0x8c: {  	s17 =	sshll.u32 s0, $0xA;
	s2 =	sadd.s32 s3, s2  }
0x8d: {  	s2 =	sadd.s32 s2, s17  }
0x8e: {  	[smem:$0x3FB5] =	sst s2  }
0x8f: {  	_ = 	snop  }
0x90: {  	(tm) =	ssettm $0x1  }
0x91: {  	s18 =	sld [smem:$0x3FFB];
	_ =	sdelay $0x3  }
0x92: {  	_ =	strace s18  }
0x93: {  	s2 =	sld [smem:$0x3FFC];
	_ =	sdelay $0x3  }
0x94: {  	_ =	strace s2  }
0x95: {  	s2 =	sld [smem:$0x3FFD];
	_ =	sdelay $0x3  }
0x96: {  	_ =	strace s2  }
0x97: {  	_ =	strace $0x8FFFFFFF  }
0x98: {  	s19 =	sld [smem:$0x3FDB];
	_ =	sdelay $0x1  }
0x99: {  	s20 =	simm.s32 $_scs_section_size  }
0x9a: {  	s4 =	simm.s32 $_size__tile_overlayer_lowered;
	s5 =	simm.s32 $_tile_overlayer_lowered  }
0x9b: {  	s6 =	simm.s32 $0x1BFF;
	s21 =	sshll.u32 s5, $0x1;
	s3 =	sadd.s32 s20, s19  }
0x9c: {  	s22 =	simm.s32 $0x0;
	s4 =	sshll.u32 s4, $0x1;
	s5 =	sadd.s32 s21, s3  }
0x9d: {  	[timem:s22], [sflag:s6] =	dma.local [hbm:s5], s4  }
0x9e: {  	_ =	swait.ge [sflag:s6], s4  }
0x9f: {  	s4 =	ssub.s32 $0x0, s4;
	[sflag:s6] =	ssyncset.done $0x0  }
0xa0: {  	[sflag:s6] =	ssyncadd.s32 s4;
	_ =	sdelay $0x1  }
0xa1: {  	s23 =	simm.s32 $0x1B8B  }
0xa2: {  	_ =	swait.ge [sflag:s23], $0x1  }
0xa3: {  	[sflag:s23] =	ssyncset.done $0x0  }
0xa4: {  	[sflag:s23] =	ssyncadd.s32 $0xFFFFFFFF  }
0xa5: {  	s4 =	sld [smem:$0x0]  }
0xa6: {  	s5 =	sand.u32 $0xFFFFFFFE, s1  }
0xa7: {  	p0 =	sne.s32 s1, s5  }
0xa8: {  	s5 =	sshll.u32 @p0 s5, $0xE  }
0xa9: {  	s5 =	sadd.s32 @p0 $0x11B8D, s5;
	s6 =	sshll.u32 @p0 s4, $0x11  }
0xaa: {  	s5 =	sor.u32 @p0 s6, s5  }
0xab: {  	[sflag:s5] =	ssyncadd.remote.s32 @p0 $0x1;
	_ =	sdelay $0x1  }
0xac: {  	s5 =	simm.s32 @p0 $0x1B8D  }
0xad: {  	_ =	swait.eq @p0 [sflag:s5], $0x1  }
0xae: {  	[sflag:s5] =	ssyncadd.s32 @p0 $0xFFFFFFFF  }
0xaf: {  	s6 =	sshll.u32 @!p0 s1, $0xE  }
0xb0: {  	s6 =	sor.u32 @!p0 $0x4000, s6;
	s5 =	simm.s32 @!p0 $0x1B8D  }
0xb1: {  	s4 =	sshll.u32 @!p0 s4, $0x11;
	s6 =	sadd.s32 @!p0 $0x11B8D, s6;
	_ =	swait.eq @!p0 [sflag:s5], $0x1  }
0xb2: {  	s4 =	sor.u32 @!p0 s4, s6;
	[sflag:s5] =	ssyncadd.s32 @!p0 $0xFFFFFFFF  }
0xb3: {  	s25 =	simm.s32 $0x1B8E;
	s24 =	sld [smem:$0x3FFE];
	[sflag:s4] =	ssyncadd.remote.s32 @!p0 $0x1  }
0xb4: {  	s26 =	simm.s32 $execute0_lowered;
	[smem:$0x3FD2] =	sst s25  }
0xb5: {  	s5 =	sshll.u32 s26, $0x1;
	_ =	strace $0x80000049;
	[dreg:$0x1] =	wrdreg $0xFFFFFFFF  }
0xb6: {  	s28 =	simm.s32 $_size_execute0_lowered;
	s3 =	sadd.s32 s3, s5;
	[dreg:$0x0] =	wrdreg $0x0  }
0xb7: {  	s5 =	sshll.u32 s28, $0x1;
	[dreg:$0x2] =	wrdreg s3  }
0xb8: {  	[dreg:$0x3] =	wrdreg s5  }
0xb9: {  	[dreg:$0x4] =	wrdreg $0xC0  }
0xba: {  	_ =	task [dreg:s22], $0x5FFFF  }
0xbb: {  	[dreg:$0x1] =	wrdreg $0xFFFFFFFF  }
0xbc: {  	[dreg:$0x0] =	wrdreg $0x60  }
0xbd: {  	[dreg:$0x2] =	wrdreg s24  }
0xbe: {  	[dreg:$0x3] =	wrdreg $0xA  }
0xbf: {  	_ =	task.clear_ibuf [dreg:s22], $0x4FFFF;
	_ =	strace $0x90000049  }
0xc0: {  	s29 =	simm.s32 $0xA;
	_ =	strace $0x8000004B  }
0xc1: {  	_ =	swait.ge [sflag:s29], $0x1  }
0xc2: {  	[sflag:s29] =	ssyncadd.s32 $0xFFFFFFFF  }
0xc3: {  	_ =	strace $0x9000004B  }
0xc4: {  	_ =	sfence  }
0xc5: {  	s30 =	sld [smem:$0x0];
	_ =	sdelay $0x2  }
0xc6: {  	s31 =	sshll.u32 s1, $0xD;
	s1 =	sshrl.u32 s1, $0x2  }
0xc7: {  	s4 =	sand.u32 $0x4000, s31;
	s1 =	sadd.s32 s1, s30  }
0xc8: {  	s0 =	sor.u32 s4, s0;
	s1 =	sshll.u32 s1, $0x11  }
0xc9: {  	s0 =	sor.u32 s1, s0  }
0xca: {  	s0 =	sadd.s32 $0x8F2B, s0  }
0xcb: {  	[sflag:s0] =	ssyncadd.remote.s32 $0x1  }
0xcc: {  	_ =	sfence.sel $0xFFFF  }
0xcd: {  	[dreg:$0x0] =	wrdreg $0xFFFFFFFF;
	(pc) =	sbr.abs _section_cstart, $3  }
0xce: {  	[dreg:$0x1] =	wrdreg $0xFFFFFFFF  }
0xcf: {  	_ =	task.clear_ibuf [dreg:s22], $0x2FFFF;
	_ =	strace $0x9FFFFFFF  }
0xd0: {  	(tm) =	ssettm $0x7FFFFFFF  }
0xd1: {  	_ =	shalt  }
tec
execute0_lowered:
.L_overlay_start_1:
0x0: {  	(tag) =	ssettag $0x1  }
0x1: {  	s8 =	rddreg [dreg:$0x0]  }
0x2: {  	s0 =	rddreg [dreg:$0x1];
	s2 =	simm.s32 $0x0;
	s3 =	srdreg.scid  }
0x3: {  	s1 =	stileid.u32;
	s15 =	simm.s32 $0x20;
	s16 =	simm.s32 $0x1  }
0x4: {  	s17 =	simm.s32 $0x40;
	s18 =	simm.s32 $0x820;
	s19 =	simm.s32 $0x7020  }
0x5: {  	s20 =	simm.s32 $0x8A20;
	s21 =	simm.s32 $0x8A40;
	s22 =	simm.s32 $0x0  }
0x6: {  	[smem:$0x7FF] =	sst s2;
	s5 =	sand.u32 $0x1, s3;
	s31 =	sshll.u32 s1, $0x1  }
0x7: {  	s3 =	sadd.s32 $0xE7A00, s8;
	s4 =	sadd.s32 $0xFBA00, s8;
	s7 =	sadd.s32 $0x109000, s8  }
0x8: {  	_ =	strace $0x8000004A;
	s9 =	sor.u32 s5, s31;
	s12 =	ssub.s32 $0x2, s5  }
0x9: {  	s5 =	sadd.s32 $0x1A400, s8;
	s6 =	sshll.u32 s9, $0x2;
	s10 =	smul.u32 $0x340, s9  }
0xa: {  	s13 =	sshrl.u32 s12, $0x1;
	s11 =	sadd.s32 s6, s8;
	s6 =	sadd.s32 $0x59C00, s8  }
0xb: {  	s13 =	ssub.s32 s12, s13;
	s14 =	sadd.s32 s10, s8;
	s8 =	sshll.u32 s9, $0x5  }
0xc: {  	s9 =	sadd.s32 $0xE7800, s11;
	s11 =	sadd.s32 $0xE7600, s11;
	s13 =	smax.u32 s13, $0x1  }
0xd: {  	s10 =	sadd.s32 $0xFC000, s14;
	s12 =	sadd.s32 $0x102800, s14;
	s14 =	simm.s32 $0x2  }
.LBB2_1:
0xe: {  	s23 =	simm.s32 $0x0  }
.LBB2_2:
0xf: {  	s24 =	sshll.u32 s23, $0xA  }
0x10: {  	s24 =	sor.u32 s8, s24  }
0x11: {  	s25 =	sshrl.u32 s24, $0x3  }
0x12: {  	s26 =	simm.s32 $0x0;
	s25 =	sadd.s32 s4, s25  }
0x13: {  	[tilespmem:s26], [sflag:$0x2] =	stream.linear.gather [hbm4b:s25+s26], $0x20, $0x38;
	[tilespmem:$0xA440] =	vst v63  }
0x14: {  	_ =	swait.ge [sflag:s14], $0x20  }
0x15: {  	[sflag:s14] =	ssyncset.done $0x0  }
0x16: {  	[sflag:s14] =	ssyncadd.s32 $0xFFFFFFE0  }
0x17: {  	[tilespmem:s15], [sflag:$0x1] =	stream.indirect.gather [hbm4b:s3+s15], $0x40, s26, s15, $0xb8;
	[tilespmem:$0xA440] =	vst v63  }
0x18: {  	_ =	swait.ge [sflag:s16], $0x800  }
0x19: {  	[sflag:s16] =	ssyncset.done $0x0  }
0x1a: {  	[sflag:s16] =	ssyncadd.s32 $0xFFFFF800  }
0x1b: {  	[tilespmem:s18], [sflag:$0x1] =	stream.indirect.gather [hbm4b:s5+s17], $0xD0, s15, s17, $0xb8;
	[tilespmem:$0xA440] =	vst v63  }
.LBB2_3:
0x1c: {  	s25 =	sadd.s32 $0x1, s26;
	p0 =	seq.s32 s26, $0x1F;
	s28 =	sand.u32 $0x1, s26  }
0x1d: {  	s29 =	sand.u32 @!p0 $0x1, s25;
	p1 =	seq.s32 s28, $0x1;
	s28 =	simm.s32 $0x3C20  }
0x1e: {  	s28 =	simm.s32 @!p1 $0x820;
	p1 =	seq.s32 @!p0 s29, $0x1;
	s29 =	sshll.u32 @!p0 s25, $0x6  }
0x1f: {  	s30 =	simm.s32 @!p0 $0x3C20;
	p1 =	por !p1, p0;
	s29 =	sand.u32 @!p0 $0x3FFFFFC0, s29  }
0x20: {  	v0 =	vmov s28;
	s28 =	simm.s32 @!p0 $0x40;
	s30 =	simm.s32 @p1 $0x820;
	s29 =	sor.u32 @!p0 $0x20, s29  }
0x21: {  	[tilespmem:s30], [sflag:$0x1] =	stream.indirect.gather @!p0 [hbm4b:s5+s28], $0xD0, s29, s28, $0xb8;
	[tilespmem:$0xA440] =	vst v63  }
0x22: {  	_ =	swait.ge [sflag:s16], $0x3400  }
0x23: {  	[sflag:s16] =	ssyncset.done $0x0  }
0x24: {  	s29 =	simm.s32 $0x0;
	[sflag:s16] =	ssyncadd.s32 $0xFFFFCC00  }
0x25: {  	v1 =	vld.idx.msk [tilespmem:v0+s29+$0xC0 ss:$0x1], $0xffff  }
0x26: {  	v2 =	vld.idx.msk [tilespmem:v0+s29+$0x190 ss:$0x1], $0xffff  }
0x27: {  	v3 =	vld.idx.msk [tilespmem:v0+s29+$0x260 ss:$0x1], $0xffff  }
0x28: {  	v4 =	vld.idx.msk [tilespmem:v0+s29+$0x330 ss:$0x1], $0xffff  }
0x29: {  	v5 =	vld.idx.msk [tilespmem:v0+s29+$0x0 ss:$0x1], $0xffff  }
0x2a: {  	v6 =	vld.idx.msk [tilespmem:v0+s29+$0xD0 ss:$0x1], $0xffff  }
0x2b: {  	v7 =	vld.idx.msk [tilespmem:v0+s29+$0x1A0 ss:$0x1], $0xffff  }
0x2c: {  	v8 =	vld.idx.msk [tilespmem:v0+s29+$0x270 ss:$0x1], $0xffff  }
0x2d: {  	v9 =	vld.idx.msk [tilespmem:v0+s29+$0x10 ss:$0x1], $0xffff  }
0x2e: {  	v10 =	vld.idx.msk [tilespmem:v0+s29+$0xE0 ss:$0x1], $0xffff  }
0x2f: {  	v11 =	vld.idx.msk [tilespmem:v0+s29+$0x1B0 ss:$0x1], $0xffff  }
0x30: {  	v12 =	vld.idx.msk [tilespmem:v0+s29+$0x280 ss:$0x1], $0xffff  }
0x31: {  	v13 =	vld.idx.msk [tilespmem:v0+s29+$0x20 ss:$0x1], $0xffff  }
0x32: {  	v14 =	vld.idx.msk [tilespmem:v0+s29+$0xF0 ss:$0x1], $0xffff  }
0x33: {  	v15 =	vld.idx.msk [tilespmem:v0+s29+$0x1C0 ss:$0x1], $0xffff  }
0x34: {  	v16 =	vld.idx.msk [tilespmem:v0+s29+$0x290 ss:$0x1], $0xffff  }
0x35: {  	v17 =	vld.idx.msk [tilespmem:v0+s29+$0x30 ss:$0x1], $0xffff  }
0x36: {  	v18 =	vld.idx.msk [tilespmem:v0+s29+$0x100 ss:$0x1], $0xffff  }
0x37: {  	v19 =	vld.idx.msk [tilespmem:v0+s29+$0x1D0 ss:$0x1], $0xffff  }
0x38: {  	v20 =	vld.idx.msk [tilespmem:v0+s29+$0x2A0 ss:$0x1], $0xffff  }
0x39: {  	v21 =	vld.idx.msk [tilespmem:v0+s29+$0x40 ss:$0x1], $0xffff  }
0x3a: {  	v22 =	vld.idx.msk [tilespmem:v0+s29+$0x110 ss:$0x1], $0xffff  }
0x3b: {  	v23 =	vld.idx.msk [tilespmem:v0+s29+$0x1E0 ss:$0x1], $0xffff  }
0x3c: {  	v24 =	vld.idx.msk [tilespmem:v0+s29+$0x2B0 ss:$0x1], $0xffff  }
0x3d: {  	v25 =	vld.idx.msk [tilespmem:v0+s29+$0x50 ss:$0x1], $0xffff  }
0x3e: {  	v26 =	vld.idx.msk [tilespmem:v0+s29+$0x120 ss:$0x1], $0xffff  }
0x3f: {  	v27 =	vld.idx.msk [tilespmem:v0+s29+$0x1F0 ss:$0x1], $0xffff  }
0x40: {  	v28 =	vld.idx.msk [tilespmem:v0+s29+$0x2C0 ss:$0x1], $0xffff  }
0x41: {  	v29 =	vld.idx.msk [tilespmem:v0+s29+$0x60 ss:$0x1], $0xffff  }
0x42: {  	v30 =	vld.idx.msk [tilespmem:v0+s29+$0x130 ss:$0x1], $0xffff  }
0x43: {  	v31 =	vld.idx.msk [tilespmem:v0+s29+$0x200 ss:$0x1], $0xffff  }
0x44: {  	v32 =	vld.idx.msk [tilespmem:v0+s29+$0x2D0 ss:$0x1], $0xffff  }
0x45: {  	v61 =	vld.idx.msk [tilespmem:v0+s29+$0x300 ss:$0x1], $0xffff;
	v1 =	vadd.f32 v2, v1;
	v2 =	vadd.f32 v4, v3  }
0x46: {  	v62 =	vld.idx.msk [tilespmem:v0+s29+$0xA0 ss:$0x1], $0xffff;
	v4 =	vadd.f32 v6, v5;
	v5 =	vadd.f32 v8, v7  }
0x47: {  	v63 =	vld.idx.msk [tilespmem:v0+s29+$0x310 ss:$0x1], $0xffff;
	v7 =	vadd.f32 v10, v9;
	v8 =	vadd.f32 v12, v11  }
0x48: {  	v3 =	vld.idx.msk [tilespmem:v0+s29+$0x70 ss:$0x1], $0xffff;
	v10 =	vadd.f32 v14, v13;
	v11 =	vadd.f32 v16, v15  }
0x49: {  	v6 =	vld.idx.msk [tilespmem:v0+s29+$0x140 ss:$0x1], $0xffff;
	v12 =	vadd.f32 v24, v23;
	v1 =	vadd.f32 v2, v1  }
0x4a: {  	v9 =	vld.idx.msk [tilespmem:v0+s29+$0x210 ss:$0x1], $0xffff;
	v2 =	vadd.f32 v5, v4;
	v5 =	vadd.f32 v8, v7  }
0x4b: {  	v13 =	vld.idx.msk [tilespmem:v0+s29+$0x2E0 ss:$0x1], $0xffff;
	v7 =	vadd.f32 v11, v10;
	v8 =	vadd.f32 v18, v17  }
0x4c: {  	v14 =	vld.idx.msk [tilespmem:v0+s29+$0x150 ss:$0x1], $0xffff;
	v10 =	vadd.f32 v20, v19;
	v11 =	vadd.f32 v22, v21  }
0x4d: {  	v15 =	vld.idx.msk [tilespmem:v0+s29+$0x220 ss:$0x1], $0xffff;
	v17 =	vadd.f32 v26, v25;
	v18 =	vadd.f32 v28, v27  }
0x4e: {  	v16 =	vld.idx.msk [tilespmem:v0+s29+$0x2F0 ss:$0x1], $0xffff;
	v60 =	vadd.f32 v32, v31;
	v20 =	vadd.f32 v10, v8  }
0x4f: {  	v23 =	vld.idx.msk [tilespmem:v0+s29+$0x230 ss:$0x1], $0xffff;
	v21 =	vadd.f32 v12, v11;
	v17 =	vadd.f32 v18, v17;
	v12 =	vimm.f32 $0.0e+00  }
0x50: {  	v4 =	vld.idx.msk [tilespmem:v0+s29+$0x80 ss:$0x1], $0xffff;
	v18 =	vadd.f32 v30, v29;
	v1 =	vadd.f32 v1, v12  }
0x51: {  	v19 =	vld.idx.msk [tilespmem:v0+s29+$0x90 ss:$0x1], $0xffff;
	v10 =	vadd.f32 v2, v12;
	v2 =	vadd.f32 v6, v3  }
0x52: {  	v22 =	vld.idx.msk [tilespmem:v0+s29+$0x160 ss:$0x1], $0xffff;
	v11 =	vadd.f32 v5, v12;
	v3 =	vadd.f32 v13, v9  }
0x53: {  	v13 =	vld.idx.msk [tilespmem:v0+s29+$0x170 ss:$0x1], $0xffff;
	v8 =	vadd.f32 v7, v12;
	v15 =	vadd.f32 v16, v15  }
0x54: {  	v16 =	vld.idx.msk [tilespmem:v0+s29+$0x250 ss:$0x1], $0xffff;
	v5 =	vadd.f32 v60, v18;
	v9 =	vadd.f32 v20, v12  }
0x55: {  	v18 =	vld.idx.msk [tilespmem:v0+s29+$0x240 ss:$0x1], $0xffff;
	v6 =	vadd.f32 v21, v12;
	v7 =	vadd.f32 v17, v12  }
0x56: {  	v17 =	vld.idx.msk [tilespmem:v0+s29+$0x180 ss:$0x1], $0xffff;
	v2 =	vadd.f32 v3, v2;
	v3 =	vadd.f32 v14, v4  }
0x57: {  	v21 =	vadd.f32 v61, v23;
	v14 =	vld.idx.msk [tilespmem:v0+s29+$0xB0 ss:$0x1], $0xffff;
	v19 =	vadd.f32 v22, v19  }
0x58: {  	s28 =	simm.s32 $0x340;
	v20 =	vld.idx.msk [tilespmem:v0+s29+$0x320 ss:$0x1], $0xffff;
	v4 =	vadd.f32 v5, v12;
	v3 =	vadd.f32 v15, v3  }
0x59: {  	v5 =	vadd.f32 v2, v12;
	v2 =	vadd.f32 v21, v19;
	v15 =	vld.idx.msk [tilespmem:v0+s28+$0xC0 ss:$0x1], $0xffff  }
0x5a: {  	v19 =	vld.idx.msk [tilespmem:v0+s28+$0x190 ss:$0x1], $0xffff;
	v21 =	vadd.f32 v13, v62;
	v22 =	vadd.f32 v63, v18  }
0x5b: {  	s29 =	simm.s32 $0x1A00;
	v13 =	vimm.f32 $0.0e+00;
	v3 =	vadd.f32 v3, v12;
	v2 =	vadd.f32 v2, v12;
	v18 =	vld.idx.msk [tilespmem:v0+s28+$0x260 ss:$0x1], $0xffff  }
.LBB2_4:
0x5c: {  	p0 =	sne.s32 s29, $0xC300;
	v23 =	vld.idx.msk [tilespmem:v0+s28+$0x330 ss:$0x1], $0xffff;
	v21 =	vadd.f32 v22, v21;
	v14 =	vadd.f32 v17, v14  }
0x5d: {  	v17 =	vld.idx.msk [tilespmem:v0+s28+$0x0 ss:$0x1], $0xffff  }
0x5e: {  	v16 =	vadd.f32 v20, v16;
	v22 =	vld.idx.msk [tilespmem:v0+s28+$0xD0 ss:$0x1], $0xffff;
	v12 =	vadd.f32 v21, v12  }
0x5f: {  	v20 =	vld.idx.msk [tilespmem:v0+s28+$0x1A0 ss:$0x1], $0xffff  }
0x60: {  	v14 =	vadd.f32 v16, v14;
	v21 =	vld.idx.msk [tilespmem:v0+s28+$0x270 ss:$0x1], $0xffff  }
0x61: {  	v16 =	vld.idx.msk [tilespmem:v0+s28+$0x10 ss:$0x1], $0xffff  }
0x62: {  	v15 =	vadd.f32 v19, v15;
	v18 =	vadd.f32 v23, v18;
	v24 =	vld.idx.msk [tilespmem:v0+s28+$0xE0 ss:$0x1], $0xffff  }
0x63: {  	v13 =	vadd.f32 v14, v13;
	v19 =	vld.idx.msk [tilespmem:v0+s28+$0x1B0 ss:$0x1], $0xffff  }
0x64: {  	v14 =	vadd.f32 v22, v17;
	v15 =	vadd.f32 v18, v15;
	v17 =	vld.idx.msk [tilespmem:v0+s28+$0x280 ss:$0x1], $0xffff  }
0x65: {  	v18 =	vld.idx.msk [tilespmem:v0+s28+$0x20 ss:$0x1], $0xffff  }
0x66: {  	v20 =	vadd.f32 v21, v20;
	v1 =	vadd.f32 v15, v1;
	v21 =	vld.idx.msk [tilespmem:v0+s28+$0xF0 ss:$0x1], $0xffff  }
0x67: {  	v15 =	vld.idx.msk [tilespmem:v0+s28+$0x1C0 ss:$0x1], $0xffff  }
0x68: {  	v14 =	vadd.f32 v20, v14;
	v16 =	vadd.f32 v24, v16;
	v20 =	vld.idx.msk [tilespmem:v0+s28+$0x290 ss:$0x1], $0xffff  }
0x69: {  	v22 =	vld.idx.msk [tilespmem:v0+s28+$0x30 ss:$0x1], $0xffff  }
0x6a: {  	v10 =	vadd.f32 v14, v10;
	v14 =	vadd.f32 v17, v19;
	v17 =	vld.idx.msk [tilespmem:v0+s28+$0x100 ss:$0x1], $0xffff  }
0x6b: {  	v19 =	vld.idx.msk [tilespmem:v0+s28+$0x1D0 ss:$0x1], $0xffff  }
0x6c: {  	v14 =	vadd.f32 v14, v16;
	v16 =	vadd.f32 v21, v18;
	v18 =	vld.idx.msk [tilespmem:v0+s28+$0x2A0 ss:$0x1], $0xffff  }
0x6d: {  	v21 =	vld.idx.msk [tilespmem:v0+s28+$0x40 ss:$0x1], $0xffff  }
0x6e: {  	v11 =	vadd.f32 v14, v11;
	v14 =	vadd.f32 v20, v15;
	v15 =	vld.idx.msk [tilespmem:v0+s28+$0x110 ss:$0x1], $0xffff  }
0x6f: {  	v20 =	vld.idx.msk [tilespmem:v0+s28+$0x1E0 ss:$0x1], $0xffff  }
0x70: {  	v14 =	vadd.f32 v14, v16;
	v16 =	vadd.f32 v17, v22;
	v17 =	vld.idx.msk [tilespmem:v0+s28+$0x2B0 ss:$0x1], $0xffff  }
0x71: {  	v22 =	vld.idx.msk [tilespmem:v0+s28+$0x50 ss:$0x1], $0xffff  }
0x72: {  	v8 =	vadd.f32 v14, v8;
	v14 =	vadd.f32 v18, v19;
	v18 =	vld.idx.msk [tilespmem:v0+s28+$0x120 ss:$0x1], $0xffff  }
0x73: {  	v19 =	vld.idx.msk [tilespmem:v0+s28+$0x1F0 ss:$0x1], $0xffff  }
0x74: {  	v14 =	vadd.f32 v14, v16;
	v15 =	vadd.f32 v15, v21;
	v16 =	vld.idx.msk [tilespmem:v0+s28+$0x2C0 ss:$0x1], $0xffff  }
0x75: {  	v21 =	vld.idx.msk [tilespmem:v0+s28+$0x60 ss:$0x1], $0xffff  }
0x76: {  	v9 =	vadd.f32 v14, v9;
	v14 =	vadd.f32 v17, v20;
	v17 =	vld.idx.msk [tilespmem:v0+s28+$0x130 ss:$0x1], $0xffff  }
0x77: {  	v20 =	vld.idx.msk [tilespmem:v0+s28+$0x200 ss:$0x1], $0xffff  }
0x78: {  	v14 =	vadd.f32 v14, v15;
	v15 =	vadd.f32 v18, v22;
	v18 =	vld.idx.msk [tilespmem:v0+s28+$0x2D0 ss:$0x1], $0xffff  }
0x79: {  	v22 =	vld.idx.msk [tilespmem:v0+s28+$0x70 ss:$0x1], $0xffff  }
0x7a: {  	v6 =	vadd.f32 v14, v6;
	v14 =	vadd.f32 v16, v19;
	v16 =	vld.idx.msk [tilespmem:v0+s28+$0x140 ss:$0x1], $0xffff  }
0x7b: {  	v19 =	vld.idx.msk [tilespmem:v0+s28+$0x210 ss:$0x1], $0xffff  }
0x7c: {  	v14 =	vadd.f32 v14, v15;
	v15 =	vadd.f32 v17, v21;
	v17 =	vld.idx.msk [tilespmem:v0+s28+$0x2E0 ss:$0x1], $0xffff  }
0x7d: {  	v21 =	vld.idx.msk [tilespmem:v0+s28+$0x80 ss:$0x1], $0xffff  }
0x7e: {  	v7 =	vadd.f32 v14, v7;
	v14 =	vadd.f32 v18, v20;
	v18 =	vld.idx.msk [tilespmem:v0+s28+$0x150 ss:$0x1], $0xffff  }
0x7f: {  	v20 =	vld.idx.msk [tilespmem:v0+s28+$0x220 ss:$0x1], $0xffff  }
0x80: {  	v14 =	vadd.f32 v14, v15;
	v15 =	vadd.f32 v16, v22;
	v16 =	vld.idx.msk [tilespmem:v0+s28+$0x2F0 ss:$0x1], $0xffff  }
0x81: {  	v22 =	vld.idx.msk [tilespmem:v0+s28+$0x90 ss:$0x1], $0xffff  }
0x82: {  	v4 =	vadd.f32 v14, v4;
	v14 =	vadd.f32 v17, v19;
	v17 =	vld.idx.msk [tilespmem:v0+s28+$0x160 ss:$0x1], $0xffff  }
0x83: {  	v19 =	vld.idx.msk [tilespmem:v0+s28+$0x230 ss:$0x1], $0xffff  }
0x84: {  	v14 =	vadd.f32 v14, v15;
	v15 =	vadd.f32 v18, v21;
	v18 =	vld.idx.msk [tilespmem:v0+s28+$0x300 ss:$0x1], $0xffff  }
0x85: {  	v21 =	vld.idx.msk [tilespmem:v0+s28+$0xA0 ss:$0x1], $0xffff  }
0x86: {  	v5 =	vadd.f32 v14, v5;
	v14 =	vadd.f32 v16, v20;
	v20 =	vld.idx.msk [tilespmem:v0+s28+$0x170 ss:$0x1], $0xffff  }
0x87: {  	v23 =	vld.idx.msk [tilespmem:v0+s28+$0x240 ss:$0x1], $0xffff  }
0x88: {  	v15 =	vadd.f32 v14, v15;
	v22 =	vadd.f32 v17, v22;
	v24 =	vld.idx.msk [tilespmem:v0+s28+$0x310 ss:$0x1], $0xffff  }
0x89: {  	v14 =	vld.idx.msk [tilespmem:v0+s28+$0xB0 ss:$0x1], $0xffff  }
0x8a: {  	v3 =	vadd.f32 v15, v3;
	v15 =	vadd.f32 v18, v19;
	v17 =	vld.idx.msk [tilespmem:v0+s28+$0x180 ss:$0x1], $0xffff  }
.Ltmp0:
0x8b: {  	v16 =	vld.idx.msk [tilespmem:v0+s28+$0x250 ss:$0x1], $0xffff;
	(pc) =	sbr.rel @p0 .LBB2_4-.Ltmp0, $4  }
0x8c: {  	v18 =	vadd.f32 v15, v22;
	v21 =	vadd.f32 v20, v21;
	v20 =	vld.idx.msk [tilespmem:v0+s28+$0x320 ss:$0x1], $0xffff;
	s28 =	sshra.s32 s29, $0x2  }
0x8d: {  	v15 =	vld.idx.msk [tilespmem:v0+s28+$0xC0 ss:$0x1], $0xffff  }
0x8e: {  	v2 =	vadd.f32 v18, v2;
	v22 =	vadd.f32 v24, v23;
	v19 =	vld.idx.msk [tilespmem:v0+s28+$0x190 ss:$0x1], $0xffff  }
0x8f: {  	s29 =	sadd.s32 $0xD00, s29;
	v18 =	vld.idx.msk [tilespmem:v0+s28+$0x260 ss:$0x1], $0xffff  }
0x90: {  	_ =	sdelay $0x3  }
0x91: {  	v23 =	vld.idx.msk [tilespmem:v0+s28+$0x330 ss:$0x1], $0xffff  }
0x92: {  	v24 =	vld.idx.msk [tilespmem:v0+s28+$0x0 ss:$0x1], $0xffff  }
0x93: {  	v25 =	vld.idx.msk [tilespmem:v0+s28+$0xD0 ss:$0x1], $0xffff  }
0x94: {  	v26 =	vld.idx.msk [tilespmem:v0+s28+$0x1A0 ss:$0x1], $0xffff  }
0x95: {  	v27 =	vld.idx.msk [tilespmem:v0+s28+$0x270 ss:$0x1], $0xffff  }
0x96: {  	v28 =	vld.idx.msk [tilespmem:v0+s28+$0x10 ss:$0x1], $0xffff  }
0x97: {  	v29 =	vld.idx.msk [tilespmem:v0+s28+$0xE0 ss:$0x1], $0xffff  }
0x98: {  	v30 =	vld.idx.msk [tilespmem:v0+s28+$0x1B0 ss:$0x1], $0xffff  }
0x99: {  	v31 =	vld.idx.msk [tilespmem:v0+s28+$0x280 ss:$0x1], $0xffff  }
0x9a: {  	v32 =	vld.idx.msk [tilespmem:v0+s28+$0x20 ss:$0x1], $0xffff  }
0x9b: {  	v33 =	vld.idx.msk [tilespmem:v0+s28+$0xF0 ss:$0x1], $0xffff  }
0x9c: {  	v34 =	vld.idx.msk [tilespmem:v0+s28+$0x1C0 ss:$0x1], $0xffff  }
0x9d: {  	v35 =	vld.idx.msk [tilespmem:v0+s28+$0x290 ss:$0x1], $0xffff  }
0x9e: {  	v36 =	vld.idx.msk [tilespmem:v0+s28+$0x30 ss:$0x1], $0xffff  }
0x9f: {  	v37 =	vld.idx.msk [tilespmem:v0+s28+$0x100 ss:$0x1], $0xffff  }
0xa0: {  	v38 =	vld.idx.msk [tilespmem:v0+s28+$0x1D0 ss:$0x1], $0xffff  }
0xa1: {  	v39 =	vld.idx.msk [tilespmem:v0+s28+$0x2A0 ss:$0x1], $0xffff  }
0xa2: {  	v40 =	vld.idx.msk [tilespmem:v0+s28+$0x40 ss:$0x1], $0xffff  }
0xa3: {  	v41 =	vld.idx.msk [tilespmem:v0+s28+$0x110 ss:$0x1], $0xffff  }
0xa4: {  	v42 =	vld.idx.msk [tilespmem:v0+s28+$0x1E0 ss:$0x1], $0xffff  }
0xa5: {  	v43 =	vld.idx.msk [tilespmem:v0+s28+$0x2B0 ss:$0x1], $0xffff  }
0xa6: {  	v44 =	vld.idx.msk [tilespmem:v0+s28+$0x50 ss:$0x1], $0xffff  }
0xa7: {  	v45 =	vld.idx.msk [tilespmem:v0+s28+$0x120 ss:$0x1], $0xffff  }
0xa8: {  	v46 =	vld.idx.msk [tilespmem:v0+s28+$0x1F0 ss:$0x1], $0xffff  }
0xa9: {  	v47 =	vld.idx.msk [tilespmem:v0+s28+$0x2C0 ss:$0x1], $0xffff  }
0xaa: {  	v48 =	vld.idx.msk [tilespmem:v0+s28+$0x60 ss:$0x1], $0xffff  }
0xab: {  	v49 =	vld.idx.msk [tilespmem:v0+s28+$0x130 ss:$0x1], $0xffff  }
0xac: {  	v50 =	vld.idx.msk [tilespmem:v0+s28+$0x200 ss:$0x1], $0xffff;
	v21 =	vadd.f32 v22, v21  }
0xad: {  	v22 =	vld.idx.msk [tilespmem:v0+s28+$0x2D0 ss:$0x1], $0xffff;
	v14 =	vadd.f32 v17, v14;
	v16 =	vadd.f32 v20, v16  }
0xae: {  	v17 =	vld.idx.msk [tilespmem:v0+s28+$0x70 ss:$0x1], $0xffff;
	v12 =	vadd.f32 v21, v12  }
0xaf: {  	v53 =	vld.idx.msk [tilespmem:v0+s28+$0x150 ss:$0x1], $0xffff;
	v14 =	vadd.f32 v16, v14;
	v15 =	vadd.f32 v19, v15  }
0xb0: {  	v55 =	vld.idx.msk [tilespmem:v0+s28+$0x220 ss:$0x1], $0xffff;
	v62 =	vadd.f32 v25, v24;
	v63 =	vadd.f32 v27, v26  }
0xb1: {  	v58 =	vld.idx.msk [tilespmem:v0+s28+$0x2F0 ss:$0x1], $0xffff;
	v51 =	vadd.f32 v29, v28;
	v52 =	vadd.f32 v31, v30  }
0xb2: {  	v61 =	vld.idx.msk [tilespmem:v0+s28+$0x90 ss:$0x1], $0xffff;
	v18 =	vadd.f32 v23, v18;
	v13 =	vadd.f32 v14, v13  }
0xb3: {  	v20 =	vld.idx.msk [tilespmem:v0+s28+$0x140 ss:$0x1], $0xffff;
	v56 =	vadd.f32 v33, v32;
	v57 =	vadd.f32 v35, v34  }
0xb4: {  	v16 =	vld.idx.msk [tilespmem:v0+s28+$0x210 ss:$0x1], $0xffff;
	v59 =	vadd.f32 v37, v36;
	v60 =	vadd.f32 v39, v38  }
0xb5: {  	v24 =	vld.idx.msk [tilespmem:v0+s28+$0x2E0 ss:$0x1], $0xffff;
	v38 =	vadd.f32 v41, v40;
	v39 =	vadd.f32 v43, v42  }
0xb6: {  	v27 =	vld.idx.msk [tilespmem:v0+s28+$0x80 ss:$0x1], $0xffff;
	v41 =	vadd.f32 v45, v44;
	v42 =	vadd.f32 v47, v46  }
0xb7: {  	v37 =	vld.idx.msk [tilespmem:v0+s28+$0x230 ss:$0x1], $0xffff;
	v48 =	vadd.f32 v49, v48;
	v22 =	vadd.f32 v22, v50  }
0xb8: {  	v40 =	vld.idx.msk [tilespmem:v0+s28+$0x300 ss:$0x1], $0xffff;
	v23 =	vadd.f32 v58, v55;
	v17 =	vadd.f32 v20, v17  }
0xb9: {  	v43 =	vld.idx.msk [tilespmem:v0+s28+$0xA0 ss:$0x1], $0xffff;
	v19 =	vadd.f32 v63, v62;
	v54 =	vadd.f32 v52, v51  }
0xba: {  	v44 =	vld.idx.msk [tilespmem:v0+s28+$0x170 ss:$0x1], $0xffff;
	v63 =	vadd.f32 v57, v56;
	v36 =	vadd.f32 v60, v59  }
0xbb: {  	v47 =	vld.idx.msk [tilespmem:v0+s28+$0x240 ss:$0x1], $0xffff;
	v45 =	vadd.f32 v39, v38;
	v46 =	vadd.f32 v42, v41  }
0xbc: {  	v49 =	vld.idx.msk [tilespmem:v0+s28+$0x310 ss:$0x1], $0xffff;
	v22 =	vadd.f32 v22, v48;
	v10 =	vadd.f32 v19, v10  }
0xbd: {  	v50 =	vld.idx.msk [tilespmem:v0+s28+$0xB0 ss:$0x1], $0xffff;
	v11 =	vadd.f32 v54, v11;
	v8 =	vadd.f32 v63, v8  }
0xbe: {  	v62 =	vld.idx.msk [tilespmem:v0+s28+$0x160 ss:$0x1], $0xffff;
	v9 =	vadd.f32 v36, v9;
	v6 =	vadd.f32 v45, v6  }
0xbf: {  	s26 =	smul.u32 $0x340, s26;
	v51 =	vld.idx.msk [tilespmem:v0+s28+$0x180 ss:$0x1], $0xffff;
	v7 =	vadd.f32 v46, v7;
	v4 =	vadd.f32 v22, v4  }
0xc0: {  	v52 =	vld.idx.msk [tilespmem:v0+s28+$0x250 ss:$0x1], $0xffff;
	v16 =	vadd.f32 v24, v16;
	v14 =	vadd.f32 v53, v27;
	v10 =	vmul.f32 $1.562500000e-02, v10  }
0xc1: {  	s26 =	sshra.s32 s26, $0x2;
	v53 =	vld.idx.msk [tilespmem:v0+s28+$0x320 ss:$0x1], $0xffff;
	v54 =	vadd.f32 v40, v37;
	v57 =	vadd.f32 v44, v43;
	v11 =	vmul.f32 $1.562500000e-02, v11  }
0xc2: {  	v58 =	vadd.f32 v49, v47;
	v8 =	vmul.f32 $1.562500000e-02, v8;
	v16 =	vadd.f32 v16, v17;
	[tilespmem:s26+$0x7020] =	vst v10  }
0xc3: {  	v9 =	vmul.f32 $1.562500000e-02, v9;
	v19 =	vadd.f32 v62, v61;
	v55 =	vadd.f32 v23, v14;
	[tilespmem:s26+$0x7030] =	vst v11  }
0xc4: {  	v6 =	vmul.f32 $1.562500000e-02, v6;
	v59 =	vadd.f32 v51, v50;
	v60 =	vadd.f32 v58, v57;
	[tilespmem:s26+$0x7040] =	vst v8  }
0xc5: {  	v7 =	vmul.f32 $1.562500000e-02, v7;
	v61 =	vadd.f32 v18, v15;
	[tilespmem:s26+$0x7050] =	vst v9;
	v5 =	vadd.f32 v16, v5  }
0xc6: {  	v4 =	vmul.f32 $1.562500000e-02, v4;
	[tilespmem:s26+$0x7060] =	vst v6;
	v3 =	vadd.f32 v55, v3;
	v0 =	vadd.f32 v53, v52  }
0xc7: {  	[tilespmem:s26+$0x7070] =	vst v7;
	v56 =	vadd.f32 v54, v19;
	v62 =	vadd.f32 v60, v12;
	v5 =	vmul.f32 $1.562500000e-02, v5  }
0xc8: {  	[tilespmem:s26+$0x7080] =	vst v4;
	v1 =	vadd.f32 v61, v1;
	v3 =	vmul.f32 $1.562500000e-02, v3;
	v0 =	vadd.f32 v0, v59  }
0xc9: {  	p0 =	sne.s32 s25, $0x20;
	v2 =	vadd.f32 v56, v2;
	v63 =	vmul.f32 $1.562500000e-02, v62;
	[tilespmem:s26+$0x7090] =	vst v5  }
.Ltmp1:
0xca: {  	v1 =	vmul.f32 $1.562500000e-02, v1;
	[tilespmem:s26+$0x70A0] =	vst v3;
	v0 =	vadd.f32 v0, v13;
	(pc) =	sbr.rel @p0 .LBB2_3-.Ltmp1, $4  }
0xcb: {  	v2 =	vmul.f32 $1.562500000e-02, v2;
	[tilespmem:s26+$0x70C0] =	vst v63  }
0xcc: {  	[tilespmem:s26+$0x70E0] =	vst v1;
	v0 =	vmul.f32 $1.562500000e-02, v0  }
0xcd: {  	[tilespmem:s26+$0x70B0] =	vst v2  }
0xce: {  	[tilespmem:s26+$0x70D0] =	vst v0;
	s26 =	smov.u32 s25  }
0xcf: {  	s24 =	smul.u32 $0x1A, s24;
	s23 =	sadd.s32 $0x1, s23  }
0xd0: {  	p0 =	sne.s32 s23, $0xA  }
.Ltmp2:
0xd1: {  	s24 =	sadd.s32 s7, s24;
	(pc) =	sbr.rel @p0 .LBB2_2-.Ltmp2, $4  }
0xd2: {  	[hbm4b:s24+s2] =	stream.linear.scatter [tilespmem:s19], [sflag:$0x2], $0x1A00, $0x38;
	[tilespmem:$0xA440] =	vst v63  }
0xd3: {  	_ =	swait.ge [sflag:s14], $0x1A00  }
0xd4: {  	[sflag:s14] =	ssyncset.done $0x0  }
0xd5: {  	[sflag:s14] =	ssyncadd.s32 $0xFFFFE600  }
0xd6: {  	[tilespmem:s20], [sflag:$0x2] =	stream.linear.gather [hbm4b:s9+s2], $0x20, $0x38;
	[tilespmem:$0xA440] =	vst v63  }
0xd7: {  	_ =	swait.ge [sflag:s14], $0x20  }
0xd8: {  	[sflag:s14] =	ssyncset.done $0x0  }
0xd9: {  	[sflag:s14] =	ssyncadd.s32 $0xFFFFFFE0  }
0xda: {  	[tilespmem:s21], [sflag:$0x1] =	stream.indirect.gather [hbm4b:s5+s15], $0xD0, s20, s15, $0xb8;
	[tilespmem:$0xA440] =	vst v63  }
0xdb: {  	_ =	swait.ge [sflag:s16], $0x1A00  }
0xdc: {  	[sflag:s16] =	ssyncset.done $0x0  }
0xdd: {  	[sflag:s16] =	ssyncadd.s32 $0xFFFFE600  }
0xde: {  	[hbm4b:s10+s2] =	stream.linear.scatter [tilespmem:s21], [sflag:$0x2], $0x1A00, $0x38;
	[tilespmem:$0xA440] =	vst v63  }
0xdf: {  	_ =	swait.ge [sflag:s14], $0x1A00  }
0xe0: {  	[sflag:s14] =	ssyncset.done $0x0  }
0xe1: {  	[sflag:s14] =	ssyncadd.s32 $0xFFFFE600  }
0xe2: {  	[tilespmem:s20], [sflag:$0x2] =	stream.linear.gather [hbm4b:s11+s2], $0x20, $0x38;
	[tilespmem:$0xA440] =	vst v63  }
0xe3: {  	_ =	swait.ge [sflag:s14], $0x20  }
0xe4: {  	[sflag:s14] =	ssyncset.done $0x0  }
0xe5: {  	[sflag:s14] =	ssyncadd.s32 $0xFFFFFFE0  }
0xe6: {  	[tilespmem:s21], [sflag:$0x1] =	stream.indirect.gather [hbm4b:s6+s15], $0xD0, s20, s15, $0xb8;
	[tilespmem:$0xA440] =	vst v63  }
0xe7: {  	s22 =	sadd.s32 $0x1, s22;
	_ =	swait.ge [sflag:s16], $0x1A00  }
0xe8: {  	p0 =	sne.s32 s22, s13;
	[sflag:s16] =	ssyncset.done $0x0  }
.Ltmp3:
0xe9: {  	[sflag:s16] =	ssyncadd.s32 $0xFFFFE600;
	(pc) =	sbr.rel @p0 .LBB2_1-.Ltmp3, $4  }
0xea: {  	[hbm4b:s12+s2] =	stream.linear.scatter [tilespmem:s21], [sflag:$0x2], $0x1A00, $0x38;
	[tilespmem:$0xA440] =	vst v63  }
0xeb: {  	_ =	swait.ge [sflag:s14], $0x1A00  }
0xec: {  	[sflag:s14] =	ssyncset.done $0x0  }
0xed: {  	[sflag:s14] =	ssyncadd.s32 $0xFFFFE600  }
0xee: {  	_ =	sfence.sel $0x180000  }
0xef: {  	[bflag:$0x0] =	sbarrier.arrive $0xFFFF  }
0xf0: {  	p0 =	sne.s32 s1, $0x0;
	_ =	strace $0x9000004A  }
0xf1: {  	s0 =	sadd.s32 @!p0 $0x100000, s0;
	[bflag:$0x2] =	sbarrier.arrive $0xFFFF  }
0xf2: {  	[sflag:s0] =	ssyncadd.tile.s32 @!p0 $0x1;
	_ =	shalt  }
.Lfunc_end2:
_tile_overlayer_lowered:
.L_overlay_start_2:
0xf3: {  	(tag) =	ssettag $0x2  }
0xf4: {  	s0 =	rddreg [dreg:$0x0];
	s2 =	stileid.u32  }
0xf5: {  	s1 =	rddreg [dreg:$0x1];
	p0 =	sne.s32 s2, $0x0  }
0xf6: {  	s3 =	rddreg [dreg:$0x2];
	[bflag:$0x3] =	sbarrier.arrive $0xFFFF;
	s2 =	simm.s32 @!p0 $0x1C02  }
0xf7: {  	[timem:s3], [sflag:s2] =	dma.local @!p0 [hbm:s0], s1  }
0xf8: {  	s0 =	simm.s32 @!p0 $0x2  }
0xf9: {  	_ =	swait.ge @!p0 [sflag:s0], s1  }
0xfa: {  	s1 =	ssub.s32 @!p0 $0x0, s1;
	[sflag:s0] =	ssyncset.done @!p0 $0x0  }
0xfb: {  	[sflag:s0] =	ssyncadd.s32 @!p0 s1  }
0xfc: {  	[bflag:$0x3] =	sbarrier.arrive $0xFFFF  }
0xfd: {  	_ =	shalt  }

// kernel: kernel.8.cloned.1.call-start
scs
__scs_entry_jumppad:
0x0: {  	(pc) =	sbr.rel $0x88, $3  }
0x1: {  	(tag) =	ssettag $0x0;
	lr =	simm.s32 $0x1  }
0x2: {  	[smem:$0x3F8E] =	sst lr;
	_ =	strace $0xD0000000  }
0x3: {  	_ = 	snop  }
0x4: {  	_ = 	snop  }
0x5: {  	_ = 	snop  }
0x6: {  	_ = 	snop  }
0x7: {  	_ = 	snop  }
__scs_overlays_trampoline_lowered:
0x8: {  	[smem:$0x3F9D] =	sst s0  }
0x9: {  	[smem:$0x3F9E] =	sst s1  }
0xa: {  	[smem:$0x3F9F] =	sst s2  }
0xb: {  	[smem:$0x3FA0] =	sst s3  }
0xc: {  	[smem:$0x3FA1] =	sst s4  }
0xd: {  	[smem:$0x3FA2] =	sst s5  }
0xe: {  	[smem:$0x3FA3] =	sst s6  }
0xf: {  	[smem:$0x3FA4] =	sst s7  }
0x10: {  	[smem:$0x3FA5] =	sst s8  }
0x11: {  	[smem:$0x3FA6] =	sst s9;
	s0 =	simm.s32 @!p0 $0x0  }
0x12: {  	s1 =	sld [smem:$0x3F8C];
	s0 =	simm.s32 @p0 $0x1  }
0x13: {  	[smem:$0x3FA7] =	sst s0;
	s0 =	simm.s32 @!p1 $0x0  }
0x14: {  	s2 =	sld [smem:$0x3F8B];
	s0 =	simm.s32 @p1 $0x1  }
0x15: {  	[smem:$0x3FA8] =	sst s0;
	s0 =	simm.s32 @!p2 $0x0  }
0x16: {  	s3 =	sld [smem:$0x3FDB];
	s0 =	simm.s32 @p2 $0x1  }
0x17: {  	s4 =	simm.s32 $0x1BF5;
	[smem:$0x3FAA] =	sst s0  }
0x18: {  	s0 =	sld [smem:$0x3F8D];
	_ =	swait.ge [sflag:s4], $0x0  }
0x19: {  	s7 =	sld [smem:$0x3F8E]  }
0x1a: {  	s8 =	sadd.s32 $0xFFFFE003, lr  }
0x1b: {  	s9 =	sadd.s32 $0xFFFFFEF7, lr;
	s5 =	simm.s32 $0xFFFFFFFF;
	p2 =	slt.u32 s8, $0xFFFFF086  }
0x1c: {  	p1 =	slt.u32 s9, $0xF7A;
	s5 =	simm.s32 @!p2 $0x0  }
0x1d: {  	s5 =	simm.s32 @p1 $0x1;
	p0 =	seq.s32 s7, s2  }
0x1e: {  	s7 =	smul.u32 @!p0 $0xF7A, s2;
	p2 =	seq.s32 @!p0 s5, $0x0  }
0x1f: {  	s9 =	smul.u32 $0xF7A, s1;
	s8 =	simm.s32 @!p0 $0x1BF5;
	p2 =	por !p2, p0  }
0x20: {  	[sflag:s8] =	ssyncset.s32 @!p0 $0xFFFFF086;
	s6 =	sadd.s32 @!p0 s3, s7;
	s7 =	simm.s32 @!p0 $0x108  }
0x21: {  	s3 =	sadd.s32 s3, s9;
	s6 =	sadd.s32 @!p0 $0x88, s6;
	s7 =	simm.s32 @p2 $0x1082  }
0x22: {  	[simem:s7], [sflag:s8] =	dma.local @!p0 [hbm:s6], $0xF7A  }
0x23: {  	s9 =	sor.u32 $0xD0000000, s2;
	s6 =	simm.s32 $0x108;
	_ =	swait.ge @!p0 [sflag:s8], $0x0  }
0x24: {  	s3 =	sadd.s32 $0x88, s3;
	s6 =	simm.s32 @!p1 $0x1082;
	[sflag:s4] =	ssyncset.s32 $0xFFFFF086  }
0x25: {  	[simem:s6], [sflag:s4] =	dma.local [hbm:s3], $0xF7A  }
0x26: {  	[smem:$0x3F8E] =	sst s1;
	(tag) =	ssettag s2;
	_ =	strace s9  }
0x27: {  	s1 =	sld [smem:$0x3F9E]  }
0x28: {  	s2 =	sld [smem:$0x3F9F]  }
0x29: {  	s4 =	sld [smem:$0x3FA1]  }
0x2a: {  	p0 =	seq.s32 s5, $0x0;
	s5 =	sld [smem:$0x3FA2]  }
0x2b: {  	s6 =	sld [smem:$0x3FA3]  }
0x2c: {  	s7 =	sld [smem:$0x3FA4]  }
0x2d: {  	s3 =	simm.s32 $0x108;
	s8 =	sld [smem:$0x3FA5]  }
0x2e: {  	s3 =	simm.s32 @!p0 $0x1082;
	s9 =	sld [smem:$0x3FA6]  }
0x2f: {  	lr =	sadd.s32 s0, s3;
	s0 =	sld [smem:$0x3F9D]  }
0x30: {  	s3 =	sld [smem:$0x3FA0]  }
0x31: {  	[smem:$0x3FA9] =	sst s10  }
0x32: {  	s10 =	sld [smem:$0x3FA7];
	_ =	sdelay $0x3  }
0x33: {  	p0 =	seq.s32 s10, $0x1;
	s10 =	sld [smem:$0x3FA9];
	_ =	sdelay $0x3  }
0x34: {  	[smem:$0x3FA9] =	sst s10  }
0x35: {  	s10 =	sld [smem:$0x3FA8];
	_ =	sdelay $0x3  }
0x36: {  	p1 =	seq.s32 s10, $0x1;
	s10 =	sld [smem:$0x3FA9];
	_ =	sdelay $0x3  }
0x37: {  	[smem:$0x3FA9] =	sst s10  }
0x38: {  	s10 =	sld [smem:$0x3FAA]  }
0x39: {  	_ = 	snop;
	(pc) =	sbr.ind lr, $3  }
0x3a: {  	_ = 	snop  }
0x3b: {  	_ = 	snop  }
0x3c: {  	p2 =	seq.s32 s10, $0x1;
	s10 =	sld [smem:$0x3FA9]  }
0x3d: {  	_ =	shalt  }
0x3e: {  	_ =	shalt  }
0x3f: {  	_ =	shalt  }
0x40: {  	_ =	shalt  }
0x41: {  	_ =	shalt  }
0x42: {  	_ =	shalt  }
0x43: {  	_ =	shalt  }
0x44: {  	_ =	shalt  }
0x45: {  	_ =	shalt  }
0x46: {  	_ =	shalt  }
0x47: {  	_ =	shalt  }
0x48: {  	_ =	shalt  }
0x49: {  	_ =	shalt  }
0x4a: {  	_ =	shalt  }
0x4b: {  	_ =	shalt  }
0x4c: {  	_ =	shalt  }
0x4d: {  	_ =	shalt  }
0x4e: {  	_ =	shalt  }
0x4f: {  	_ =	shalt  }
0x50: {  	_ =	shalt  }
0x51: {  	_ =	shalt  }
0x52: {  	_ =	shalt  }
0x53: {  	_ =	shalt  }
0x54: {  	_ =	shalt  }
0x55: {  	_ =	shalt  }
0x56: {  	_ =	shalt  }
0x57: {  	_ =	shalt  }
0x58: {  	_ =	shalt  }
0x59: {  	_ =	shalt  }
0x5a: {  	_ =	shalt  }
0x5b: {  	_ =	shalt  }
0x5c: {  	_ =	shalt  }
0x5d: {  	_ =	shalt  }
0x5e: {  	_ =	shalt  }
0x5f: {  	_ =	shalt  }
0x60: {  	_ =	shalt  }
0x61: {  	_ =	shalt  }
0x62: {  	_ =	shalt  }
0x63: {  	_ =	shalt  }
0x64: {  	_ =	shalt  }
0x65: {  	_ =	shalt  }
0x66: {  	_ =	shalt  }
0x67: {  	_ =	shalt  }
0x68: {  	_ =	shalt  }
0x69: {  	_ =	shalt  }
0x6a: {  	_ =	shalt  }
0x6b: {  	_ =	shalt  }
0x6c: {  	_ =	shalt  }
0x6d: {  	_ =	shalt  }
0x6e: {  	_ =	shalt  }
0x6f: {  	_ =	shalt  }
0x70: {  	_ =	shalt  }
0x71: {  	_ =	shalt  }
0x72: {  	_ =	shalt  }
0x73: {  	_ =	shalt  }
0x74: {  	_ =	shalt  }
0x75: {  	_ =	shalt  }
0x76: {  	_ =	shalt  }
0x77: {  	_ =	shalt  }
0x78: {  	_ =	shalt  }
0x79: {  	_ =	shalt  }
0x7a: {  	_ =	shalt  }
0x7b: {  	_ =	shalt  }
0x7c: {  	_ =	shalt  }
0x7d: {  	_ =	shalt  }
0x7e: {  	_ =	shalt  }
0x7f: {  	_ =	shalt  }
0x80: {  	_ =	shalt  }
0x81: {  	_ =	shalt  }
0x82: {  	_ =	shalt  }
0x83: {  	_ =	shalt  }
0x84: {  	_ =	shalt  }
0x85: {  	_ =	shalt  }
0x86: {  	_ =	shalt  }
0x87: {  	_ =	shalt  }
.Lfunc_end0:
.L_simem_size_0:
called_computation.2_lowered:
.L_overlay_start_0:
0x88: {  	s2 =	sld [smem:$0x3FD9]  }
0x89: {  	s3 =	sld [smem:$0x3FFE];
	_ =	sdelay $0x1  }
0x8a: {  	s1 =	srdreg.scid  }
0x8b: {  	s0 =	sand.u32 $0x1, s1  }
0x8c: {  	s16 =	sshll.u32 s0, $0xA;
	s2 =	sadd.s32 s3, s2  }
0x8d: {  	s2 =	sadd.s32 s2, s16  }
0x8e: {  	[smem:$0x3FB5] =	sst s2  }
0x8f: {  	_ = 	snop  }
0x90: {  	(tm) =	ssettm $0x1  }
0x91: {  	s17 =	sld [smem:$0x3FFB];
	_ =	sdelay $0x3  }
0x92: {  	_ =	strace s17  }
0x93: {  	s2 =	sld [smem:$0x3FFC];
	_ =	sdelay $0x3  }
0x94: {  	_ =	strace s2  }
0x95: {  	s2 =	sld [smem:$0x3FFD];
	_ =	sdelay $0x3  }
0x96: {  	_ =	strace s2  }
0x97: {  	_ =	strace $0x8FFFFFFF  }
0x98: {  	s18 =	sld [smem:$0x3FDB];
	_ =	sdelay $0x1  }
0x99: {  	s19 =	simm.s32 $_scs_section_size  }
0x9a: {  	s4 =	simm.s32 $_size__tile_overlayer_lowered;
	s5 =	simm.s32 $_tile_overlayer_lowered  }
0x9b: {  	s22 =	simm.s32 $0x1BFF;
	s21 =	sshll.u32 s5, $0x1;
	s2 =	sadd.s32 s19, s18  }
0x9c: {  	s6 =	simm.s32 $0x0;
	s20 =	sshll.u32 s4, $0x1;
	s4 =	sadd.s32 s21, s2  }
0x9d: {  	[timem:s6], [sflag:s22] =	dma.local [hbm:s4], s20  }
0x9e: {  	_ =	swait.ge [sflag:s22], s20  }
0x9f: {  	s3 =	ssub.s32 $0x0, s20;
	[sflag:s22] =	ssyncset.done $0x0  }
0xa0: {  	[sflag:s22] =	ssyncadd.s32 s3;
	_ =	sdelay $0x1  }
0xa1: {  	s23 =	simm.s32 $0x1B8B  }
0xa2: {  	_ =	swait.ge [sflag:s23], $0x1  }
0xa3: {  	[sflag:s23] =	ssyncset.done $0x0  }
0xa4: {  	s25 =	simm.s32 $0x1B8E;
	s24 =	sld [smem:$0x3FFE];
	[sflag:s23] =	ssyncadd.s32 $0xFFFFFFFF  }
0xa5: {  	s26 =	simm.s32 $execute0_lowered;
	[smem:$0x3FD2] =	sst s25  }
0xa6: {  	s4 =	sshll.u32 s26, $0x1;
	_ =	strace $0x80000046;
	[dreg:$0x1] =	wrdreg $0xFFFFFFFF  }
0xa7: {  	s28 =	simm.s32 $_size_execute0_lowered;
	s2 =	sadd.s32 s2, s4;
	[dreg:$0x0] =	wrdreg $0x0  }
0xa8: {  	s4 =	sshll.u32 s28, $0x1;
	[dreg:$0x2] =	wrdreg s2  }
0xa9: {  	[dreg:$0x3] =	wrdreg s4  }
0xaa: {  	[dreg:$0x4] =	wrdreg $0xC0  }
0xab: {  	_ =	task [dreg:s6], $0x5FFFF  }
0xac: {  	[dreg:$0x1] =	wrdreg $0xFFFFFFFF  }
0xad: {  	[dreg:$0x0] =	wrdreg $0x60  }
0xae: {  	[dreg:$0x2] =	wrdreg s24  }
0xaf: {  	[dreg:$0x3] =	wrdreg $0x9  }
0xb0: {  	_ =	task.clear_ibuf [dreg:s6], $0x4FFFF;
	_ =	strace $0x90000046  }
0xb1: {  	s29 =	simm.s32 $0x9;
	_ =	strace $0x80000048  }
0xb2: {  	_ =	swait.ge [sflag:s29], $0x1  }
0xb3: {  	[sflag:s29] =	ssyncadd.s32 $0xFFFFFFFF  }
0xb4: {  	_ =	strace $0x90000048  }
0xb5: {  	_ =	sfence  }
0xb6: {  	s30 =	sld [smem:$0x0];
	_ =	sdelay $0x2  }
0xb7: {  	s31 =	sshll.u32 s1, $0xD;
	s1 =	sshrl.u32 s1, $0x2  }
0xb8: {  	s3 =	sand.u32 $0x4000, s31;
	s1 =	sadd.s32 s1, s30  }
0xb9: {  	s0 =	sor.u32 s3, s0;
	s1 =	sshll.u32 s1, $0x11  }
0xba: {  	s0 =	sor.u32 s1, s0  }
0xbb: {  	s0 =	sadd.s32 $0x8F2B, s0  }
0xbc: {  	[sflag:s0] =	ssyncadd.remote.s32 $0x1  }
0xbd: {  	_ =	sfence.sel $0xFFFF  }
0xbe: {  	[dreg:$0x0] =	wrdreg $0xFFFFFFFF;
	(pc) =	sbr.abs _section_cstart, $3  }
0xbf: {  	[dreg:$0x1] =	wrdreg $0xFFFFFFFF  }
0xc0: {  	_ =	task.clear_ibuf [dreg:s6], $0x2FFFF;
	_ =	strace $0x9FFFFFFF  }
0xc1: {  	(tm) =	ssettm $0x7FFFFFFF  }
tec
execute0_lowered:
.L_overlay_start_1:
0x0: {  	(tag) =	ssettag $0x1  }
0x1: {  	s8 =	rddreg [dreg:$0x0]  }
0x2: {  	s0 =	rddreg [dreg:$0x1];
	s2 =	simm.s32 $0x0;
	s3 =	srdreg.scid  }
0x3: {  	s1 =	stileid.u32;
	s15 =	simm.s32 $0x20;
	s16 =	simm.s32 $0x1  }
0x4: {  	s17 =	simm.s32 $0x40;
	s18 =	simm.s32 $0x820;
	s19 =	simm.s32 $0x7020  }
0x5: {  	s20 =	simm.s32 $0x8A20;
	s21 =	simm.s32 $0x8A40;
	s22 =	simm.s32 $0x0  }
0x6: {  	[smem:$0x7FF] =	sst s2;
	s5 =	sand.u32 $0x1, s3;
	s31 =	sshll.u32 s1, $0x1  }
0x7: {  	s3 =	sadd.s32 $0x6400, s8;
	s4 =	sadd.s32 $0x5E00, s8;
	s7 =	sadd.s32 $0xA6400, s8  }
0x8: {  	_ =	strace $0x80000047;
	s9 =	sor.u32 s5, s31;
	s12 =	ssub.s32 $0x2, s5  }
0x9: {  	s5 =	sadd.s32 $0x1A400, s8;
	s6 =	sshll.u32 s9, $0x2;
	s10 =	smul.u32 $0x340, s9  }
0xa: {  	s13 =	sshrl.u32 s12, $0x1;
	s11 =	sadd.s32 s6, s8;
	s6 =	sadd.s32 $0x59C00, s8  }
0xb: {  	s13 =	ssub.s32 s12, s13;
	s14 =	sadd.s32 s10, s8;
	s8 =	sshll.u32 s9, $0x5  }
0xc: {  	s9 =	sadd.s32 $0x5C00, s11;
	s11 =	sadd.s32 $0x5A00, s11;
	s13 =	smax.u32 s13, $0x1  }
0xd: {  	s10 =	sadd.s32 $0x99400, s14;
	s12 =	sadd.s32 $0x9FC00, s14;
	s14 =	simm.s32 $0x2  }
.LBB2_1:
0xe: {  	s23 =	simm.s32 $0x0  }
.LBB2_2:
0xf: {  	s24 =	sshll.u32 s23, $0xA  }
0x10: {  	s24 =	sor.u32 s8, s24  }
0x11: {  	s25 =	sshrl.u32 s24, $0x3  }
0x12: {  	s26 =	simm.s32 $0x0;
	s25 =	sadd.s32 s4, s25  }
0x13: {  	[tilespmem:s26], [sflag:$0x2] =	stream.linear.gather [hbm4b:s25+s26], $0x20, $0x38;
	[tilespmem:$0xA440] =	vst v63  }
0x14: {  	_ =	swait.ge [sflag:s14], $0x20  }
0x15: {  	[sflag:s14] =	ssyncset.done $0x0  }
0x16: {  	[sflag:s14] =	ssyncadd.s32 $0xFFFFFFE0  }
0x17: {  	[tilespmem:s15], [sflag:$0x1] =	stream.indirect.gather [hbm4b:s3+s15], $0x40, s26, s15, $0xb8;
	[tilespmem:$0xA440] =	vst v63  }
0x18: {  	_ =	swait.ge [sflag:s16], $0x800  }
0x19: {  	[sflag:s16] =	ssyncset.done $0x0  }
0x1a: {  	[sflag:s16] =	ssyncadd.s32 $0xFFFFF800  }
0x1b: {  	[tilespmem:s18], [sflag:$0x1] =	stream.indirect.gather [hbm4b:s5+s17], $0xD0, s15, s17, $0xb8;
	[tilespmem:$0xA440] =	vst v63  }
.LBB2_3:
0x1c: {  	s25 =	sadd.s32 $0x1, s26;
	p0 =	seq.s32 s26, $0x1F;
	s28 =	sand.u32 $0x1, s26  }
0x1d: {  	s29 =	sand.u32 @!p0 $0x1, s25;
	p1 =	seq.s32 s28, $0x1;
	s28 =	simm.s32 $0x3C20  }
0x1e: {  	s28 =	simm.s32 @!p1 $0x820;
	p1 =	seq.s32 @!p0 s29, $0x1;
	s29 =	sshll.u32 @!p0 s25, $0x6  }
0x1f: {  	s30 =	simm.s32 @!p0 $0x3C20;
	p1 =	por !p1, p0;
	s29 =	sand.u32 @!p0 $0x3FFFFFC0, s29  }
0x20: {  	v0 =	vmov s28;
	s28 =	simm.s32 @!p0 $0x40;
	s30 =	simm.s32 @p1 $0x820;
	s29 =	sor.u32 @!p0 $0x20, s29  }
0x21: {  	[tilespmem:s30], [sflag:$0x1] =	stream.indirect.gather @!p0 [hbm4b:s5+s28], $0xD0, s29, s28, $0xb8;
	[tilespmem:$0xA440] =	vst v63  }
0x22: {  	_ =	swait.ge [sflag:s16], $0x3400  }
0x23: {  	[sflag:s16] =	ssyncset.done $0x0  }
0x24: {  	s29 =	simm.s32 $0x0;
	[sflag:s16] =	ssyncadd.s32 $0xFFFFCC00  }
0x25: {  	v1 =	vld.idx.msk [tilespmem:v0+s29+$0xC0 ss:$0x1], $0xffff  }
0x26: {  	v2 =	vld.idx.msk [tilespmem:v0+s29+$0x190 ss:$0x1], $0xffff  }
0x27: {  	v3 =	vld.idx.msk [tilespmem:v0+s29+$0x260 ss:$0x1], $0xffff  }
0x28: {  	v4 =	vld.idx.msk [tilespmem:v0+s29+$0x330 ss:$0x1], $0xffff  }
0x29: {  	v5 =	vld.idx.msk [tilespmem:v0+s29+$0x0 ss:$0x1], $0xffff  }
0x2a: {  	v6 =	vld.idx.msk [tilespmem:v0+s29+$0xD0 ss:$0x1], $0xffff  }
0x2b: {  	v7 =	vld.idx.msk [tilespmem:v0+s29+$0x1A0 ss:$0x1], $0xffff  }
0x2c: {  	v8 =	vld.idx.msk [tilespmem:v0+s29+$0x270 ss:$0x1], $0xffff  }
0x2d: {  	v9 =	vld.idx.msk [tilespmem:v0+s29+$0x10 ss:$0x1], $0xffff  }
0x2e: {  	v10 =	vld.idx.msk [tilespmem:v0+s29+$0xE0 ss:$0x1], $0xffff  }
0x2f: {  	v11 =	vld.idx.msk [tilespmem:v0+s29+$0x1B0 ss:$0x1], $0xffff  }
0x30: {  	v12 =	vld.idx.msk [tilespmem:v0+s29+$0x280 ss:$0x1], $0xffff  }
0x31: {  	v13 =	vld.idx.msk [tilespmem:v0+s29+$0x20 ss:$0x1], $0xffff  }
0x32: {  	v14 =	vld.idx.msk [tilespmem:v0+s29+$0xF0 ss:$0x1], $0xffff  }
0x33: {  	v15 =	vld.idx.msk [tilespmem:v0+s29+$0x1C0 ss:$0x1], $0xffff  }
0x34: {  	v16 =	vld.idx.msk [tilespmem:v0+s29+$0x290 ss:$0x1], $0xffff  }
0x35: {  	v17 =	vld.idx.msk [tilespmem:v0+s29+$0x30 ss:$0x1], $0xffff  }
0x36: {  	v18 =	vld.idx.msk [tilespmem:v0+s29+$0x100 ss:$0x1], $0xffff  }
0x37: {  	v19 =	vld.idx.msk [tilespmem:v0+s29+$0x1D0 ss:$0x1], $0xffff  }
0x38: {  	v20 =	vld.idx.msk [tilespmem:v0+s29+$0x2A0 ss:$0x1], $0xffff  }
0x39: {  	v21 =	vld.idx.msk [tilespmem:v0+s29+$0x40 ss:$0x1], $0xffff  }
0x3a: {  	v22 =	vld.idx.msk [tilespmem:v0+s29+$0x110 ss:$0x1], $0xffff  }
0x3b: {  	v23 =	vld.idx.msk [tilespmem:v0+s29+$0x1E0 ss:$0x1], $0xffff  }
0x3c: {  	v24 =	vld.idx.msk [tilespmem:v0+s29+$0x2B0 ss:$0x1], $0xffff  }
0x3d: {  	v25 =	vld.idx.msk [tilespmem:v0+s29+$0x50 ss:$0x1], $0xffff  }
0x3e: {  	v26 =	vld.idx.msk [tilespmem:v0+s29+$0x120 ss:$0x1], $0xffff  }
0x3f: {  	v27 =	vld.idx.msk [tilespmem:v0+s29+$0x1F0 ss:$0x1], $0xffff  }
0x40: {  	v28 =	vld.idx.msk [tilespmem:v0+s29+$0x2C0 ss:$0x1], $0xffff  }
0x41: {  	v29 =	vld.idx.msk [tilespmem:v0+s29+$0x60 ss:$0x1], $0xffff  }
0x42: {  	v30 =	vld.idx.msk [tilespmem:v0+s29+$0x130 ss:$0x1], $0xffff  }
0x43: {  	v31 =	vld.idx.msk [tilespmem:v0+s29+$0x200 ss:$0x1], $0xffff  }
0x44: {  	v32 =	vld.idx.msk [tilespmem:v0+s29+$0x2D0 ss:$0x1], $0xffff  }
0x45: {  	v61 =	vld.idx.msk [tilespmem:v0+s29+$0x300 ss:$0x1], $0xffff;
	v1 =	vadd.f32 v2, v1;
	v2 =	vadd.f32 v4, v3  }
0x46: {  	v62 =	vld.idx.msk [tilespmem:v0+s29+$0xA0 ss:$0x1], $0xffff;
	v4 =	vadd.f32 v6, v5;
	v5 =	vadd.f32 v8, v7  }
0x47: {  	v63 =	vld.idx.msk [tilespmem:v0+s29+$0x310 ss:$0x1], $0xffff;
	v7 =	vadd.f32 v10, v9;
	v8 =	vadd.f32 v12, v11  }
0x48: {  	v3 =	vld.idx.msk [tilespmem:v0+s29+$0x70 ss:$0x1], $0xffff;
	v10 =	vadd.f32 v14, v13;
	v11 =	vadd.f32 v16, v15  }
0x49: {  	v6 =	vld.idx.msk [tilespmem:v0+s29+$0x140 ss:$0x1], $0xffff;
	v12 =	vadd.f32 v24, v23;
	v1 =	vadd.f32 v2, v1  }
0x4a: {  	v9 =	vld.idx.msk [tilespmem:v0+s29+$0x210 ss:$0x1], $0xffff;
	v2 =	vadd.f32 v5, v4;
	v5 =	vadd.f32 v8, v7  }
0x4b: {  	v13 =	vld.idx.msk [tilespmem:v0+s29+$0x2E0 ss:$0x1], $0xffff;
	v7 =	vadd.f32 v11, v10;
	v8 =	vadd.f32 v18, v17  }
0x4c: {  	v14 =	vld.idx.msk [tilespmem:v0+s29+$0x150 ss:$0x1], $0xffff;
	v10 =	vadd.f32 v20, v19;
	v11 =	vadd.f32 v22, v21  }
0x4d: {  	v15 =	vld.idx.msk [tilespmem:v0+s29+$0x220 ss:$0x1], $0xffff;
	v17 =	vadd.f32 v26, v25;
	v18 =	vadd.f32 v28, v27  }
0x4e: {  	v16 =	vld.idx.msk [tilespmem:v0+s29+$0x2F0 ss:$0x1], $0xffff;
	v60 =	vadd.f32 v32, v31;
	v20 =	vadd.f32 v10, v8  }
0x4f: {  	v23 =	vld.idx.msk [tilespmem:v0+s29+$0x230 ss:$0x1], $0xffff;
	v21 =	vadd.f32 v12, v11;
	v17 =	vadd.f32 v18, v17;
	v12 =	vimm.f32 $0.0e+00  }
0x50: {  	v4 =	vld.idx.msk [tilespmem:v0+s29+$0x80 ss:$0x1], $0xffff;
	v18 =	vadd.f32 v30, v29;
	v1 =	vadd.f32 v1, v12  }
0x51: {  	v19 =	vld.idx.msk [tilespmem:v0+s29+$0x90 ss:$0x1], $0xffff;
	v10 =	vadd.f32 v2, v12;
	v2 =	vadd.f32 v6, v3  }
0x52: {  	v22 =	vld.idx.msk [tilespmem:v0+s29+$0x160 ss:$0x1], $0xffff;
	v11 =	vadd.f32 v5, v12;
	v3 =	vadd.f32 v13, v9  }
0x53: {  	v13 =	vld.idx.msk [tilespmem:v0+s29+$0x170 ss:$0x1], $0xffff;
	v8 =	vadd.f32 v7, v12;
	v15 =	vadd.f32 v16, v15  }
0x54: {  	v16 =	vld.idx.msk [tilespmem:v0+s29+$0x250 ss:$0x1], $0xffff;
	v5 =	vadd.f32 v60, v18;
	v9 =	vadd.f32 v20, v12  }
0x55: {  	v18 =	vld.idx.msk [tilespmem:v0+s29+$0x240 ss:$0x1], $0xffff;
	v6 =	vadd.f32 v21, v12;
	v7 =	vadd.f32 v17, v12  }
0x56: {  	v17 =	vld.idx.msk [tilespmem:v0+s29+$0x180 ss:$0x1], $0xffff;
	v2 =	vadd.f32 v3, v2;
	v3 =	vadd.f32 v14, v4  }
0x57: {  	v21 =	vadd.f32 v61, v23;
	v14 =	vld.idx.msk [tilespmem:v0+s29+$0xB0 ss:$0x1], $0xffff;
	v19 =	vadd.f32 v22, v19  }
0x58: {  	s28 =	simm.s32 $0x340;
	v20 =	vld.idx.msk [tilespmem:v0+s29+$0x320 ss:$0x1], $0xffff;
	v4 =	vadd.f32 v5, v12;
	v3 =	vadd.f32 v15, v3  }
0x59: {  	v5 =	vadd.f32 v2, v12;
	v2 =	vadd.f32 v21, v19;
	v15 =	vld.idx.msk [tilespmem:v0+s28+$0xC0 ss:$0x1], $0xffff  }
0x5a: {  	v19 =	vld.idx.msk [tilespmem:v0+s28+$0x190 ss:$0x1], $0xffff;
	v21 =	vadd.f32 v13, v62;
	v22 =	vadd.f32 v63, v18  }
0x5b: {  	s29 =	simm.s32 $0x1A00;
	v13 =	vimm.f32 $0.0e+00;
	v3 =	vadd.f32 v3, v12;
	v2 =	vadd.f32 v2, v12;
	v18 =	vld.idx.msk [tilespmem:v0+s28+$0x260 ss:$0x1], $0xffff  }
.LBB2_4:
0x5c: {  	p0 =	sne.s32 s29, $0xC300;
	v23 =	vld.idx.msk [tilespmem:v0+s28+$0x330 ss:$0x1], $0xffff;
	v21 =	vadd.f32 v22, v21;
	v14 =	vadd.f32 v17, v14  }
0x5d: {  	v17 =	vld.idx.msk [tilespmem:v0+s28+$0x0 ss:$0x1], $0xffff  }
0x5e: {  	v16 =	vadd.f32 v20, v16;
	v22 =	vld.idx.msk [tilespmem:v0+s28+$0xD0 ss:$0x1], $0xffff;
	v12 =	vadd.f32 v21, v12  }
0x5f: {  	v20 =	vld.idx.msk [tilespmem:v0+s28+$0x1A0 ss:$0x1], $0xffff  }
0x60: {  	v14 =	vadd.f32 v16, v14;
	v21 =	vld.idx.msk [tilespmem:v0+s28+$0x270 ss:$0x1], $0xffff  }
0x61: {  	v16 =	vld.idx.msk [tilespmem:v0+s28+$0x10 ss:$0x1], $0xffff  }
0x62: {  	v15 =	vadd.f32 v19, v15;
	v18 =	vadd.f32 v23, v18;
	v24 =	vld.idx.msk [tilespmem:v0+s28+$0xE0 ss:$0x1], $0xffff  }
0x63: {  	v13 =	vadd.f32 v14, v13;
	v19 =	vld.idx.msk [tilespmem:v0+s28+$0x1B0 ss:$0x1], $0xffff  }
0x64: {  	v14 =	vadd.f32 v22, v17;
	v15 =	vadd.f32 v18, v15;
	v17 =	vld.idx.msk [tilespmem:v0+s28+$0x280 ss:$0x1], $0xffff  }
0x65: {  	v18 =	vld.idx.msk [tilespmem:v0+s28+$0x20 ss:$0x1], $0xffff  }
0x66: {  	v20 =	vadd.f32 v21, v20;
	v1 =	vadd.f32 v15, v1;
	v21 =	vld.idx.msk [tilespmem:v0+s28+$0xF0 ss:$0x1], $0xffff  }
0x67: {  	v15 =	vld.idx.msk [tilespmem:v0+s28+$0x1C0 ss:$0x1], $0xffff  }
0x68: {  	v14 =	vadd.f32 v20, v14;
	v16 =	vadd.f32 v24, v16;
	v20 =	vld.idx.msk [tilespmem:v0+s28+$0x290 ss:$0x1], $0xffff  }
0x69: {  	v22 =	vld.idx.msk [tilespmem:v0+s28+$0x30 ss:$0x1], $0xffff  }
0x6a: {  	v10 =	vadd.f32 v14, v10;
	v14 =	vadd.f32 v17, v19;
	v17 =	vld.idx.msk [tilespmem:v0+s28+$0x100 ss:$0x1], $0xffff  }
0x6b: {  	v19 =	vld.idx.msk [tilespmem:v0+s28+$0x1D0 ss:$0x1], $0xffff  }
0x6c: {  	v14 =	vadd.f32 v14, v16;
	v16 =	vadd.f32 v21, v18;
	v18 =	vld.idx.msk [tilespmem:v0+s28+$0x2A0 ss:$0x1], $0xffff  }
0x6d: {  	v21 =	vld.idx.msk [tilespmem:v0+s28+$0x40 ss:$0x1], $0xffff  }
0x6e: {  	v11 =	vadd.f32 v14, v11;
	v14 =	vadd.f32 v20, v15;
	v15 =	vld.idx.msk [tilespmem:v0+s28+$0x110 ss:$0x1], $0xffff  }
0x6f: {  	v20 =	vld.idx.msk [tilespmem:v0+s28+$0x1E0 ss:$0x1], $0xffff  }
0x70: {  	v14 =	vadd.f32 v14, v16;
	v16 =	vadd.f32 v17, v22;
	v17 =	vld.idx.msk [tilespmem:v0+s28+$0x2B0 ss:$0x1], $0xffff  }
0x71: {  	v22 =	vld.idx.msk [tilespmem:v0+s28+$0x50 ss:$0x1], $0xffff  }
0x72: {  	v8 =	vadd.f32 v14, v8;
	v14 =	vadd.f32 v18, v19;
	v18 =	vld.idx.msk [tilespmem:v0+s28+$0x120 ss:$0x1], $0xffff  }
0x73: {  	v19 =	vld.idx.msk [tilespmem:v0+s28+$0x1F0 ss:$0x1], $0xffff  }
0x74: {  	v14 =	vadd.f32 v14, v16;
	v15 =	vadd.f32 v15, v21;
	v16 =	vld.idx.msk [tilespmem:v0+s28+$0x2C0 ss:$0x1], $0xffff  }
0x75: {  	v21 =	vld.idx.msk [tilespmem:v0+s28+$0x60 ss:$0x1], $0xffff  }
0x76: {  	v9 =	vadd.f32 v14, v9;
	v14 =	vadd.f32 v17, v20;
	v17 =	vld.idx.msk [tilespmem:v0+s28+$0x130 ss:$0x1], $0xffff  }
0x77: {  	v20 =	vld.idx.msk [tilespmem:v0+s28+$0x200 ss:$0x1], $0xffff  }
0x78: {  	v14 =	vadd.f32 v14, v15;
	v15 =	vadd.f32 v18, v22;
	v18 =	vld.idx.msk [tilespmem:v0+s28+$0x2D0 ss:$0x1], $0xffff  }
0x79: {  	v22 =	vld.idx.msk [tilespmem:v0+s28+$0x70 ss:$0x1], $0xffff  }
0x7a: {  	v6 =	vadd.f32 v14, v6;
	v14 =	vadd.f32 v16, v19;
	v16 =	vld.idx.msk [tilespmem:v0+s28+$0x140 ss:$0x1], $0xffff  }
0x7b: {  	v19 =	vld.idx.msk [tilespmem:v0+s28+$0x210 ss:$0x1], $0xffff  }
0x7c: {  	v14 =	vadd.f32 v14, v15;
	v15 =	vadd.f32 v17, v21;
	v17 =	vld.idx.msk [tilespmem:v0+s28+$0x2E0 ss:$0x1], $0xffff  }
0x7d: {  	v21 =	vld.idx.msk [tilespmem:v0+s28+$0x80 ss:$0x1], $0xffff  }
0x7e: {  	v7 =	vadd.f32 v14, v7;
	v14 =	vadd.f32 v18, v20;
	v18 =	vld.idx.msk [tilespmem:v0+s28+$0x150 ss:$0x1], $0xffff  }
0x7f: {  	v20 =	vld.idx.msk [tilespmem:v0+s28+$0x220 ss:$0x1], $0xffff  }
0x80: {  	v14 =	vadd.f32 v14, v15;
	v15 =	vadd.f32 v16, v22;
	v16 =	vld.idx.msk [tilespmem:v0+s28+$0x2F0 ss:$0x1], $0xffff  }
0x81: {  	v22 =	vld.idx.msk [tilespmem:v0+s28+$0x90 ss:$0x1], $0xffff  }
0x82: {  	v4 =	vadd.f32 v14, v4;
	v14 =	vadd.f32 v17, v19;
	v17 =	vld.idx.msk [tilespmem:v0+s28+$0x160 ss:$0x1], $0xffff  }
0x83: {  	v19 =	vld.idx.msk [tilespmem:v0+s28+$0x230 ss:$0x1], $0xffff  }
0x84: {  	v14 =	vadd.f32 v14, v15;
	v15 =	vadd.f32 v18, v21;
	v18 =	vld.idx.msk [tilespmem:v0+s28+$0x300 ss:$0x1], $0xffff  }
0x85: {  	v21 =	vld.idx.msk [tilespmem:v0+s28+$0xA0 ss:$0x1], $0xffff  }
0x86: {  	v5 =	vadd.f32 v14, v5;
	v14 =	vadd.f32 v16, v20;
	v20 =	vld.idx.msk [tilespmem:v0+s28+$0x170 ss:$0x1], $0xffff  }
0x87: {  	v23 =	vld.idx.msk [tilespmem:v0+s28+$0x240 ss:$0x1], $0xffff  }
0x88: {  	v15 =	vadd.f32 v14, v15;
	v22 =	vadd.f32 v17, v22;
	v24 =	vld.idx.msk [tilespmem:v0+s28+$0x310 ss:$0x1], $0xffff  }
0x89: {  	v14 =	vld.idx.msk [tilespmem:v0+s28+$0xB0 ss:$0x1], $0xffff  }
0x8a: {  	v3 =	vadd.f32 v15, v3;
	v15 =	vadd.f32 v18, v19;
	v17 =	vld.idx.msk [tilespmem:v0+s28+$0x180 ss:$0x1], $0xffff  }
.Ltmp0:
0x8b: {  	v16 =	vld.idx.msk [tilespmem:v0+s28+$0x250 ss:$0x1], $0xffff;
	(pc) =	sbr.rel @p0 .LBB2_4-.Ltmp0, $4  }
0x8c: {  	v18 =	vadd.f32 v15, v22;
	v21 =	vadd.f32 v20, v21;
	v20 =	vld.idx.msk [tilespmem:v0+s28+$0x320 ss:$0x1], $0xffff;
	s28 =	sshra.s32 s29, $0x2  }
0x8d: {  	v15 =	vld.idx.msk [tilespmem:v0+s28+$0xC0 ss:$0x1], $0xffff  }
0x8e: {  	v2 =	vadd.f32 v18, v2;
	v22 =	vadd.f32 v24, v23;
	v19 =	vld.idx.msk [tilespmem:v0+s28+$0x190 ss:$0x1], $0xffff  }
0x8f: {  	s29 =	sadd.s32 $0xD00, s29;
	v18 =	vld.idx.msk [tilespmem:v0+s28+$0x260 ss:$0x1], $0xffff  }
0x90: {  	_ =	sdelay $0x3  }
0x91: {  	v23 =	vld.idx.msk [tilespmem:v0+s28+$0x330 ss:$0x1], $0xffff  }
0x92: {  	v24 =	vld.idx.msk [tilespmem:v0+s28+$0x0 ss:$0x1], $0xffff  }
0x93: {  	v25 =	vld.idx.msk [tilespmem:v0+s28+$0xD0 ss:$0x1], $0xffff  }
0x94: {  	v26 =	vld.idx.msk [tilespmem:v0+s28+$0x1A0 ss:$0x1], $0xffff  }
0x95: {  	v27 =	vld.idx.msk [tilespmem:v0+s28+$0x270 ss:$0x1], $0xffff  }
0x96: {  	v28 =	vld.idx.msk [tilespmem:v0+s28+$0x10 ss:$0x1], $0xffff  }
0x97: {  	v29 =	vld.idx.msk [tilespmem:v0+s28+$0xE0 ss:$0x1], $0xffff  }
0x98: {  	v30 =	vld.idx.msk [tilespmem:v0+s28+$0x1B0 ss:$0x1], $0xffff  }
0x99: {  	v31 =	vld.idx.msk [tilespmem:v0+s28+$0x280 ss:$0x1], $0xffff  }
0x9a: {  	v32 =	vld.idx.msk [tilespmem:v0+s28+$0x20 ss:$0x1], $0xffff  }
0x9b: {  	v33 =	vld.idx.msk [tilespmem:v0+s28+$0xF0 ss:$0x1], $0xffff  }
0x9c: {  	v34 =	vld.idx.msk [tilespmem:v0+s28+$0x1C0 ss:$0x1], $0xffff  }
0x9d: {  	v35 =	vld.idx.msk [tilespmem:v0+s28+$0x290 ss:$0x1], $0xffff  }
0x9e: {  	v36 =	vld.idx.msk [tilespmem:v0+s28+$0x30 ss:$0x1], $0xffff  }
0x9f: {  	v37 =	vld.idx.msk [tilespmem:v0+s28+$0x100 ss:$0x1], $0xffff  }
0xa0: {  	v38 =	vld.idx.msk [tilespmem:v0+s28+$0x1D0 ss:$0x1], $0xffff  }
0xa1: {  	v39 =	vld.idx.msk [tilespmem:v0+s28+$0x2A0 ss:$0x1], $0xffff  }
0xa2: {  	v40 =	vld.idx.msk [tilespmem:v0+s28+$0x40 ss:$0x1], $0xffff  }
0xa3: {  	v41 =	vld.idx.msk [tilespmem:v0+s28+$0x110 ss:$0x1], $0xffff  }
0xa4: {  	v42 =	vld.idx.msk [tilespmem:v0+s28+$0x1E0 ss:$0x1], $0xffff  }
0xa5: {  	v43 =	vld.idx.msk [tilespmem:v0+s28+$0x2B0 ss:$0x1], $0xffff  }
0xa6: {  	v44 =	vld.idx.msk [tilespmem:v0+s28+$0x50 ss:$0x1], $0xffff  }
0xa7: {  	v45 =	vld.idx.msk [tilespmem:v0+s28+$0x120 ss:$0x1], $0xffff  }
0xa8: {  	v46 =	vld.idx.msk [tilespmem:v0+s28+$0x1F0 ss:$0x1], $0xffff  }
0xa9: {  	v47 =	vld.idx.msk [tilespmem:v0+s28+$0x2C0 ss:$0x1], $0xffff  }
0xaa: {  	v48 =	vld.idx.msk [tilespmem:v0+s28+$0x60 ss:$0x1], $0xffff  }
0xab: {  	v49 =	vld.idx.msk [tilespmem:v0+s28+$0x130 ss:$0x1], $0xffff  }
0xac: {  	v50 =	vld.idx.msk [tilespmem:v0+s28+$0x200 ss:$0x1], $0xffff;
	v21 =	vadd.f32 v22, v21  }
0xad: {  	v22 =	vld.idx.msk [tilespmem:v0+s28+$0x2D0 ss:$0x1], $0xffff;
	v14 =	vadd.f32 v17, v14;
	v16 =	vadd.f32 v20, v16  }
0xae: {  	v17 =	vld.idx.msk [tilespmem:v0+s28+$0x70 ss:$0x1], $0xffff;
	v12 =	vadd.f32 v21, v12  }
0xaf: {  	v53 =	vld.idx.msk [tilespmem:v0+s28+$0x150 ss:$0x1], $0xffff;
	v14 =	vadd.f32 v16, v14;
	v15 =	vadd.f32 v19, v15  }
0xb0: {  	v55 =	vld.idx.msk [tilespmem:v0+s28+$0x220 ss:$0x1], $0xffff;
	v62 =	vadd.f32 v25, v24;
	v63 =	vadd.f32 v27, v26  }
0xb1: {  	v58 =	vld.idx.msk [tilespmem:v0+s28+$0x2F0 ss:$0x1], $0xffff;
	v51 =	vadd.f32 v29, v28;
	v52 =	vadd.f32 v31, v30  }
0xb2: {  	v61 =	vld.idx.msk [tilespmem:v0+s28+$0x90 ss:$0x1], $0xffff;
	v18 =	vadd.f32 v23, v18;
	v13 =	vadd.f32 v14, v13  }
0xb3: {  	v20 =	vld.idx.msk [tilespmem:v0+s28+$0x140 ss:$0x1], $0xffff;
	v56 =	vadd.f32 v33, v32;
	v57 =	vadd.f32 v35, v34  }
0xb4: {  	v16 =	vld.idx.msk [tilespmem:v0+s28+$0x210 ss:$0x1], $0xffff;
	v59 =	vadd.f32 v37, v36;
	v60 =	vadd.f32 v39, v38  }
0xb5: {  	v24 =	vld.idx.msk [tilespmem:v0+s28+$0x2E0 ss:$0x1], $0xffff;
	v38 =	vadd.f32 v41, v40;
	v39 =	vadd.f32 v43, v42  }
0xb6: {  	v27 =	vld.idx.msk [tilespmem:v0+s28+$0x80 ss:$0x1], $0xffff;
	v41 =	vadd.f32 v45, v44;
	v42 =	vadd.f32 v47, v46  }
0xb7: {  	v37 =	vld.idx.msk [tilespmem:v0+s28+$0x230 ss:$0x1], $0xffff;
	v48 =	vadd.f32 v49, v48;
	v22 =	vadd.f32 v22, v50  }
0xb8: {  	v40 =	vld.idx.msk [tilespmem:v0+s28+$0x300 ss:$0x1], $0xffff;
	v23 =	vadd.f32 v58, v55;
	v17 =	vadd.f32 v20, v17  }
0xb9: {  	v43 =	vld.idx.msk [tilespmem:v0+s28+$0xA0 ss:$0x1], $0xffff;
	v19 =	vadd.f32 v63, v62;
	v54 =	vadd.f32 v52, v51  }
0xba: {  	v44 =	vld.idx.msk [tilespmem:v0+s28+$0x170 ss:$0x1], $0xffff;
	v63 =	vadd.f32 v57, v56;
	v36 =	vadd.f32 v60, v59  }
0xbb: {  	v47 =	vld.idx.msk [tilespmem:v0+s28+$0x240 ss:$0x1], $0xffff;
	v45 =	vadd.f32 v39, v38;
	v46 =	vadd.f32 v42, v41  }
0xbc: {  	v49 =	vld.idx.msk [tilespmem:v0+s28+$0x310 ss:$0x1], $0xffff;
	v22 =	vadd.f32 v22, v48;
	v10 =	vadd.f32 v19, v10  }
0xbd: {  	v50 =	vld.idx.msk [tilespmem:v0+s28+$0xB0 ss:$0x1], $0xffff;
	v11 =	vadd.f32 v54, v11;
	v8 =	vadd.f32 v63, v8  }
0xbe: {  	v62 =	vld.idx.msk [tilespmem:v0+s28+$0x160 ss:$0x1], $0xffff;
	v9 =	vadd.f32 v36, v9;
	v6 =	vadd.f32 v45, v6  }
0xbf: {  	s26 =	smul.u32 $0x340, s26;
	v51 =	vld.idx.msk [tilespmem:v0+s28+$0x180 ss:$0x1], $0xffff;
	v7 =	vadd.f32 v46, v7;
	v4 =	vadd.f32 v22, v4  }
0xc0: {  	v52 =	vld.idx.msk [tilespmem:v0+s28+$0x250 ss:$0x1], $0xffff;
	v16 =	vadd.f32 v24, v16;
	v14 =	vadd.f32 v53, v27;
	v10 =	vmul.f32 $1.562500000e-02, v10  }
0xc1: {  	s26 =	sshra.s32 s26, $0x2;
	v53 =	vld.idx.msk [tilespmem:v0+s28+$0x320 ss:$0x1], $0xffff;
	v54 =	vadd.f32 v40, v37;
	v57 =	vadd.f32 v44, v43;
	v11 =	vmul.f32 $1.562500000e-02, v11  }
0xc2: {  	v58 =	vadd.f32 v49, v47;
	v8 =	vmul.f32 $1.562500000e-02, v8;
	v16 =	vadd.f32 v16, v17;
	[tilespmem:s26+$0x7020] =	vst v10  }
0xc3: {  	v9 =	vmul.f32 $1.562500000e-02, v9;
	v19 =	vadd.f32 v62, v61;
	v55 =	vadd.f32 v23, v14;
	[tilespmem:s26+$0x7030] =	vst v11  }
0xc4: {  	v6 =	vmul.f32 $1.562500000e-02, v6;
	v59 =	vadd.f32 v51, v50;
	v60 =	vadd.f32 v58, v57;
	[tilespmem:s26+$0x7040] =	vst v8  }
0xc5: {  	v7 =	vmul.f32 $1.562500000e-02, v7;
	v61 =	vadd.f32 v18, v15;
	[tilespmem:s26+$0x7050] =	vst v9;
	v5 =	vadd.f32 v16, v5  }
0xc6: {  	v4 =	vmul.f32 $1.562500000e-02, v4;
	[tilespmem:s26+$0x7060] =	vst v6;
	v3 =	vadd.f32 v55, v3;
	v0 =	vadd.f32 v53, v52  }
0xc7: {  	[tilespmem:s26+$0x7070] =	vst v7;
	v56 =	vadd.f32 v54, v19;
	v62 =	vadd.f32 v60, v12;
	v5 =	vmul.f32 $1.562500000e-02, v5  }
0xc8: {  	[tilespmem:s26+$0x7080] =	vst v4;
	v1 =	vadd.f32 v61, v1;
	v3 =	vmul.f32 $1.562500000e-02, v3;
	v0 =	vadd.f32 v0, v59  }
0xc9: {  	p0 =	sne.s32 s25, $0x20;
	v2 =	vadd.f32 v56, v2;
	v63 =	vmul.f32 $1.562500000e-02, v62;
	[tilespmem:s26+$0x7090] =	vst v5  }
.Ltmp1:
0xca: {  	v1 =	vmul.f32 $1.562500000e-02, v1;
	[tilespmem:s26+$0x70A0] =	vst v3;
	v0 =	vadd.f32 v0, v13;
	(pc) =	sbr.rel @p0 .LBB2_3-.Ltmp1, $4  }
0xcb: {  	v2 =	vmul.f32 $1.562500000e-02, v2;
	[tilespmem:s26+$0x70C0] =	vst v63  }
0xcc: {  	[tilespmem:s26+$0x70E0] =	vst v1;
	v0 =	vmul.f32 $1.562500000e-02, v0  }
0xcd: {  	[tilespmem:s26+$0x70B0] =	vst v2  }
0xce: {  	[tilespmem:s26+$0x70D0] =	vst v0;
	s26 =	smov.u32 s25  }
0xcf: {  	s24 =	smul.u32 $0x1A, s24;
	s23 =	sadd.s32 $0x1, s23  }
0xd0: {  	p0 =	sne.s32 s23, $0xA  }
.Ltmp2:
0xd1: {  	s24 =	sadd.s32 s7, s24;
	(pc) =	sbr.rel @p0 .LBB2_2-.Ltmp2, $4  }
0xd2: {  	[hbm4b:s24+s2] =	stream.linear.scatter [tilespmem:s19], [sflag:$0x2], $0x1A00, $0x38;
	[tilespmem:$0xA440] =	vst v63  }
0xd3: {  	_ =	swait.ge [sflag:s14], $0x1A00  }
0xd4: {  	[sflag:s14] =	ssyncset.done $0x0  }
0xd5: {  	[sflag:s14] =	ssyncadd.s32 $0xFFFFE600  }
0xd6: {  	[tilespmem:s20], [sflag:$0x2] =	stream.linear.gather [hbm4b:s9+s2], $0x20, $0x38;
	[tilespmem:$0xA440] =	vst v63  }
0xd7: {  	_ =	swait.ge [sflag:s14], $0x20  }
0xd8: {  	[sflag:s14] =	ssyncset.done $0x0  }
0xd9: {  	[sflag:s14] =	ssyncadd.s32 $0xFFFFFFE0  }
0xda: {  	[tilespmem:s21], [sflag:$0x1] =	stream.indirect.gather [hbm4b:s5+s15], $0xD0, s20, s15, $0xb8;
	[tilespmem:$0xA440] =	vst v63  }
0xdb: {  	_ =	swait.ge [sflag:s16], $0x1A00  }
0xdc: {  	[sflag:s16] =	ssyncset.done $0x0  }
0xdd: {  	[sflag:s16] =	ssyncadd.s32 $0xFFFFE600  }
0xde: {  	[hbm4b:s10+s2] =	stream.linear.scatter [tilespmem:s21], [sflag:$0x2], $0x1A00, $0x38;
	[tilespmem:$0xA440] =	vst v63  }
0xdf: {  	_ =	swait.ge [sflag:s14], $0x1A00  }
0xe0: {  	[sflag:s14] =	ssyncset.done $0x0  }
0xe1: {  	[sflag:s14] =	ssyncadd.s32 $0xFFFFE600  }
0xe2: {  	[tilespmem:s20], [sflag:$0x2] =	stream.linear.gather [hbm4b:s11+s2], $0x20, $0x38;
	[tilespmem:$0xA440] =	vst v63  }
0xe3: {  	_ =	swait.ge [sflag:s14], $0x20  }
0xe4: {  	[sflag:s14] =	ssyncset.done $0x0  }
0xe5: {  	[sflag:s14] =	ssyncadd.s32 $0xFFFFFFE0  }
0xe6: {  	[tilespmem:s21], [sflag:$0x1] =	stream.indirect.gather [hbm4b:s6+s15], $0xD0, s20, s15, $0xb8;
	[tilespmem:$0xA440] =	vst v63  }
0xe7: {  	s22 =	sadd.s32 $0x1, s22;
	_ =	swait.ge [sflag:s16], $0x1A00  }
0xe8: {  	p0 =	sne.s32 s22, s13;
	[sflag:s16] =	ssyncset.done $0x0  }
.Ltmp3:
0xe9: {  	[sflag:s16] =	ssyncadd.s32 $0xFFFFE600;
	(pc) =	sbr.rel @p0 .LBB2_1-.Ltmp3, $4  }
0xea: {  	[hbm4b:s12+s2] =	stream.linear.scatter [tilespmem:s21], [sflag:$0x2], $0x1A00, $0x38;
	[tilespmem:$0xA440] =	vst v63  }
0xeb: {  	_ =	swait.ge [sflag:s14], $0x1A00  }
0xec: {  	[sflag:s14] =	ssyncset.done $0x0  }
0xed: {  	[sflag:s14] =	ssyncadd.s32 $0xFFFFE600  }
0xee: {  	_ =	sfence.sel $0x180000  }
0xef: {  	[bflag:$0x0] =	sbarrier.arrive $0xFFFF  }
0xf0: {  	p0 =	sne.s32 s1, $0x0;
	_ =	strace $0x90000047  }
0xf1: {  	s0 =	sadd.s32 @!p0 $0x100000, s0;
	[bflag:$0x2] =	sbarrier.arrive $0xFFFF  }
0xf2: {  	[sflag:s0] =	ssyncadd.tile.s32 @!p0 $0x1;
	_ =	shalt  }
.Lfunc_end2:
_tile_overlayer_lowered:
.L_overlay_start_2:
0xf3: {  	(tag) =	ssettag $0x2  }
0xf4: {  	s0 =	rddreg [dreg:$0x0];
	s2 =	stileid.u32  }
0xf5: {  	s1 =	rddreg [dreg:$0x1];
	p0 =	sne.s32 s2, $0x0  }
0xf6: {  	s3 =	rddreg [dreg:$0x2];
	[bflag:$0x3] =	sbarrier.arrive $0xFFFF;
	s2 =	simm.s32 @!p0 $0x1C02  }
0xf7: {  	[timem:s3], [sflag:s2] =	dma.local @!p0 [hbm:s0], s1  }
0xf8: {  	s0 =	simm.s32 @!p0 $0x2  }
0xf9: {  	_ =	swait.ge @!p0 [sflag:s0], s1  }
0xfa: {  	s1 =	ssub.s32 @!p0 $0x0, s1;
	[sflag:s0] =	ssyncset.done @!p0 $0x0  }
0xfb: {  	[sflag:s0] =	ssyncadd.s32 @!p0 s1  }
0xfc: {  	[bflag:$0x3] =	sbarrier.arrive $0xFFFF  }
0xfd: {  	_ =	shalt  }

// kernel: sparse-core-data-format-call.1.cloned.1.call-start
scs
called_computation.1_lowered:
.L_overlay_start_0:
0x0: {  	s2 =	sld [smem:$0x3FD9]  }
0x1: {  	s3 =	sld [smem:$0x3FFE];
	_ =	sdelay $0x1  }
0x2: {  	s1 =	srdreg.scid  }
0x3: {  	s0 =	sand.u32 $0x1, s1  }
0x4: {  	s16 =	sshll.u32 s0, $0xA;
	s2 =	sadd.s32 s3, s2  }
0x5: {  	s2 =	sadd.s32 s2, s16  }
0x6: {  	[smem:$0x3FB5] =	sst s2  }
0x7: {  	_ = 	snop  }
0x8: {  	s2 =	sld [smem:$0x3FD0];
	_ =	sdelay $0x2  }
0x9: {  	s17 =	simm.s32 $0xB;
	s4 =	simm.s32 $0x10  }
0xa: {  	[smem:s4], [sflag:s17] =	dma.local [hbm:s2], $0x1  }
0xb: {  	_ =	swait.eq [sflag:s17], $0x1  }
0xc: {  	[sflag:s17] =	ssyncset.done $0x0  }
0xd: {  	[sflag:s17] =	ssyncadd.s32 $0xFFFFFFFF  }
0xe: {  	s18 =	sld [smem:$0x11];
	(tm) =	ssettm $0x1  }
0xf: {  	s19 =	sld [smem:$0x3FFB];
	_ =	sdelay $0x3  }
0x10: {  	_ =	strace s19  }
0x11: {  	s2 =	sld [smem:$0x3FFC];
	_ =	sdelay $0x3  }
0x12: {  	_ =	strace s2  }
0x13: {  	s2 =	sld [smem:$0x3FFD];
	_ =	sdelay $0x3  }
0x14: {  	_ =	strace s2  }
0x15: {  	_ =	strace $0x8FFFFFFF  }
0x16: {  	s20 =	sld [smem:$0x3FDB];
	_ =	sdelay $0x1  }
0x17: {  	s21 =	simm.s32 $_scs_section_size  }
0x18: {  	s5 =	simm.s32 $_size__tile_overlayer_lowered;
	s6 =	simm.s32 $_tile_overlayer_lowered  }
0x19: {  	s7 =	simm.s32 $0x1BFF;
	s22 =	sshll.u32 s6, $0x1;
	s4 =	sadd.s32 s21, s20  }
0x1a: {  	s23 =	simm.s32 $0x0;
	s5 =	sshll.u32 s5, $0x1;
	s6 =	sadd.s32 s22, s4  }
0x1b: {  	[timem:s23], [sflag:s7] =	dma.local [hbm:s6], s5  }
0x1c: {  	_ =	swait.ge [sflag:s7], s5  }
0x1d: {  	s5 =	ssub.s32 $0x0, s5;
	[sflag:s7] =	ssyncset.done $0x0  }
0x1e: {  	[sflag:s7] =	ssyncadd.s32 s5;
	_ =	sdelay $0x1  }
0x1f: {  	s24 =	simm.s32 $0x1B8B  }
0x20: {  	_ =	swait.ge [sflag:s24], $0x1  }
0x21: {  	[sflag:s24] =	ssyncset.done $0x0  }
0x22: {  	[sflag:s24] =	ssyncadd.s32 $0xFFFFFFFF  }
0x23: {  	s5 =	sld [smem:$0x0]  }
0x24: {  	s6 =	sand.u32 $0xFFFFFFFE, s1  }
0x25: {  	p0 =	sne.s32 s1, s6  }
0x26: {  	s6 =	sshll.u32 @p0 s6, $0xE  }
0x27: {  	s6 =	sadd.s32 @p0 $0x11B8D, s6;
	s7 =	sshll.u32 @p0 s5, $0x11  }
0x28: {  	s6 =	sor.u32 @p0 s7, s6  }
0x29: {  	[sflag:s6] =	ssyncadd.remote.s32 @p0 $0x1;
	_ =	sdelay $0x1  }
0x2a: {  	s6 =	simm.s32 @p0 $0x1B8D  }
0x2b: {  	_ =	swait.eq @p0 [sflag:s6], $0x1  }
0x2c: {  	[sflag:s6] =	ssyncadd.s32 @p0 $0xFFFFFFFF  }
0x2d: {  	s7 =	sshll.u32 @!p0 s1, $0xE  }
0x2e: {  	s7 =	sor.u32 @!p0 $0x4000, s7;
	s6 =	simm.s32 @!p0 $0x1B8D  }
0x2f: {  	s5 =	sshll.u32 @!p0 s5, $0x11;
	s7 =	sadd.s32 @!p0 $0x11B8D, s7;
	_ =	swait.eq @!p0 [sflag:s6], $0x1  }
0x30: {  	s5 =	sor.u32 @!p0 s5, s7;
	[sflag:s6] =	ssyncadd.s32 @!p0 $0xFFFFFFFF  }
0x31: {  	s26 =	simm.s32 $0x1B8E;
	s25 =	sld [smem:$0x3FFE];
	[sflag:s5] =	ssyncadd.remote.s32 @!p0 $0x1  }
0x32: {  	s27 =	simm.s32 $execute0_lowered;
	[smem:$0x3FD2] =	sst s26  }
0x33: {  	s6 =	sshll.u32 s27, $0x1;
	_ =	strace $0x8000004F;
	[dreg:$0x1] =	wrdreg $0xFFFFFFFF  }
0x34: {  	s28 =	simm.s32 $_size_execute0_lowered;
	s4 =	sadd.s32 s4, s6;
	[dreg:$0x0] =	wrdreg $0x0  }
0x35: {  	s6 =	sshll.u32 s28, $0x1;
	[dreg:$0x2] =	wrdreg s4  }
0x36: {  	[dreg:$0x3] =	wrdreg s6  }
0x37: {  	[dreg:$0x4] =	wrdreg $0xC0  }
0x38: {  	_ =	task [dreg:s23], $0x5FFFF  }
0x39: {  	[dreg:$0x1] =	wrdreg $0xFFFFFFFF  }
0x3a: {  	[dreg:$0x0] =	wrdreg $0x60  }
0x3b: {  	[dreg:$0x2] =	wrdreg s25  }
0x3c: {  	[dreg:$0x3] =	wrdreg s18  }
0x3d: {  	[dreg:$0x4] =	wrdreg $0xA  }
0x3e: {  	_ =	task.clear_ibuf [dreg:s23], $0x5FFFF;
	_ =	strace $0x9000004F  }
0x3f: {  	s29 =	simm.s32 $0xA;
	_ =	strace $0x80000051  }
0x40: {  	_ =	swait.ge [sflag:s29], $0x1  }
0x41: {  	[sflag:s29] =	ssyncadd.s32 $0xFFFFFFFF  }
0x42: {  	_ =	strace $0x90000051  }
0x43: {  	_ =	sfence  }
0x44: {  	s30 =	sld [smem:$0x0];
	_ =	sdelay $0x2  }
0x45: {  	s31 =	sshll.u32 s1, $0xD;
	s1 =	sshrl.u32 s1, $0x2  }
0x46: {  	s4 =	sand.u32 $0x4000, s31;
	s1 =	sadd.s32 s1, s30  }
0x47: {  	s0 =	sor.u32 s4, s0;
	s1 =	sshll.u32 s1, $0x11  }
0x48: {  	s0 =	sor.u32 s1, s0  }
0x49: {  	s0 =	sadd.s32 $0x8F2B, s0  }
0x4a: {  	[sflag:s0] =	ssyncadd.remote.s32 $0x1  }
0x4b: {  	_ =	sfence.sel $0xFFFF  }
0x4c: {  	[dreg:$0x0] =	wrdreg $0xFFFFFFFF;
	(pc) =	sbr.abs _section_cstart, $3  }
0x4d: {  	[dreg:$0x1] =	wrdreg $0xFFFFFFFF  }
0x4e: {  	_ =	task.clear_ibuf [dreg:s23], $0x2FFFF;
	_ =	strace $0x9FFFFFFF  }
0x4f: {  	(tm) =	ssettm $0x7FFFFFFF  }
tec
execute0_lowered:
.L_overlay_start_1:
0x0: {  	(tag) =	ssettag $0x1  }
0x1: {  	s0 =	stileid.u32  }
0x2: {  	s2 =	srdreg.scid;
	s7 =	rddreg [dreg:$0x0]  }
0x3: {  	s6 =	simm.s32 $0x1;
	s31 =	simm.s32 $0x2;
	s16 =	simm.s32 $0x0  }
0x4: {  	s9 =	simm.s32 $0x2000;
	s15 =	simm.s32 $0x0;
	s10 =	simm.s32 $0x0  }
0x5: {  	s11 =	simm.s32 $0x0;
	s14 =	simm.s32 $0x0;
	s1 =	sshll.u32 s0, $0x7  }
0x6: {  	s3 =	sshll.u32 s0, $0x4;
	s2 =	sshll.u32 s2, $0x8;
	s1 =	sand.u32 $0x380, s1  }
0x7: {  	s7 =	sadd.s32 $0x145A00, s7;
	s2 =	sor.u32 s3, s2;
	s5 =	ssub.s32 $0x400, s1  }
0x8: {  	s3 =	rddreg [dreg:$0x1];
	s4 =	sand.u32 $0x180, s2;
	s29 =	sand.u32 $0x380, s5  }
0x9: {  	s30 =	ssub.s32 $0x2700, s4;
	s5 =	sshrl.u32 s5, $0xA;
	p0 =	sne.s32 s29, $0x0  }
.Ltmp0:
0xa: {  	s8 =	sshrl.u32 s30, $0x9;
	s6 =	simm.s32 @!p0 $0x0;
	(pc) =	sbr.rel .LBB1_1-.Ltmp0, $4  }
0xb: {  	s2 =	rddreg [dreg:$0x2];
	s8 =	sadd.s32 $0x1, s8;
	s6 =	sadd.s32 s6, s5  }
0xc: {  	_ =	strace $0x80000050;
	s5 =	simm.s32 $0x1;
	s6 =	smul.u32 s6, s8  }
0xd: {  	s13 =	smov.u32 s1;
	s12 =	smov.u32 s4;
	[sflag:s5] =	ssyncpa.u1 $0x0  }
0xe: {  	p0 =	por $0x0, $0x0;
	[sflag:s31] =	ssyncpa.u1 $0x0;
	s8 =	sadd.s32 $0x1, s6  }
.LBB1_4:
0xf: {  	s21 =	sshra.s32 s21, $0x2;
	s27 =	sshll.u32 s10, $0xA;
	s22 =	sshll.u32 s11, $0x3  }
0x10: {  	s23 =	sshll.u32 s10, $0x7;
	s24 =	sand.u32 $0x78, s11;
	p1 =	sgt.s32 s10, $0x2690  }
0x11: {  	s25 =	sshra.s32 s10, $0x1F;
	s26 =	sshra.s32 s11, $0x1F;
	s20 =	sadd.s32 s21, s20  }
0x12: {  	v5 =	vld [tilespmem:s18+$0xFFFFFFD0];
	[tilespmem:s19+$0x2040 ss:$0x81] =	vst.msk $0xffff, v4;
	s21 =	sand.u32 $0xFFFFE000, s27;
	s22 =	sand.u32 $0xFFFFFC00, s22;
	s28 =	sand.u32 $0x380, s23  }
0x13: {  	v58 =	vld [tilespmem:s18+$0xFFFFFFE0];
	[tilespmem:s19+$0x2850 ss:$0x81] =	vst.msk $0xffff, v3;
	s23 =	smov.u32 s10;
	s30 =	sand.u32 s25, s10;
	s25 =	smov.u32 s11  }
0x14: {  	v59 =	vld [tilespmem:s18+$0xFFFFFFF0];
	[tilespmem:s19+$0x3060 ss:$0x81] =	vst.msk $0xffff, v2;
	s31 =	sand.u32 s26, s11;
	s21 =	sadd.s32 s22, s21;
	s22 =	sor.u32 s24, s28  }
0x15: {  	v60 =	vld [tilespmem:s18+$0x0];
	[tilespmem:s19+$0x0 ss:$0x81] =	vst.msk $0xffff, v1;
	s23 =	simm.s32 @!p1 $0x2690;
	p1 =	sgt.s32 s11, $0x380;
	s21 =	sshrl.u32 s21, $0xA  }
0x16: {  	v61 =	vld [tilespmem:s18+$0x10];
	[tilespmem:s20+$0x3870 ss:$0x81] =	vst.msk $0xffff, v0;
	s19 =	ssub.s32 s23, s30;
	s25 =	simm.s32 @!p1 $0x380;
	s29 =	smulhi.u32 $0x1A36E3, s21  }
0x17: {  	v62 =	vld [tilespmem:s18+$0x20];
	s23 =	ssub.s32 s25, s31;
	s26 =	sadd.s32 $0xFFFFD970, s19;
	s19 =	ssub.s32 $0x2710, s19;
	[tilespmem:s20+$0x810 ss:$0x81] =	vst.msk $0xffff, v5  }
0x18: {  	v63 =	vld [tilespmem:s18+$0xFFFFFFC0];
	[tilespmem:s20+$0x1020 ss:$0x81] =	vst.msk $0xffff, v58;
	p1 =	sgt.s32 s26, $0x7F;
	s28 =	sadd.s32 $0xFFFFFC80, s23;
	s24 =	sshrl.u32 s29, $0x2  }
0x19: {  	[tilespmem:s20+$0x1830 ss:$0x81] =	vst.msk $0xffff, v59;
	s23 =	ssub.s32 $0x400, s23;
	p2 =	sgt.s32 s28, $0x7F;
	s27 =	smul.u32 $0x2710, s24  }
0x1a: {  	s30 =	sand.u32 $0x7, s11;
	[tilespmem:s20+$0x2040 ss:$0x81] =	vst.msk $0xffff, v60;
	s19 =	simm.s32 @p1 $0x0;
	s23 =	simm.s32 @p2 $0x0  }
0x1b: {  	[tilespmem:s20+$0x2850 ss:$0x81] =	vst.msk $0xffff, v61;
	s29 =	sshrl.u32 s22, $0x3;
	s19 =	smul.u32 s23, s19;
	s18 =	ssub.s32 s21, s27  }
0x1c: {  	[tilespmem:s20+$0x3060 ss:$0x81] =	vst.msk $0xffff, v62;
	s22 =	sshll.u32 s30, $0x12;
	s21 =	sadd.s32 s3, s29;
	s18 =	sshll.u32 s18, $0x7  }
0x1d: {  	[tilespmem:s20+$0x0 ss:$0x81] =	vst.msk $0xffff, v63;
	s31 =	sor.u32 $0x400, s22;
	s19 =	sand.u32 $0x3FFFFFFF, s19;
	s18 =	sadd.s32 s18, s21  }
0x1e: {  	[hbm4b:s18+s31] =	stream.strided.scatter [tilespmem:s17], [sflag:$0x2], s19, s9, s31, $0x20;
	[tilespmem:$0x10100] =	vst v63  }
.LBB1_5:
0x1f: {  	p1 =	slt.u32 s14, $0x2  }
0x20: {  	s18 =	smov.u32 s16;
	p2 =	sgt.s32 @!p1 s16, $0x2690;
	s17 =	sshra.s32 @!p1 s16, $0x1F  }
0x21: {  	p3 =	sgt.s32 @!p1 s15, $0x380;
	s19 =	sshra.s32 @!p1 s15, $0x1F;
	p2 =	por !p2, p1  }
0x22: {  	s16 =	sand.u32 @!p1 s17, s16;
	p3 =	por !p3, p1;
	s17 =	smov.u32 s15  }
0x23: {  	s15 =	sand.u32 @!p1 s19, s15;
	s18 =	simm.s32 @p2 $0x2690;
	s17 =	simm.s32 @p3 $0x380  }
0x24: {  	s16 =	ssub.s32 @!p1 s18, s16;
	s15 =	ssub.s32 @!p1 s17, s15  }
0x25: {  	s19 =	smov.u32 s13;
	s17 =	sadd.s32 @!p1 $0xFFFFD970, s16;
	s18 =	sadd.s32 @!p1 $0xFFFFFC80, s15  }
0x26: {  	s16 =	ssub.s32 @!p1 $0x2710, s16;
	p2 =	sgt.s32 @!p1 s17, $0x7F;
	p3 =	sgt.s32 @!p1 s18, $0x7F  }
0x27: {  	s15 =	ssub.s32 @!p1 $0x400, s15;
	p2 =	por !p2, p1;
	p3 =	por !p3, p1  }
0x28: {  	s17 =	sadd.s32 $0x200, s12;
	s16 =	simm.s32 @!p2 $0x0;
	s15 =	simm.s32 @!p3 $0x0  }
0x29: {  	p2 =	sgt.s32 s17, $0x270F;
	s15 =	smul.u32 @!p1 s15, s16;
	s16 =	sadd.s32 $0x400, s13  }
0x2a: {  	s19 =	smov.u32 @p2 s16  }
0x2b: {  	s17 =	smov.u32 @p2 s4;
	p2 =	sgt.s32 s19, $0x3FF  }
0x2c: {  	s19 =	smov.u32 @p2 s1;
	p2 =	sne.s32 s14, s8  }
.Ltmp1:
0x2d: {  	p0 =	por !p0, !p0;
	s18 =	simm.s32 @!p1 $0x2;
	(pc) =	sbr.rel @!p2 .LBB1_6-.Ltmp1, $4  }
0x2e: {  	s16 =	smov.u32 s10;
	s10 =	smov.u32 s12;
	s15 =	sand.u32 @!p1 $0x3FFFFFFF, s15  }
0x2f: {  	s12 =	smov.u32 s17;
	_ =	swait.ge @!p1 [sflag:s18], s15;
	s20 =	ssub.s32 @!p1 $0x0, s15  }
0x30: {  	s15 =	smov.u32 s11;
	s14 =	sadd.s32 $0x1, s14;
	[sflag:s18] =	ssyncset.done @!p1 $0x0  }
0x31: {  	s11 =	smov.u32 s13;
	s13 =	smov.u32 s19;
	[sflag:s18] =	ssyncadd.s32 @!p1 s20  }
.LBB1_1:
0x32: {  	p1 =	sge.u32 s14, s6  }
0x33: {  	s17 =	sshrl.u32 @!p1 s13, $0x3  }
0x34: {  	s18 =	sshll.u32 @!p1 s12, $0x3;
	s17 =	smul.u32 @!p1 $0x13C00, s17  }
0x35: {  	s19 =	sshll.u32 @!p1 s13, $0x7;
	s18 =	sand.u32 @!p1 $0xFFFFFC00, s18  }
0x36: {  	s17 =	sadd.s32 @!p1 s17, s18;
	s18 =	sand.u32 @!p1 $0x380, s19  }
0x37: {  	s19 =	sand.u32 @!p1 $0x7F, s12;
	s17 =	sor.u32 @!p1 s18, s17  }
0x38: {  	s18 =	sor.u32 @!p1 s19, s17  }
0x39: {  	s19 =	smulhi.u32 @!p1 $0xCF6474A9, s18;
	_ =	sdelay $0x1  }
0x3a: {  	s17 =	smulhi.u32 @!p1 $0xCF6474A9, s17;
	s19 =	sshrl.u32 @!p1 s19, $0xD  }
0x3b: {  	s19 =	smul.u32 @!p1 $0x2780, s19  }
0x3c: {  	s31 =	sadd.s32 $0xFFFFFFFF, s14;
	s20 =	sxor.u32 @!p1 $0xFFFFFFFF, s14;
	s17 =	sshrl.u32 @!p1 s17, $0xD  }
0x3d: {  	s20 =	sshll.u32 @!p1 s20, $0xE;
	s17 =	sand.u32 @!p1 $0x3FF, s17;
	s18 =	ssub.s32 @!p1 s18, s19  }
0x3e: {  	s17 =	smul.u32 @!p1 $0x4F0, s17;
	s19 =	sshrl.u32 @!p1 s18, $0x3;
	s18 =	sand.u32 @!p1 $0x7, s18  }
0x3f: {  	s20 =	sand.u32 @!p1 $0x4000, s20;
	s19 =	sadd.s32 @!p1 s7, s19;
	s18 =	sshll.u32 @!p1 s18, $0x12  }
0x40: {  	s17 =	sadd.s32 @!p1 s17, s19;
	s18 =	sor.u32 @!p1 $0x400, s18;
	s19 =	simm.s32 @!p1 $0x13C00  }
0x41: {  	[tilespmem:s20], [sflag:$0x1] =	stream.strided.gather @!p1 [hbm4b:s17+s18], $0x4000, s19, s18, $0x38;
	[tilespmem:$0x10100] =	vst v63  }
0x42: {  	p1 =	sge.u32 s31, s6  }
.Ltmp2:
0x43: {  	_ = 	snop;
	(pc) =	sbr.rel @p1 .LBB1_5-.Ltmp2, $1  }
0x44: {  	_ =	sdelay $0x3  }
0x45: {  	s17 =	simm.s32 $0x1  }
0x46: {  	_ =	swait.ge [sflag:s5], $0x4000;
	s17 =	simm.s32 @!p0 $0x0  }
0x47: {  	[sflag:s5] =	ssyncset.done $0x0;
	s18 =	sshll.u32 s17, $0xE  }
0x48: {  	[sflag:s5] =	ssyncadd.s32 $0xFFFFC000;
	s18 =	sor.u32 $0x40, s18  }
0x49: {  	s17 =	smul.u32 $0x10200, s17;
	v0 =	vld [tilespmem:s18+$0x30]  }
0x4a: {  	v1 =	vld [tilespmem:s18+$0xFFFFFFD0]  }
0x4b: {  	s17 =	sshrl.u32 s17, $0x2;
	v5 =	vld [tilespmem:s18+$0xFFFFFFE0]  }
0x4c: {  	v6 =	vld [tilespmem:s18+$0xFFFFFFF0];
	s20 =	sor.u32 $0x8000, s17  }
0x4d: {  	s31 =	sand.u32 $0x1, s14;
	v4 =	vld [tilespmem:s18+$0x0];
	s19 =	sadd.s32 $0x0, s20  }
0x4e: {  	v3 =	vld [tilespmem:s18+$0x10];
	s17 =	smul.u32 $0x10200, s31;
	[tilespmem:s19+$0x3870 ss:$0x81] =	vst.msk $0xffff, v0  }
0x4f: {  	v2 =	vld [tilespmem:s18+$0x20];
	[tilespmem:s19+$0x810 ss:$0x81] =	vst.msk $0xffff, v1  }
0x50: {  	s17 =	sshrl.u32 s17, $0x2;
	v1 =	vld [tilespmem:s18+$0xFFFFFFC0];
	[tilespmem:s19+$0x1020 ss:$0x81] =	vst.msk $0xffff, v5;
	s18 =	sadd.s32 $0x80, s18  }
0x51: {  	s21 =	simm.s32 $0x4;
	s22 =	simm.s32 $0x8;
	s17 =	sor.u32 $0x8000, s17;
	[tilespmem:s19+$0x1830 ss:$0x81] =	vst.msk $0xffff, v6;
	v0 =	vld [tilespmem:s18+$0x30]  }
.LBB1_3:
0x52: {  	p1 =	sne.s32 s22, $0x1FC;
	v5 =	vld [tilespmem:s18+$0xFFFFFFD0];
	[tilespmem:s19+$0x2040 ss:$0x81] =	vst.msk $0xffff, v4  }
0x53: {  	v6 =	vld [tilespmem:s18+$0xFFFFFFE0];
	[tilespmem:s19+$0x2850 ss:$0x81] =	vst.msk $0xffff, v3  }
0x54: {  	s23 =	sshra.s32 s21, $0x2;
	s21 =	smov.u32 s22;
	v7 =	vld [tilespmem:s18+$0xFFFFFFF0];
	[tilespmem:s19+$0x3060 ss:$0x81] =	vst.msk $0xffff, v2  }
.Ltmp3:
0x55: {  	v4 =	vld [tilespmem:s18+$0x0];
	[tilespmem:s19+$0x0 ss:$0x81] =	vst.msk $0xffff, v1;
	s19 =	sadd.s32 s23, s20;
	(pc) =	sbr.rel @p1 .LBB1_3-.Ltmp3, $4  }
0x56: {  	v3 =	vld [tilespmem:s18+$0x10];
	[tilespmem:s19+$0x3870 ss:$0x81] =	vst.msk $0xffff, v0  }
0x57: {  	[tilespmem:s19+$0x810 ss:$0x81] =	vst.msk $0xffff, v5;
	v2 =	vld [tilespmem:s18+$0x20]  }
0x58: {  	v1 =	vld [tilespmem:s18+$0xFFFFFFC0];
	[tilespmem:s19+$0x1020 ss:$0x81] =	vst.msk $0xffff, v6;
	s18 =	sadd.s32 $0x80, s18  }
0x59: {  	s22 =	sadd.s32 $0x4, s22;
	v0 =	vld [tilespmem:s18+$0x30];
	[tilespmem:s19+$0x1830 ss:$0x81] =	vst.msk $0xffff, v7  }
.Ltmp4:
0x5a: {  	_ = 	snop;
	(pc) =	sbr.rel .LBB1_4-.Ltmp4, $1  }
0x5b: {  	_ =	sdelay $0x3  }
.LBB1_6:
0x5c: {  	_ =	sfence.sel $0x180000  }
0x5d: {  	s1 =	simm.s32 $0x1;
	[bflag:$0x0] =	sbarrier.arrive $0xFFFF  }
0x5e: {  	s31 =	simm.s32 $0x2;
	[sflag:s1] =	ssyncpa.u1 $0x1  }
0x5f: {  	[sflag:s31] =	ssyncpa.u1 $0x1  }
0x60: {  	p0 =	sne.s32 s0, $0x0;
	_ =	strace $0x90000050  }
0x61: {  	s0 =	sadd.s32 @!p0 $0x100000, s2;
	[bflag:$0x2] =	sbarrier.arrive $0xFFFF  }
0x62: {  	[sflag:s0] =	ssyncadd.tile.s32 @!p0 $0x1;
	_ =	shalt  }
.Lfunc_end1:
_tile_overlayer_lowered:
.L_overlay_start_2:
0x63: {  	(tag) =	ssettag $0x2  }
0x64: {  	s0 =	rddreg [dreg:$0x0];
	s2 =	stileid.u32  }
0x65: {  	s1 =	rddreg [dreg:$0x1];
	p0 =	sne.s32 s2, $0x0  }
0x66: {  	s3 =	rddreg [dreg:$0x2];
	[bflag:$0x3] =	sbarrier.arrive $0xFFFF;
	s2 =	simm.s32 @!p0 $0x1C01  }
0x67: {  	[timem:s3], [sflag:s2] =	dma.local @!p0 [hbm:s0], s1  }
0x68: {  	s0 =	simm.s32 @!p0 $0x1  }
0x69: {  	_ =	swait.ge @!p0 [sflag:s0], s1  }
0x6a: {  	s1 =	ssub.s32 @!p0 $0x0, s1;
	[sflag:s0] =	ssyncset.done @!p0 $0x0  }
0x6b: {  	[sflag:s0] =	ssyncadd.s32 @!p0 s1  }
0x6c: {  	[bflag:$0x3] =	sbarrier.arrive $0xFFFF  }
0x6d: {  	_ =	shalt  }

// kernel: sparse-core-data-format-call.cloned.1.call-start
scs
called_computation_lowered:
.L_overlay_start_0:
0x0: {  	s2 =	sld [smem:$0x3FD9]  }
0x1: {  	s3 =	sld [smem:$0x3FFE];
	_ =	sdelay $0x1  }
0x2: {  	s1 =	srdreg.scid  }
0x3: {  	s0 =	sand.u32 $0x1, s1  }
0x4: {  	s16 =	sshll.u32 s0, $0xA;
	s2 =	sadd.s32 s3, s2  }
0x5: {  	s2 =	sadd.s32 s2, s16  }
0x6: {  	[smem:$0x3FB5] =	sst s2  }
0x7: {  	_ = 	snop  }
0x8: {  	s2 =	sld [smem:$0x3FD0];
	_ =	sdelay $0x2  }
0x9: {  	s17 =	simm.s32 $0xB;
	s4 =	simm.s32 $0x10  }
0xa: {  	[smem:s4], [sflag:s17] =	dma.local [hbm:s2], $0x1  }
0xb: {  	_ =	swait.eq [sflag:s17], $0x1  }
0xc: {  	[sflag:s17] =	ssyncset.done $0x0  }
0xd: {  	[sflag:s17] =	ssyncadd.s32 $0xFFFFFFFF  }
0xe: {  	s18 =	sld [smem:$0x12];
	(tm) =	ssettm $0x1  }
0xf: {  	s19 =	sld [smem:$0x3FFB];
	_ =	sdelay $0x3  }
0x10: {  	_ =	strace s19  }
0x11: {  	s2 =	sld [smem:$0x3FFC];
	_ =	sdelay $0x3  }
0x12: {  	_ =	strace s2  }
0x13: {  	s2 =	sld [smem:$0x3FFD];
	_ =	sdelay $0x3  }
0x14: {  	_ =	strace s2  }
0x15: {  	_ =	strace $0x8FFFFFFF  }
0x16: {  	s20 =	sld [smem:$0x3FDB];
	_ =	sdelay $0x1  }
0x17: {  	s21 =	simm.s32 $_scs_section_size  }
0x18: {  	s5 =	simm.s32 $_size__tile_overlayer_lowered;
	s6 =	simm.s32 $_tile_overlayer_lowered  }
0x19: {  	s7 =	simm.s32 $0x1BFF;
	s22 =	sshll.u32 s6, $0x1;
	s4 =	sadd.s32 s21, s20  }
0x1a: {  	s23 =	simm.s32 $0x0;
	s5 =	sshll.u32 s5, $0x1;
	s6 =	sadd.s32 s22, s4  }
0x1b: {  	[timem:s23], [sflag:s7] =	dma.local [hbm:s6], s5  }
0x1c: {  	_ =	swait.ge [sflag:s7], s5  }
0x1d: {  	s5 =	ssub.s32 $0x0, s5;
	[sflag:s7] =	ssyncset.done $0x0  }
0x1e: {  	[sflag:s7] =	ssyncadd.s32 s5;
	_ =	sdelay $0x1  }
0x1f: {  	s24 =	simm.s32 $0x1B8B  }
0x20: {  	_ =	swait.ge [sflag:s24], $0x1  }
0x21: {  	[sflag:s24] =	ssyncset.done $0x0  }
0x22: {  	[sflag:s24] =	ssyncadd.s32 $0xFFFFFFFF  }
0x23: {  	s5 =	sld [smem:$0x0]  }
0x24: {  	s6 =	sand.u32 $0xFFFFFFFE, s1  }
0x25: {  	p0 =	sne.s32 s1, s6  }
0x26: {  	s6 =	sshll.u32 @p0 s6, $0xE  }
0x27: {  	s6 =	sadd.s32 @p0 $0x11B8D, s6;
	s7 =	sshll.u32 @p0 s5, $0x11  }
0x28: {  	s6 =	sor.u32 @p0 s7, s6  }
0x29: {  	[sflag:s6] =	ssyncadd.remote.s32 @p0 $0x1;
	_ =	sdelay $0x1  }
0x2a: {  	s6 =	simm.s32 @p0 $0x1B8D  }
0x2b: {  	_ =	swait.eq @p0 [sflag:s6], $0x1  }
0x2c: {  	[sflag:s6] =	ssyncadd.s32 @p0 $0xFFFFFFFF  }
0x2d: {  	s7 =	sshll.u32 @!p0 s1, $0xE  }
0x2e: {  	s7 =	sor.u32 @!p0 $0x4000, s7;
	s6 =	simm.s32 @!p0 $0x1B8D  }
0x2f: {  	s5 =	sshll.u32 @!p0 s5, $0x11;
	s7 =	sadd.s32 @!p0 $0x11B8D, s7;
	_ =	swait.eq @!p0 [sflag:s6], $0x1  }
0x30: {  	s5 =	sor.u32 @!p0 s5, s7;
	[sflag:s6] =	ssyncadd.s32 @!p0 $0xFFFFFFFF  }
0x31: {  	s26 =	simm.s32 $0x1B8E;
	s25 =	sld [smem:$0x3FFE];
	[sflag:s5] =	ssyncadd.remote.s32 @!p0 $0x1  }
0x32: {  	s27 =	simm.s32 $execute0_lowered;
	[smem:$0x3FD2] =	sst s26  }
0x33: {  	s6 =	sshll.u32 s27, $0x1;
	_ =	strace $0x8000004C;
	[dreg:$0x1] =	wrdreg $0xFFFFFFFF  }
0x34: {  	s28 =	simm.s32 $_size_execute0_lowered;
	s4 =	sadd.s32 s4, s6;
	[dreg:$0x0] =	wrdreg $0x0  }
0x35: {  	s6 =	sshll.u32 s28, $0x1;
	[dreg:$0x2] =	wrdreg s4  }
0x36: {  	[dreg:$0x3] =	wrdreg s6  }
0x37: {  	[dreg:$0x4] =	wrdreg $0xC0  }
0x38: {  	_ =	task [dreg:s23], $0x5FFFF  }
0x39: {  	[dreg:$0x1] =	wrdreg $0xFFFFFFFF  }
0x3a: {  	[dreg:$0x0] =	wrdreg $0x60  }
0x3b: {  	[dreg:$0x2] =	wrdreg s25  }
0x3c: {  	[dreg:$0x3] =	wrdreg s18  }
0x3d: {  	[dreg:$0x4] =	wrdreg $0x9  }
0x3e: {  	_ =	task.clear_ibuf [dreg:s23], $0x5FFFF;
	_ =	strace $0x9000004C  }
0x3f: {  	s29 =	simm.s32 $0x9;
	_ =	strace $0x8000004E  }
0x40: {  	_ =	swait.ge [sflag:s29], $0x1  }
0x41: {  	[sflag:s29] =	ssyncadd.s32 $0xFFFFFFFF  }
0x42: {  	_ =	strace $0x9000004E  }
0x43: {  	_ =	sfence  }
0x44: {  	s30 =	sld [smem:$0x0];
	_ =	sdelay $0x2  }
0x45: {  	s31 =	sshll.u32 s1, $0xD;
	s1 =	sshrl.u32 s1, $0x2  }
0x46: {  	s4 =	sand.u32 $0x4000, s31;
	s1 =	sadd.s32 s1, s30  }
0x47: {  	s0 =	sor.u32 s4, s0;
	s1 =	sshll.u32 s1, $0x11  }
0x48: {  	s0 =	sor.u32 s1, s0  }
0x49: {  	s0 =	sadd.s32 $0x8F2B, s0  }
0x4a: {  	[sflag:s0] =	ssyncadd.remote.s32 $0x1  }
0x4b: {  	_ =	sfence.sel $0xFFFF  }
0x4c: {  	[dreg:$0x0] =	wrdreg $0xFFFFFFFF;
	(pc) =	sbr.abs _section_cstart, $3  }
0x4d: {  	[dreg:$0x1] =	wrdreg $0xFFFFFFFF  }
0x4e: {  	_ =	task.clear_ibuf [dreg:s23], $0x2FFFF;
	_ =	strace $0x9FFFFFFF  }
0x4f: {  	(tm) =	ssettm $0x7FFFFFFF  }
tec
execute0_lowered:
.L_overlay_start_1:
0x0: {  	(tag) =	ssettag $0x1  }
0x1: {  	s0 =	stileid.u32  }
0x2: {  	s2 =	srdreg.scid;
	s7 =	rddreg [dreg:$0x0]  }
0x3: {  	s6 =	simm.s32 $0x1;
	s31 =	simm.s32 $0x2;
	s16 =	simm.s32 $0x0  }
0x4: {  	s9 =	simm.s32 $0x2000;
	s15 =	simm.s32 $0x0;
	s10 =	simm.s32 $0x0  }
0x5: {  	s11 =	simm.s32 $0x0;
	s14 =	simm.s32 $0x0;
	s1 =	sshll.u32 s0, $0x7  }
0x6: {  	s3 =	sshll.u32 s0, $0x4;
	s2 =	sshll.u32 s2, $0x8;
	s1 =	sand.u32 $0x380, s1  }
0x7: {  	s7 =	sadd.s32 $0x28A000, s7;
	s2 =	sor.u32 s3, s2;
	s5 =	ssub.s32 $0x400, s1  }
0x8: {  	s3 =	rddreg [dreg:$0x1];
	s4 =	sand.u32 $0x180, s2;
	s29 =	sand.u32 $0x380, s5  }
0x9: {  	s30 =	ssub.s32 $0x2700, s4;
	s5 =	sshrl.u32 s5, $0xA;
	p0 =	sne.s32 s29, $0x0  }
.Ltmp0:
0xa: {  	s8 =	sshrl.u32 s30, $0x9;
	s6 =	simm.s32 @!p0 $0x0;
	(pc) =	sbr.rel .LBB1_1-.Ltmp0, $4  }
0xb: {  	s2 =	rddreg [dreg:$0x2];
	s8 =	sadd.s32 $0x1, s8;
	s6 =	sadd.s32 s6, s5  }
0xc: {  	_ =	strace $0x8000004D;
	s5 =	simm.s32 $0x1;
	s6 =	smul.u32 s6, s8  }
0xd: {  	s13 =	smov.u32 s1;
	s12 =	smov.u32 s4;
	[sflag:s5] =	ssyncpa.u1 $0x0  }
0xe: {  	p0 =	por $0x0, $0x0;
	[sflag:s31] =	ssyncpa.u1 $0x0;
	s8 =	sadd.s32 $0x1, s6  }
.LBB1_4:
0xf: {  	s21 =	sshra.s32 s21, $0x2;
	s27 =	sshll.u32 s10, $0xA;
	s22 =	sshll.u32 s11, $0x3  }
0x10: {  	s23 =	sshll.u32 s10, $0x7;
	s24 =	sand.u32 $0x78, s11;
	p1 =	sgt.s32 s10, $0x2690  }
0x11: {  	s25 =	sshra.s32 s10, $0x1F;
	s26 =	sshra.s32 s11, $0x1F;
	s20 =	sadd.s32 s21, s20  }
0x12: {  	v5 =	vld [tilespmem:s18+$0xFFFFFFD0];
	[tilespmem:s19+$0x2040 ss:$0x81] =	vst.msk $0xffff, v4;
	s21 =	sand.u32 $0xFFFFE000, s27;
	s22 =	sand.u32 $0xFFFFFC00, s22;
	s28 =	sand.u32 $0x380, s23  }
0x13: {  	v58 =	vld [tilespmem:s18+$0xFFFFFFE0];
	[tilespmem:s19+$0x2850 ss:$0x81] =	vst.msk $0xffff, v3;
	s23 =	smov.u32 s10;
	s30 =	sand.u32 s25, s10;
	s25 =	smov.u32 s11  }
0x14: {  	v59 =	vld [tilespmem:s18+$0xFFFFFFF0];
	[tilespmem:s19+$0x3060 ss:$0x81] =	vst.msk $0xffff, v2;
	s31 =	sand.u32 s26, s11;
	s21 =	sadd.s32 s22, s21;
	s22 =	sor.u32 s24, s28  }
0x15: {  	v60 =	vld [tilespmem:s18+$0x0];
	[tilespmem:s19+$0x0 ss:$0x81] =	vst.msk $0xffff, v1;
	s23 =	simm.s32 @!p1 $0x2690;
	p1 =	sgt.s32 s11, $0x380;
	s21 =	sshrl.u32 s21, $0xA  }
0x16: {  	v61 =	vld [tilespmem:s18+$0x10];
	[tilespmem:s20+$0x3870 ss:$0x81] =	vst.msk $0xffff, v0;
	s19 =	ssub.s32 s23, s30;
	s25 =	simm.s32 @!p1 $0x380;
	s29 =	smulhi.u32 $0x1A36E3, s21  }
0x17: {  	v62 =	vld [tilespmem:s18+$0x20];
	s23 =	ssub.s32 s25, s31;
	s26 =	sadd.s32 $0xFFFFD970, s19;
	s19 =	ssub.s32 $0x2710, s19;
	[tilespmem:s20+$0x810 ss:$0x81] =	vst.msk $0xffff, v5  }
0x18: {  	v63 =	vld [tilespmem:s18+$0xFFFFFFC0];
	[tilespmem:s20+$0x1020 ss:$0x81] =	vst.msk $0xffff, v58;
	p1 =	sgt.s32 s26, $0x7F;
	s28 =	sadd.s32 $0xFFFFFC80, s23;
	s24 =	sshrl.u32 s29, $0x2  }
0x19: {  	[tilespmem:s20+$0x1830 ss:$0x81] =	vst.msk $0xffff, v59;
	s23 =	ssub.s32 $0x400, s23;
	p2 =	sgt.s32 s28, $0x7F;
	s27 =	smul.u32 $0x2710, s24  }
0x1a: {  	s30 =	sand.u32 $0x7, s11;
	[tilespmem:s20+$0x2040 ss:$0x81] =	vst.msk $0xffff, v60;
	s19 =	simm.s32 @p1 $0x0;
	s23 =	simm.s32 @p2 $0x0  }
0x1b: {  	[tilespmem:s20+$0x2850 ss:$0x81] =	vst.msk $0xffff, v61;
	s29 =	sshrl.u32 s22, $0x3;
	s19 =	smul.u32 s23, s19;
	s18 =	ssub.s32 s21, s27  }
0x1c: {  	[tilespmem:s20+$0x3060 ss:$0x81] =	vst.msk $0xffff, v62;
	s22 =	sshll.u32 s30, $0x12;
	s21 =	sadd.s32 s3, s29;
	s18 =	sshll.u32 s18, $0x7  }
0x1d: {  	[tilespmem:s20+$0x0 ss:$0x81] =	vst.msk $0xffff, v63;
	s31 =	sor.u32 $0x400, s22;
	s19 =	sand.u32 $0x3FFFFFFF, s19;
	s18 =	sadd.s32 s18, s21  }
0x1e: {  	[hbm4b:s18+s31] =	stream.strided.scatter [tilespmem:s17], [sflag:$0x2], s19, s9, s31, $0x20;
	[tilespmem:$0x10100] =	vst v63  }
.LBB1_5:
0x1f: {  	p1 =	slt.u32 s14, $0x2  }
0x20: {  	s18 =	smov.u32 s16;
	p2 =	sgt.s32 @!p1 s16, $0x2690;
	s17 =	sshra.s32 @!p1 s16, $0x1F  }
0x21: {  	p3 =	sgt.s32 @!p1 s15, $0x380;
	s19 =	sshra.s32 @!p1 s15, $0x1F;
	p2 =	por !p2, p1  }
0x22: {  	s16 =	sand.u32 @!p1 s17, s16;
	p3 =	por !p3, p1;
	s17 =	smov.u32 s15  }
0x23: {  	s15 =	sand.u32 @!p1 s19, s15;
	s18 =	simm.s32 @p2 $0x2690;
	s17 =	simm.s32 @p3 $0x380  }
0x24: {  	s16 =	ssub.s32 @!p1 s18, s16;
	s15 =	ssub.s32 @!p1 s17, s15  }
0x25: {  	s19 =	smov.u32 s13;
	s17 =	sadd.s32 @!p1 $0xFFFFD970, s16;
	s18 =	sadd.s32 @!p1 $0xFFFFFC80, s15  }
0x26: {  	s16 =	ssub.s32 @!p1 $0x2710, s16;
	p2 =	sgt.s32 @!p1 s17, $0x7F;
	p3 =	sgt.s32 @!p1 s18, $0x7F  }
0x27: {  	s15 =	ssub.s32 @!p1 $0x400, s15;
	p2 =	por !p2, p1;
	p3 =	por !p3, p1  }
0x28: {  	s17 =	sadd.s32 $0x200, s12;
	s16 =	simm.s32 @!p2 $0x0;
	s15 =	simm.s32 @!p3 $0x0  }
0x29: {  	p2 =	sgt.s32 s17, $0x270F;
	s15 =	smul.u32 @!p1 s15, s16;
	s16 =	sadd.s32 $0x400, s13  }
0x2a: {  	s19 =	smov.u32 @p2 s16  }
0x2b: {  	s17 =	smov.u32 @p2 s4;
	p2 =	sgt.s32 s19, $0x3FF  }
0x2c: {  	s19 =	smov.u32 @p2 s1;
	p2 =	sne.s32 s14, s8  }
.Ltmp1:
0x2d: {  	p0 =	por !p0, !p0;
	s18 =	simm.s32 @!p1 $0x2;
	(pc) =	sbr.rel @!p2 .LBB1_6-.Ltmp1, $4  }
0x2e: {  	s16 =	smov.u32 s10;
	s10 =	smov.u32 s12;
	s15 =	sand.u32 @!p1 $0x3FFFFFFF, s15  }
0x2f: {  	s12 =	smov.u32 s17;
	_ =	swait.ge @!p1 [sflag:s18], s15;
	s20 =	ssub.s32 @!p1 $0x0, s15  }
0x30: {  	s15 =	smov.u32 s11;
	s14 =	sadd.s32 $0x1, s14;
	[sflag:s18] =	ssyncset.done @!p1 $0x0  }
0x31: {  	s11 =	smov.u32 s13;
	s13 =	smov.u32 s19;
	[sflag:s18] =	ssyncadd.s32 @!p1 s20  }
.LBB1_1:
0x32: {  	p1 =	sge.u32 s14, s6  }
0x33: {  	s17 =	sshrl.u32 @!p1 s13, $0x3  }
0x34: {  	s18 =	sshll.u32 @!p1 s12, $0x3;
	s17 =	smul.u32 @!p1 $0x13C00, s17  }
0x35: {  	s19 =	sshll.u32 @!p1 s13, $0x7;
	s18 =	sand.u32 @!p1 $0xFFFFFC00, s18  }
0x36: {  	s17 =	sadd.s32 @!p1 s17, s18;
	s18 =	sand.u32 @!p1 $0x380, s19  }
0x37: {  	s19 =	sand.u32 @!p1 $0x7F, s12;
	s17 =	sor.u32 @!p1 s18, s17  }
0x38: {  	s18 =	sor.u32 @!p1 s19, s17  }
0x39: {  	s19 =	smulhi.u32 @!p1 $0xCF6474A9, s18;
	_ =	sdelay $0x1  }
0x3a: {  	s17 =	smulhi.u32 @!p1 $0xCF6474A9, s17;
	s19 =	sshrl.u32 @!p1 s19, $0xD  }
0x3b: {  	s19 =	smul.u32 @!p1 $0x2780, s19  }
0x3c: {  	s31 =	sadd.s32 $0xFFFFFFFF, s14;
	s20 =	sxor.u32 @!p1 $0xFFFFFFFF, s14;
	s17 =	sshrl.u32 @!p1 s17, $0xD  }
0x3d: {  	s20 =	sshll.u32 @!p1 s20, $0xE;
	s17 =	sand.u32 @!p1 $0x3FF, s17;
	s18 =	ssub.s32 @!p1 s18, s19  }
0x3e: {  	s17 =	smul.u32 @!p1 $0x4F0, s17;
	s19 =	sshrl.u32 @!p1 s18, $0x3;
	s18 =	sand.u32 @!p1 $0x7, s18  }
0x3f: {  	s20 =	sand.u32 @!p1 $0x4000, s20;
	s19 =	sadd.s32 @!p1 s7, s19;
	s18 =	sshll.u32 @!p1 s18, $0x12  }
0x40: {  	s17 =	sadd.s32 @!p1 s17, s19;
	s18 =	sor.u32 @!p1 $0x400, s18;
	s19 =	simm.s32 @!p1 $0x13C00  }
0x41: {  	[tilespmem:s20], [sflag:$0x1] =	stream.strided.gather @!p1 [hbm4b:s17+s18], $0x4000, s19, s18, $0x38;
	[tilespmem:$0x10100] =	vst v63  }
0x42: {  	p1 =	sge.u32 s31, s6  }
.Ltmp2:
0x43: {  	_ = 	snop;
	(pc) =	sbr.rel @p1 .LBB1_5-.Ltmp2, $1  }
0x44: {  	_ =	sdelay $0x3  }
0x45: {  	s17 =	simm.s32 $0x1  }
0x46: {  	_ =	swait.ge [sflag:s5], $0x4000;
	s17 =	simm.s32 @!p0 $0x0  }
0x47: {  	[sflag:s5] =	ssyncset.done $0x0;
	s18 =	sshll.u32 s17, $0xE  }
0x48: {  	[sflag:s5] =	ssyncadd.s32 $0xFFFFC000;
	s18 =	sor.u32 $0x40, s18  }
0x49: {  	s17 =	smul.u32 $0x10200, s17;
	v0 =	vld [tilespmem:s18+$0x30]  }
0x4a: {  	v1 =	vld [tilespmem:s18+$0xFFFFFFD0]  }
0x4b: {  	s17 =	sshrl.u32 s17, $0x2;
	v5 =	vld [tilespmem:s18+$0xFFFFFFE0]  }
0x4c: {  	v6 =	vld [tilespmem:s18+$0xFFFFFFF0];
	s20 =	sor.u32 $0x8000, s17  }
0x4d: {  	s31 =	sand.u32 $0x1, s14;
	v4 =	vld [tilespmem:s18+$0x0];
	s19 =	sadd.s32 $0x0, s20  }
0x4e: {  	v3 =	vld [tilespmem:s18+$0x10];
	s17 =	smul.u32 $0x10200, s31;
	[tilespmem:s19+$0x3870 ss:$0x81] =	vst.msk $0xffff, v0  }
0x4f: {  	v2 =	vld [tilespmem:s18+$0x20];
	[tilespmem:s19+$0x810 ss:$0x81] =	vst.msk $0xffff, v1  }
0x50: {  	s17 =	sshrl.u32 s17, $0x2;
	v1 =	vld [tilespmem:s18+$0xFFFFFFC0];
	[tilespmem:s19+$0x1020 ss:$0x81] =	vst.msk $0xffff, v5;
	s18 =	sadd.s32 $0x80, s18  }
0x51: {  	s21 =	simm.s32 $0x4;
	s22 =	simm.s32 $0x8;
	s17 =	sor.u32 $0x8000, s17;
	[tilespmem:s19+$0x1830 ss:$0x81] =	vst.msk $0xffff, v6;
	v0 =	vld [tilespmem:s18+$0x30]  }
.LBB1_3:
0x52: {  	p1 =	sne.s32 s22, $0x1FC;
	v5 =	vld [tilespmem:s18+$0xFFFFFFD0];
	[tilespmem:s19+$0x2040 ss:$0x81] =	vst.msk $0xffff, v4  }
0x53: {  	v6 =	vld [tilespmem:s18+$0xFFFFFFE0];
	[tilespmem:s19+$0x2850 ss:$0x81] =	vst.msk $0xffff, v3  }
0x54: {  	s23 =	sshra.s32 s21, $0x2;
	s21 =	smov.u32 s22;
	v7 =	vld [tilespmem:s18+$0xFFFFFFF0];
	[tilespmem:s19+$0x3060 ss:$0x81] =	vst.msk $0xffff, v2  }
.Ltmp3:
0x55: {  	v4 =	vld [tilespmem:s18+$0x0];
	[tilespmem:s19+$0x0 ss:$0x81] =	vst.msk $0xffff, v1;
	s19 =	sadd.s32 s23, s20;
	(pc) =	sbr.rel @p1 .LBB1_3-.Ltmp3, $4  }
0x56: {  	v3 =	vld [tilespmem:s18+$0x10];
	[tilespmem:s19+$0x3870 ss:$0x81] =	vst.msk $0xffff, v0  }
0x57: {  	[tilespmem:s19+$0x810 ss:$0x81] =	vst.msk $0xffff, v5;
	v2 =	vld [tilespmem:s18+$0x20]  }
0x58: {  	v1 =	vld [tilespmem:s18+$0xFFFFFFC0];
	[tilespmem:s19+$0x1020 ss:$0x81] =	vst.msk $0xffff, v6;
	s18 =	sadd.s32 $0x80, s18  }
0x59: {  	s22 =	sadd.s32 $0x4, s22;
	v0 =	vld [tilespmem:s18+$0x30];
	[tilespmem:s19+$0x1830 ss:$0x81] =	vst.msk $0xffff, v7  }
.Ltmp4:
0x5a: {  	_ = 	snop;
	(pc) =	sbr.rel .LBB1_4-.Ltmp4, $1  }
0x5b: {  	_ =	sdelay $0x3  }
.LBB1_6:
0x5c: {  	_ =	sfence.sel $0x180000  }
0x5d: {  	s1 =	simm.s32 $0x1;
	[bflag:$0x0] =	sbarrier.arrive $0xFFFF  }
0x5e: {  	s31 =	simm.s32 $0x2;
	[sflag:s1] =	ssyncpa.u1 $0x1  }
0x5f: {  	[sflag:s31] =	ssyncpa.u1 $0x1  }
0x60: {  	p0 =	sne.s32 s0, $0x0;
	_ =	strace $0x9000004D  }
0x61: {  	s0 =	sadd.s32 @!p0 $0x100000, s2;
	[bflag:$0x2] =	sbarrier.arrive $0xFFFF  }
0x62: {  	[sflag:s0] =	ssyncadd.tile.s32 @!p0 $0x1;
	_ =	shalt  }
.Lfunc_end1:
_tile_overlayer_lowered:
.L_overlay_start_2:
0x63: {  	(tag) =	ssettag $0x2  }
0x64: {  	s0 =	rddreg [dreg:$0x0];
	s2 =	stileid.u32  }
0x65: {  	s1 =	rddreg [dreg:$0x1];
	p0 =	sne.s32 s2, $0x0  }
0x66: {  	s3 =	rddreg [dreg:$0x2];
	[bflag:$0x3] =	sbarrier.arrive $0xFFFF;
	s2 =	simm.s32 @!p0 $0x1C01  }
0x67: {  	[timem:s3], [sflag:s2] =	dma.local @!p0 [hbm:s0], s1  }
0x68: {  	s0 =	simm.s32 @!p0 $0x1  }
0x69: {  	_ =	swait.ge @!p0 [sflag:s0], s1  }
0x6a: {  	s1 =	ssub.s32 @!p0 $0x0, s1;
	[sflag:s0] =	ssyncset.done @!p0 $0x0  }
0x6b: {  	[sflag:s0] =	ssyncadd.s32 @!p0 s1  }
0x6c: {  	[bflag:$0x3] =	sbarrier.arrive $0xFFFF  }
0x6d: {  	_ =	shalt  }

</sc_bundles>
